<compile_context>
chip_gen: v7x
topology: tpu7x:2x2x1
jax: 0.10.2.dev20260603
libtpu: 0.0.44.dev20260713+nightly
codegen_flags: <defaults>
</compile_context>

<pallas_src>
import functools

import jax
import jax.numpy as jnp
from jax import lax
from jax.experimental import pallas as pl
from jax.experimental.pallas import tpu as pltpu
from jax.experimental.pallas import tpu_sc as plsc

NC = 2
NS = 16
LANES = 16
CHUNK = 128
STEP_ES = 512
ROWS_STEP_S = STEP_ES // CHUNK
STEP_EC = 512
ROWS_STEP_C = STEP_EC // CHUNK
HALF = 8
F32 = jnp.float32


def _round_up(a, b):
    return (a + b - 1) // b * b



def _dot_t(a, w):
    return lax.dot_general(a, w, (((1,), (1,)), ((), ())),
                           preferred_element_type=F32)


def _tc_s1_body(p_ref, d_ref, x_ref, w1l_ref, b1_ref, w1r_ref, h1_ref):
    deg = jnp.maximum(d_ref[0] + d_ref[1], 1.0)
    agg = (p_ref[0] + p_ref[1]) / deg
    h1_ref[...] = jnp.maximum(
        _dot_t(agg, w1l_ref[...]) + b1_ref[...]
        + _dot_t(x_ref[...], w1r_ref[...]), 0.0)


def _tc_s2_body(p_ref, d_ref, h1_ref, w2l_ref, b2_ref, w2r_ref, w3a_ref,
                w3b_ref, b3_ref, a_ref, bt_ref):
    deg = jnp.maximum(d_ref[0] + d_ref[1], 1.0)
    agg = (p_ref[0] + p_ref[1]) / deg
    h2 = (_dot_t(agg, w2l_ref[...]) + b2_ref[...]
          + _dot_t(h1_ref[...], w2r_ref[...]))
    a_t = _dot_t(h2, w3a_ref[...])
    bt_t = _dot_t(h2, w3b_ref[...]) + b3_ref[...]
    a_ref[0] = a_t[:, :HALF]
    a_ref[1] = a_t[:, HALF:]
    bt_ref[0] = bt_t[:, :HALF]
    bt_ref[1] = bt_t[:, HALF:]


def _tc_comb_body(o_ref, out_ref):
    out_ref[...] = o_ref[0] + o_ref[1]



def _round_bf16(v):
    u = plsc.bitcast(v, jnp.int32)
    u = u + 0x7FFF + (lax.shift_right_logical(u, 16) & 1)
    return plsc.bitcast(u & jnp.int32(-65536), F32)

def _sc_scatter_body(steps, rows_tile, rows_sp, do_deg,
                     src_hbm, dst_hbm, tab_hbm, zt_hbm, zd_hbm,
                     p_hbm, d_hbm,
                     table, degt, idx_s, idx_d, vals, ones_v,
                     sem_i, sem_g, sem_s):
    cid = lax.axis_index("c")
    sid = lax.axis_index("s")
    wid = sid * NC + cid
    rs = ROWS_STEP_S

    my_sp = pl.ds(sid * rows_sp, rows_sp)
    pltpu.sync_copy(zt_hbm, table.at[my_sp])
    if do_deg:
        pltpu.sync_copy(zd_hbm, degt.at[my_sp])
        for i in range(CHUNK // LANES):
            ones_v[pl.ds(i * LANES, LANES)] = jnp.full((LANES,), 1.0, F32)
    plsc.subcore_barrier()

    def idx_copies(u, b):
        rb = wid * rows_tile + u * rs
        return [pltpu.make_async_copy(src_hbm.at[pl.ds(rb, rs)],
                                      idx_s.at[pl.ds(b * rs, rs)], sem_i),
                pltpu.make_async_copy(dst_hbm.at[pl.ds(rb, rs)],
                                      idx_d.at[pl.ds(b * rs, rs)], sem_i)]

    def gather_copies(b):
        return [pltpu.make_async_copy(tab_hbm.at[idx_s.at[b * rs + j]],
                                      vals.at[pl.ds((b * rs + j) * CHUNK,
                                                    CHUNK)], sem_g)
                for j in range(rs)]

    def scatter_copies(b):
        cs = []
        for j in range(rs):
            cs.append(pltpu.make_async_copy(
                vals.at[pl.ds((b * rs + j) * CHUNK, CHUNK)],
                table.at[idx_d.at[b * rs + j]], sem_s))
            if do_deg:
                cs.append(pltpu.make_async_copy(
                    ones_v.at[pl.ds(0, CHUNK)],
                    degt.at[idx_d.at[b * rs + j]], sem_s))
        return cs

    def wait_idx():
        pltpu.make_async_copy(src_hbm.at[pl.ds(0, 2 * rs)], idx_s,
                              sem_i).wait()

    def wait_gathers():
        pltpu.make_async_copy(tab_hbm.at[pl.ds(0, STEP_ES)],
                              vals.at[pl.ds(0, STEP_ES)], sem_g).wait()

    def wait_scatters():
        pltpu.make_async_copy(tab_hbm.at[pl.ds(0, STEP_ES)],
                              vals.at[pl.ds(0, STEP_ES)], sem_s).wait()
        if do_deg:
            pltpu.make_async_copy(zd_hbm.at[pl.ds(0, rs * CHUNK)],
                                  ones_v, sem_s).wait()

    for c in idx_copies(0, 0):
        c.start()
    wait_idx()
    for c in gather_copies(0):
        c.start()

    def step(t, carry):
        par = lax.rem(t, 2)
        nxt = 1 - par

        @pl.when(t >= 1)
        def _():
            wait_scatters()

        @pl.when(t < steps - 1)
        def _():
            for c in idx_copies(t + 1, nxt):
                c.start()

        wait_gathers()
        for c in scatter_copies(par):
            c.start(add=True)

        @pl.when(t < steps - 1)
        def _():
            wait_idx()
            for c in gather_copies(nxt):
                c.start()

        return carry

    lax.fori_loop(0, steps, step, 0)
    wait_scatters()
    plsc.subcore_barrier()

    pltpu.sync_copy(table.at[my_sp], p_hbm.at[cid].at[my_sp])
    if do_deg:
        pltpu.sync_copy(degt.at[my_sp], d_hbm.at[cid].at[my_sp])


def _sc_edge_body(steps, rows_tile, rows_sp,
                  src_hbm, dst_hbm, a_hbm, bt_hbm, w4b_hbm, b4b_hbm,
                  out_hbm,
                  ah_sp, bh_sp, idx_s, idx_d, arows, brows, outv,
                  w4b_v, b4b_v,
                  sem_i, sem_g, sem_o):
    cid = lax.axis_index("c")
    sid = lax.axis_index("s")
    rs = ROWS_STEP_C

    my_sp = pl.ds(sid * rows_sp, rows_sp)
    pltpu.sync_copy(a_hbm.at[cid].at[my_sp], ah_sp.at[my_sp])
    pltpu.sync_copy(bt_hbm.at[cid].at[my_sp], bh_sp.at[my_sp])
    pltpu.sync_copy(w4b_hbm.at[cid], w4b_v)
    pltpu.sync_copy(b4b_hbm, b4b_v)
    plsc.subcore_barrier()

    w4v = [w4b_v[c] for c in range(HALF)]
    b4vec = b4b_v[...] * (1.0 - cid.astype(F32))
    iota16 = lax.iota(jnp.int32, LANES)
    csps = [jnp.full((LANES,), c, jnp.int32) for c in range(HALF)]

    def idx_copies(u, b):
        rb = sid * rows_tile + u * rs
        return [pltpu.make_async_copy(src_hbm.at[pl.ds(rb, rs)],
                                      idx_s.at[pl.ds(b * rs, rs)], sem_i),
                pltpu.make_async_copy(dst_hbm.at[pl.ds(rb, rs)],
                                      idx_d.at[pl.ds(b * rs, rs)], sem_i)]

    def gather_copies(b):
        cs = []
        for j in range(rs):
            sl = pl.ds((b * rs + j) * CHUNK, CHUNK)
            cs.append(pltpu.make_async_copy(ah_sp.at[idx_s.at[b * rs + j]],
                                            arows.at[sl], sem_g))
            cs.append(pltpu.make_async_copy(bh_sp.at[idx_d.at[b * rs + j]],
                                            brows.at[sl], sem_g))
        return cs

    def out_copy(u, b):
        rb = sid * rows_tile + u * rs
        return pltpu.make_async_copy(
            outv.at[pl.ds(b * STEP_EC, STEP_EC)],
            out_hbm.at[cid].at[pl.ds(rb * CHUNK, STEP_EC)], sem_o)

    def wait_idx():
        pltpu.make_async_copy(src_hbm.at[pl.ds(0, 2 * rs)], idx_s,
                              sem_i).wait()

    def wait_gathers():
        pltpu.make_async_copy(a_hbm.at[cid].at[pl.ds(0, STEP_EC)],
                              arows.at[pl.ds(0, STEP_EC)], sem_g).wait()
        pltpu.make_async_copy(bt_hbm.at[cid].at[pl.ds(0, STEP_EC)],
                              brows.at[pl.ds(0, STEP_EC)], sem_g).wait()

    for c in idx_copies(0, 0):
        c.start()
    wait_idx()
    for c in gather_copies(0):
        c.start()

    def step(t, carry):
        par = lax.rem(t, 2)
        nxt = 1 - par

        @pl.when(t < steps - 1)
        def _():
            for c in idx_copies(t + 1, nxt):
                c.start()

        wait_gathers()

        @pl.when(t < steps - 1)
        def _():
            wait_idx()
            for c in gather_copies(nxt):
                c.start()

        @pl.when(t >= 2)
        def _():
            out_copy(t - 2, par).wait()

        base = par * STEP_EC

        @pl.loop(0, STEP_EC // LANES)
        def group(g):
            ridx = base + g * LANES + iota16
            acc = b4vec
            for c in range(HALF):
                a_c = plsc.load_gather(arows, [ridx, csps[c]])
                b_c = plsc.load_gather(brows, [ridx, csps[c]])
                z_c = _round_bf16(jnp.maximum(a_c + b_c, 0.0))
                acc = acc + z_c * w4v[c]
            outv[pl.ds(base + g * LANES, LANES)] = acc
        out_copy(t, par).start()
        return carry

    lax.fori_loop(0, steps, step, 0)
    out_copy(steps - 2, lax.rem(steps - 2, 2)).wait()
    out_copy(steps - 1, lax.rem(steps - 1, 2)).wait()



def kernel(x, edge_index, W1l, b1, W1r, W2l, b2, W2r, W3, b3, W4, b4):
    n, ch = x.shape
    e = edge_index.shape[1]
    hid = W1l.shape[0]
    assert ch == LANES and hid == LANES

    e_pad = _round_up(e, NC * NS * 2048)
    steps_s = e_pad // (NC * NS * STEP_ES)
    rows_tile = e_pad // (NC * NS * CHUNK)
    steps_c = e_pad // (NS * STEP_EC)
    rows_tile_c = e_pad // (NS * CHUNK)
    n_sp = _round_up(n + 1, NS * CHUNK)
    rows_sp = n_sp // NS

    src = edge_index[0].astype(jnp.int32)
    dst = edge_index[1].astype(jnp.int32)
    pad = e_pad - e
    if pad:
        src = jnp.concatenate([src, jnp.zeros((pad,), jnp.int32)])
        dst = jnp.concatenate([dst, jnp.full((pad,), n, jnp.int32)])
    src2 = src.reshape(-1, CHUNK)
    dst2 = dst.reshape(-1, CHUNK)

    zt = jnp.zeros((rows_sp, LANES), F32)
    zd = jnp.zeros((rows_sp,), F32)

    mesh = plsc.VectorSubcoreMesh(core_axis_name="c", subcore_axis_name="s",
                                  num_cores=NC, num_subcores=NS)
    sc_params = pltpu.CompilerParams(use_tc_tiling_on_sc=False,
                                     needs_layout_passes=False,
                                     skip_device_barrier=True)
    sc_scratch = [
        pltpu.VMEM_SHARED((n_sp, LANES), F32),
        pltpu.VMEM_SHARED((n_sp,), F32),
        pltpu.VMEM((2 * ROWS_STEP_S, CHUNK), jnp.int32),
        pltpu.VMEM((2 * ROWS_STEP_S, CHUNK), jnp.int32),
        pltpu.VMEM((2 * STEP_ES, LANES), F32),
        pltpu.VMEM((ROWS_STEP_S * CHUNK,), F32),
        pltpu.SemaphoreType.DMA,
        pltpu.SemaphoreType.DMA,
        pltpu.SemaphoreType.DMA,
    ]

    scatter_a = pl.kernel(
        functools.partial(_sc_scatter_body, steps_s, rows_tile, rows_sp,
                          True),
        out_type=(jax.ShapeDtypeStruct((NC, n_sp, LANES), F32),
                  jax.ShapeDtypeStruct((NC, n_sp), F32)),
        mesh=mesh, scratch_types=sc_scratch, compiler_params=sc_params,
    )
    scatter_b = pl.kernel(
        functools.partial(_sc_scatter_body, steps_s, rows_tile, rows_sp,
                          False),
        out_type=(jax.ShapeDtypeStruct((NC, n_sp, LANES), F32),
                  jax.ShapeDtypeStruct((NC, n_sp), F32)),
        mesh=mesh, scratch_types=sc_scratch, compiler_params=sc_params,
    )
    edge_mlp = pl.kernel(
        functools.partial(_sc_edge_body, steps_c, rows_tile_c, rows_sp),
        out_type=jax.ShapeDtypeStruct((NC, e_pad), F32),
        mesh=mesh, compiler_params=sc_params,
        scratch_types=[
            pltpu.VMEM_SHARED((n_sp, HALF), F32),
            pltpu.VMEM_SHARED((n_sp, HALF), F32),
            pltpu.VMEM((2 * ROWS_STEP_C, CHUNK), jnp.int32),
            pltpu.VMEM((2 * ROWS_STEP_C, CHUNK), jnp.int32),
            pltpu.VMEM((2 * STEP_EC, HALF), F32),
            pltpu.VMEM((2 * STEP_EC, HALF), F32),
            pltpu.VMEM((2 * STEP_EC,), F32),
            pltpu.VMEM((HALF, LANES), F32),
            pltpu.VMEM((LANES,), F32),
            pltpu.SemaphoreType.DMA,
            pltpu.SemaphoreType.DMA,
            pltpu.SemaphoreType.DMA,
        ],
    )

    bn = 2000
    grid = (n + bn - 1) // bn
    w_spec = pl.BlockSpec((hid, ch), lambda i: (0, 0))
    b_spec = pl.BlockSpec((1, hid), lambda i: (0, 0))
    nd_spec = pl.BlockSpec((bn, ch), lambda i: (i, 0))
    p_spec = pl.BlockSpec((NC, bn, LANES), lambda i: (0, i, 0))
    d_spec = pl.BlockSpec((NC, bn, 1), lambda i: (0, i, 0))

    tc_s1 = pl.pallas_call(
        _tc_s1_body, grid=grid,
        in_specs=[p_spec, d_spec, nd_spec, w_spec, b_spec, w_spec],
        out_specs=nd_spec,
        out_shape=jax.ShapeDtypeStruct((n, hid), F32),
    )
    half_spec = pl.BlockSpec((NC, bn, HALF), lambda i: (0, i, 0))
    tc_s2 = pl.pallas_call(
        _tc_s2_body, grid=grid,
        in_specs=[p_spec, d_spec, nd_spec, w_spec, b_spec, w_spec, w_spec,
                  w_spec, b_spec],
        out_specs=(half_spec, half_spec),
        out_shape=(jax.ShapeDtypeStruct((NC, n_sp, HALF), F32),
                   jax.ShapeDtypeStruct((NC, n_sp, HALF), F32)),
    )
    ep_rows = e_pad // CHUNK
    br = 512
    tc_comb = pl.pallas_call(
        _tc_comb_body, grid=ep_rows // br,
        in_specs=[pl.BlockSpec((NC, br, CHUNK), lambda i: (0, i, 0))],
        out_specs=pl.BlockSpec((br, CHUNK), lambda i: (i, 0)),
        out_shape=jax.ShapeDtypeStruct((ep_rows, CHUNK), F32),
    )

    p1, d1 = scatter_a(src2, dst2, x, zt, zd)
    d1r = d1.reshape(NC, n_sp, 1)
    h1 = tc_s1(p1, d1r, x, W1l, b1.reshape(1, hid), W1r)
    p2, _ = scatter_b(src2, dst2, h1, zt, zd)
    a_t, bt_t = tc_s2(p2, d1r, h1, W2l, b2.reshape(1, hid), W2r,
                      W3[:, :ch], W3[:, ch:], b3.reshape(1, hid))
    w4r = W4.reshape(hid).astype(jnp.bfloat16).astype(F32)
    w4b = jnp.broadcast_to(w4r.reshape(NC, HALF, 1), (NC, HALF, LANES))
    b4b = jnp.broadcast_to(b4.reshape(1), (LANES,)).astype(F32)
    outp = edge_mlp(src2, dst2, a_t, bt_t, w4b, b4b)
    out = tc_comb(outp.reshape(NC, ep_rows, CHUNK))
    return out.reshape(-1)[:e]

# --- scband reference (transcript-rebuilt; emitter-appended) ---
"""Pipeline reference for scband-link-predictor-48172353192035 (READ-ONLY COPY).

The authoritative reference and input builder live on the scoring server;
editing this copy changes nothing except your own understanding.
"""

import jax, jax.numpy as jnp
import numpy as np

N_NODES = 100000
N_EDGES = 3200000
IN_CH = 16
HID = 16


def setup_inputs(seed: int = 0) -> dict:
    key = jax.random.key(seed)
    ks = jax.random.split(key, 12)
    x = jax.random.normal(ks[0], (N_NODES, IN_CH), dtype=jnp.float32)
    edge_index = jax.random.randint(ks[1], (2, N_EDGES), 0, N_NODES, dtype=jnp.int64 if jax.config.jax_enable_x64 else jnp.int32)
    # SAGEConv layer 1: lin_l (neighbors, has bias), lin_r (root, no bias)
    W1l = jax.random.normal(ks[2], (HID, IN_CH), dtype=jnp.float32) * 0.1
    b1 = jnp.zeros((HID,), dtype=jnp.float32)
    W1r = jax.random.normal(ks[3], (HID, IN_CH), dtype=jnp.float32) * 0.1
    # SAGEConv layer 2
    W2l = jax.random.normal(ks[4], (HID, HID), dtype=jnp.float32) * 0.1
    b2 = jnp.zeros((HID,), dtype=jnp.float32)
    W2r = jax.random.normal(ks[5], (HID, HID), dtype=jnp.float32) * 0.1
    # MLP: Linear(2*HID, 16), ReLU, Linear(16, 1)
    W3 = jax.random.normal(ks[6], (16, 2 * HID), dtype=jnp.float32) * 0.1
    b3 = jnp.zeros((16,), dtype=jnp.float32)
    W4 = jax.random.normal(ks[7], (1, 16), dtype=jnp.float32) * 0.1
    b4 = jnp.zeros((1,), dtype=jnp.float32)
    return {"x": x, "edge_index": edge_index, "W1l": W1l, "b1": b1, "W1r": W1r,
            "W2l": W2l, "b2": b2, "W2r": W2r, "W3": W3, "b3": b3, "W4": W4, "b4": b4}


def _sage_conv(h, src, dst, Wl, Wr, b, n_nodes):
    # mean aggregation of neighbor messages (src -> dst)
    msgs = jnp.take(h, src, axis=0)
    agg_sum = jax.ops.segment_sum(msgs, dst, num_segments=n_nodes)
    deg = jax.ops.segment_sum(jnp.ones((src.shape[0],), dtype=h.dtype), dst, num_segments=n_nodes)
    agg_mean = agg_sum / jnp.clip(deg, 1.0, None)[:, None]
    return agg_mean @ Wl.T + b + h @ Wr.T


def reference(x, edge_index, W1l, b1, W1r, W2l, b2, W2r, W3, b3, W4, b4):
    src = edge_index[0]
    dst = edge_index[1]
    n = x.shape[0]
    # GraphSAGE(num_layers=2): conv -> relu -> conv
    h = _sage_conv(x, src, dst, W1l, W1r, b1, n)
    h = jax.nn.relu(h)
    h = _sage_conv(h, src, dst, W2l, W2r, b2, n)
    # edge embeddings: concat endpoint embeddings
    e = jnp.concatenate([jnp.take(h, src, axis=0), jnp.take(h, dst, axis=0)], axis=1)
    # MLP head
    z = jax.nn.relu(e @ W3.T + b3)
    out = z @ W4.T + b4
    return jnp.squeeze(out, axis=-1)

if __name__ == "__main__":
    import jax
    _d = setup_inputs()
    print(jax.jit(kernel)(*tuple(_d.values())))

</pallas_src>

<mosaic_0001>
#map = affine_map<(d0, d1) -> (0, 0)>
#map1 = affine_map<(d0, d1) -> (0)>
#map2 = affine_map<(d0, d1) -> (0, 0, 0)>
module attributes {stable_mosaic.version = 14 : i64} {
  func.func @_sc_scatter_body(%arg0: i32, %arg1: i32, %arg2: memref<25088x128xi32, #tpu.memory_space<hbm>>, %arg3: memref<25088x128xi32, #tpu.memory_space<hbm>>, %arg4: memref<100000x16xf32, #tpu.memory_space<hbm>>, %arg5: memref<6272x16xf32, #tpu.memory_space<hbm>>, %arg6: memref<6272xf32, #tpu.memory_space<hbm>>, %arg7: memref<2x100352x16xf32, #tpu.memory_space<hbm>>, %arg8: memref<2x100352xf32, #tpu.memory_space<hbm>>, %arg9: memref<100352x16xf32, #tpu.memory_space<vmem_shared>>, %arg10: memref<100352xf32, #tpu.memory_space<vmem_shared>>, %arg11: memref<8x128xi32, #tpu.memory_space<vmem>>, %arg12: memref<8x128xi32, #tpu.memory_space<vmem>>, %arg13: memref<1024x16xf32, #tpu.memory_space<vmem>>, %arg14: memref<512xf32, #tpu.memory_space<vmem>>, %arg15: memref<!tpu.dma_semaphore, #tpu.memory_space<semaphore_mem>>, %arg16: memref<!tpu.dma_semaphore, #tpu.memory_space<semaphore_mem>>, %arg17: memref<!tpu.dma_semaphore, #tpu.memory_space<semaphore_mem>>) attributes {dimension_semantics = [#tpu.dimension_semantics<core_parallel>, #tpu.dimension_semantics<subcore_parallel>], iteration_bounds = array<i64: 2, 16>, scalar_prefetch = 0 : i64, scratch_operands = 9 : i64, tpu.core_type = #tpu.core_type<sc_vector_subcore>, window_params = [{transform_indices = #map}, {transform_indices = #map}, {transform_indices = #map}, {transform_indices = #map}, {transform_indices = #map1}, {transform_indices = #map2}, {transform_indices = #map}]} {
    %mul3A = arith.constant 2 : i32
    %mul3A_0 = arith.muli %arg1, %mul3A : i32
    %add3A = arith.addi %mul3A_0, %arg0 : i32
    %mul3A_1 = arith.constant 6272 : i32
    %mul3A_2 = arith.muli %arg1, %mul3A_1 : i32
    "tpu.region"() ({
      %run_scoped3A = tpu.sem_alloc : memref<!tpu.dma_semaphore, #tpu.memory_space<semaphore_mem>>
      %dma_start3A_89 = arith.constant 0 : i32
      %dma_start3A_90 = tpu.memref_slice %arg9[%mul3A_2, %dma_start3A_89] : memref<100352x16xf32, #tpu.memory_space<vmem_shared>> -> memref<6272x16xf32, #tpu.memory_space<vmem_shared>>
      tpu.enqueue_dma source(%arg5 : memref<6272x16xf32, #tpu.memory_space<hbm>>) target(%dma_start3A_90 : memref<6272x16xf32, #tpu.memory_space<vmem_shared>>) target_semaphore(%run_scoped3A : memref<!tpu.dma_semaphore, #tpu.memory_space<semaphore_mem>>)
      %dma_wait3A_91 = arith.constant 0 : i32
      %dma_wait3A_92 = tpu.memref_slice %arg9[%mul3A_2, %dma_wait3A_91] : memref<100352x16xf32, #tpu.memory_space<vmem_shared>> -> memref<6272x16xf32, #tpu.memory_space<vmem_shared>>
      tpu.wait_dma2 semaphore(%run_scoped3A : memref<!tpu.dma_semaphore, #tpu.memory_space<semaphore_mem>>) src(%arg5 : memref<6272x16xf32, #tpu.memory_space<hbm>>) dst(%dma_wait3A_92 : memref<6272x16xf32, #tpu.memory_space<vmem_shared>>)
      tpu.yield
    }) : () -> ()
    %barrier3A = arith.constant 0 : index
    tpu.barrier barrier_id(%barrier3A)
    %mul3A_3 = arith.constant 784 : i32
    %mul3A_4 = arith.muli %add3A, %mul3A_3 : i32
    %add3A_5 = arith.constant 0 : i32
    %add3A_6 = arith.addi %mul3A_4, %add3A_5 : i32
    %dma_start3A = arith.constant 0 : i32
    %dma_start3A_7 = arith.constant 0 : i32
    %dma_start3A_8 = tpu.memref_slice %arg11[%dma_start3A, %dma_start3A_7] : memref<8x128xi32, #tpu.memory_space<vmem>> -> memref<4x128xi32, #tpu.memory_space<vmem>>
    %dma_start3A_9 = arith.constant 0 : i32
    %dma_start3A_10 = tpu.memref_slice %arg2[%add3A_6, %dma_start3A_9] : memref<25088x128xi32, #tpu.memory_space<hbm>> -> memref<4x128xi32, #tpu.memory_space<hbm>>
    %dma_start3A_11 = arith.constant 0 : i32
    %dma_start3A_12 = arith.constant 0 : i32
    %dma_start3A_13 = tpu.memref_slice %arg11[%dma_start3A_11, %dma_start3A_12] : memref<8x128xi32, #tpu.memory_space<vmem>> -> memref<4x128xi32, #tpu.memory_space<vmem>>
    %dma_start3A_14 = arith.constant 0 : i32
    %dma_start3A_15 = tpu.memref_slice %arg2[%add3A_6, %dma_start3A_14] : memref<25088x128xi32, #tpu.memory_space<hbm>> -> memref<4x128xi32, #tpu.memory_space<hbm>>
    tpu.enqueue_dma source(%dma_start3A_15 : memref<4x128xi32, #tpu.memory_space<hbm>>) target(%dma_start3A_13 : memref<4x128xi32, #tpu.memory_space<vmem>>) target_semaphore(%arg15 : memref<!tpu.dma_semaphore, #tpu.memory_space<semaphore_mem>>)
    %dma_start3A_16 = arith.constant 0 : i32
    %dma_start3A_17 = arith.constant 0 : i32
    %dma_start3A_18 = tpu.memref_slice %arg12[%dma_start3A_16, %dma_start3A_17] : memref<8x128xi32, #tpu.memory_space<vmem>> -> memref<4x128xi32, #tpu.memory_space<vmem>>
    %dma_start3A_19 = arith.constant 0 : i32
    %dma_start3A_20 = tpu.memref_slice %arg3[%add3A_6, %dma_start3A_19] : memref<25088x128xi32, #tpu.memory_space<hbm>> -> memref<4x128xi32, #tpu.memory_space<hbm>>
    %dma_start3A_21 = arith.constant 0 : i32
    %dma_start3A_22 = arith.constant 0 : i32
    %dma_start3A_23 = tpu.memref_slice %arg12[%dma_start3A_21, %dma_start3A_22] : memref<8x128xi32, #tpu.memory_space<vmem>> -> memref<4x128xi32, #tpu.memory_space<vmem>>
    %dma_start3A_24 = arith.constant 0 : i32
    %dma_start3A_25 = tpu.memref_slice %arg3[%add3A_6, %dma_start3A_24] : memref<25088x128xi32, #tpu.memory_space<hbm>> -> memref<4x128xi32, #tpu.memory_space<hbm>>
    tpu.enqueue_dma source(%dma_start3A_25 : memref<4x128xi32, #tpu.memory_space<hbm>>) target(%dma_start3A_23 : memref<4x128xi32, #tpu.memory_space<vmem>>) target_semaphore(%arg15 : memref<!tpu.dma_semaphore, #tpu.memory_space<semaphore_mem>>)
    %dma_wait3A = arith.constant 0 : i32
    %dma_wait3A_26 = arith.constant 0 : i32
    %dma_wait3A_27 = tpu.memref_slice %arg2[%dma_wait3A, %dma_wait3A_26] : memref<25088x128xi32, #tpu.memory_space<hbm>> -> memref<8x128xi32, #tpu.memory_space<hbm>>
    %dma_wait3A_28 = arith.constant 0 : i32
    %dma_wait3A_29 = arith.constant 0 : i32
    %dma_wait3A_30 = tpu.memref_slice %arg2[%dma_wait3A_28, %dma_wait3A_29] : memref<25088x128xi32, #tpu.memory_space<hbm>> -> memref<8x128xi32, #tpu.memory_space<hbm>>
    tpu.wait_dma2 semaphore(%arg15 : memref<!tpu.dma_semaphore, #tpu.memory_space<semaphore_mem>>) src(%dma_wait3A_30 : memref<8x128xi32, #tpu.memory_space<hbm>>) dst(%arg11 : memref<8x128xi32, #tpu.memory_space<vmem>>)
    %dma_start3A_31 = arith.constant 0 : i32
    %dma_start3A_32 = arith.constant 0 : i32
    %dma_start3A_33 = arith.constant 0 : i32
    %dma_start3A_34 = tpu.memref_slice %arg13[%dma_start3A_32, %dma_start3A_33] : memref<1024x16xf32, #tpu.memory_space<vmem>> -> memref<128x16xf32, #tpu.memory_space<vmem>>
    %dma_start3A_35 = arith.constant 0 : i32
    %dma_start3A_36 = tpu.memref_slice %arg11[%dma_start3A_31, %dma_start3A_35] : memref<8x128xi32, #tpu.memory_space<vmem>> -> memref<1x128xi32, #tpu.memory_space<vmem>>
    %dma_start3A_37 = tpu.memref_squeeze %dma_start3A_36 : memref<1x128xi32, #tpu.memory_space<vmem>> -> memref<128xi32, #tpu.memory_space<vmem>>
    %dma_start3A_38 = arith.constant 0 : i32
    %dma_start3A_39 = arith.constant 0 : i32
    %dma_start3A_40 = tpu.memref_slice %arg4[%dma_start3A_38, %dma_start3A_39] : memref<100000x16xf32, #tpu.memory_space<hbm>> -> memref<100000x16xf32, #tpu.memory_space<hbm>>
    tpu.enqueue_indirect_dma source(%dma_start3A_40 : memref<100000x16xf32, #tpu.memory_space<hbm>>) target(%dma_start3A_34 : memref<128x16xf32, #tpu.memory_space<vmem>>) offsets(%dma_start3A_37 : memref<128xi32, #tpu.memory_space<vmem>>) semaphore(%arg16 : memref<!tpu.dma_semaphore, #tpu.memory_space<semaphore_mem>>)
    %dma_start3A_41 = arith.constant 1 : i32
    %dma_start3A_42 = arith.constant 128 : i32
    %dma_start3A_43 = arith.constant 0 : i32
    %dma_start3A_44 = tpu.memref_slice %arg13[%dma_start3A_42, %dma_start3A_43] : memref<1024x16xf32, #tpu.memory_space<vmem>> -> memref<128x16xf32, #tpu.memory_space<vmem>>
    %dma_start3A_45 = arith.constant 0 : i32
    %dma_start3A_46 = tpu.memref_slice %arg11[%dma_start3A_41, %dma_start3A_45] : memref<8x128xi32, #tpu.memory_space<vmem>> -> memref<1x128xi32, #tpu.memory_space<vmem>>
    %dma_start3A_47 = tpu.memref_squeeze %dma_start3A_46 : memref<1x128xi32, #tpu.memory_space<vmem>> -> memref<128xi32, #tpu.memory_space<vmem>>
    %dma_start3A_48 = arith.constant 0 : i32
    %dma_start3A_49 = arith.constant 0 : i32
    %dma_start3A_50 = tpu.memref_slice %arg4[%dma_start3A_48, %dma_start3A_49] : memref<100000x16xf32, #tpu.memory_space<hbm>> -> memref<100000x16xf32, #tpu.memory_space<hbm>>
    tpu.enqueue_indirect_dma source(%dma_start3A_50 : memref<100000x16xf32, #tpu.memory_space<hbm>>) target(%dma_start3A_44 : memref<128x16xf32, #tpu.memory_space<vmem>>) offsets(%dma_start3A_47 : memref<128xi32, #tpu.memory_space<vmem>>) semaphore(%arg16 : memref<!tpu.dma_semaphore, #tpu.memory_space<semaphore_mem>>)
    %dma_start3A_51 = arith.constant 2 : i32
    %dma_start3A_52 = arith.constant 256 : i32
    %dma_start3A_53 = arith.constant 0 : i32
    %dma_start3A_54 = tpu.memref_slice %arg13[%dma_start3A_52, %dma_start3A_53] : memref<1024x16xf32, #tpu.memory_space<vmem>> -> memref<128x16xf32, #tpu.memory_space<vmem>>
    %dma_start3A_55 = arith.constant 0 : i32
    %dma_start3A_56 = tpu.memref_slice %arg11[%dma_start3A_51, %dma_start3A_55] : memref<8x128xi32, #tpu.memory_space<vmem>> -> memref<1x128xi32, #tpu.memory_space<vmem>>
    %dma_start3A_57 = tpu.memref_squeeze %dma_start3A_56 : memref<1x128xi32, #tpu.memory_space<vmem>> -> memref<128xi32, #tpu.memory_space<vmem>>
    %dma_start3A_58 = arith.constant 0 : i32
    %dma_start3A_59 = arith.constant 0 : i32
    %dma_start3A_60 = tpu.memref_slice %arg4[%dma_start3A_58, %dma_start3A_59] : memref<100000x16xf32, #tpu.memory_space<hbm>> -> memref<100000x16xf32, #tpu.memory_space<hbm>>
    tpu.enqueue_indirect_dma source(%dma_start3A_60 : memref<100000x16xf32, #tpu.memory_space<hbm>>) target(%dma_start3A_54 : memref<128x16xf32, #tpu.memory_space<vmem>>) offsets(%dma_start3A_57 : memref<128xi32, #tpu.memory_space<vmem>>) semaphore(%arg16 : memref<!tpu.dma_semaphore, #tpu.memory_space<semaphore_mem>>)
    %dma_start3A_61 = arith.constant 3 : i32
    %dma_start3A_62 = arith.constant 384 : i32
    %dma_start3A_63 = arith.constant 0 : i32
    %dma_start3A_64 = tpu.memref_slice %arg13[%dma_start3A_62, %dma_start3A_63] : memref<1024x16xf32, #tpu.memory_space<vmem>> -> memref<128x16xf32, #tpu.memory_space<vmem>>
    %dma_start3A_65 = arith.constant 0 : i32
    %dma_start3A_66 = tpu.memref_slice %arg11[%dma_start3A_61, %dma_start3A_65] : memref<8x128xi32, #tpu.memory_space<vmem>> -> memref<1x128xi32, #tpu.memory_space<vmem>>
    %dma_start3A_67 = tpu.memref_squeeze %dma_start3A_66 : memref<1x128xi32, #tpu.memory_space<vmem>> -> memref<128xi32, #tpu.memory_space<vmem>>
    %dma_start3A_68 = arith.constant 0 : i32
    %dma_start3A_69 = arith.constant 0 : i32
    %dma_start3A_70 = tpu.memref_slice %arg4[%dma_start3A_68, %dma_start3A_69] : memref<100000x16xf32, #tpu.memory_space<hbm>> -> memref<100000x16xf32, #tpu.memory_space<hbm>>
    tpu.enqueue_indirect_dma source(%dma_start3A_70 : memref<100000x16xf32, #tpu.memory_space<hbm>>) target(%dma_start3A_64 : memref<128x16xf32, #tpu.memory_space<vmem>>) offsets(%dma_start3A_67 : memref<128xi32, #tpu.memory_space<vmem>>) semaphore(%arg16 : memref<!tpu.dma_semaphore, #tpu.memory_space<semaphore_mem>>)
    %scan3A = arith.constant 0 : i32
    %scan3A_71 = arith.constant 0 : i32
    %scan3A_72 = arith.constant 196 : i32
    %scan3A_73 = arith.addi %scan3A_71, %scan3A_72 : i32
    %scan3A_74 = arith.constant 1 : i32
    scf.for %scan3A_89 = %scan3A_71 to %scan3A_73 step %scan3A_74  : i32 {
      %rem3A = arith.constant 2 : i32
      %rem3A_90 = arith.remsi %scan3A_89, %rem3A : i32
      %sub3A = arith.constant 1 : i32
      %sub3A_91 = arith.subi %sub3A, %rem3A_90 : i32
      %ge3A = arith.constant 1 : i32
      %ge3A_92 = arith.cmpi sge, %scan3A_89, %ge3A : i32
      %convert_element_type3A = arith.extui %ge3A_92 : i1 to i32
      %cond3A = arith.constant 0 : i32
      %cond3A_93 = arith.cmpi ne, %convert_element_type3A, %cond3A : i32
      scf.if %cond3A_93 {
        %dma_wait3A_187 = arith.constant 0 : i32
        %dma_wait3A_188 = arith.constant 0 : i32
        %dma_wait3A_189 = tpu.memref_slice %arg13[%dma_wait3A_187, %dma_wait3A_188] : memref<1024x16xf32, #tpu.memory_space<vmem>> -> memref<512x16xf32, #tpu.memory_space<vmem>>
        %dma_wait3A_190 = arith.constant 0 : i32
        %dma_wait3A_191 = arith.constant 0 : i32
        %dma_wait3A_192 = tpu.memref_slice %arg4[%dma_wait3A_190, %dma_wait3A_191] : memref<100000x16xf32, #tpu.memory_space<hbm>> -> memref<512x16xf32, #tpu.memory_space<hbm>>
        %dma_wait3A_193 = arith.constant 0 : i32
        %dma_wait3A_194 = arith.constant 0 : i32
        %dma_wait3A_195 = tpu.memref_slice %arg13[%dma_wait3A_193, %dma_wait3A_194] : memref<1024x16xf32, #tpu.memory_space<vmem>> -> memref<512x16xf32, #tpu.memory_space<vmem>>
        %dma_wait3A_196 = arith.constant 0 : i32
        %dma_wait3A_197 = arith.constant 0 : i32
        %dma_wait3A_198 = tpu.memref_slice %arg4[%dma_wait3A_196, %dma_wait3A_197] : memref<100000x16xf32, #tpu.memory_space<hbm>> -> memref<512x16xf32, #tpu.memory_space<hbm>>
        tpu.wait_dma2 semaphore(%arg17 : memref<!tpu.dma_semaphore, #tpu.memory_space<semaphore_mem>>) src(%dma_wait3A_198 : memref<512x16xf32, #tpu.memory_space<hbm>>) dst(%dma_wait3A_195 : memref<512x16xf32, #tpu.memory_space<vmem>>)
      } else {
      }
      %lt3A = arith.constant 195 : i32
      %lt3A_94 = arith.cmpi slt, %scan3A_89, %lt3A : i32
      %convert_element_type3A_95 = arith.extui %lt3A_94 : i1 to i32
      %cond3A_96 = arith.constant 0 : i32
      %cond3A_97 = arith.cmpi ne, %convert_element_type3A_95, %cond3A_96 : i32
      scf.if %cond3A_97 {
        %add3A_187 = arith.constant 1 : i32
        %add3A_188 = arith.addi %scan3A_89, %add3A_187 : i32
        %mul3A_189 = arith.constant 784 : i32
        %mul3A_190 = arith.muli %add3A, %mul3A_189 : i32
        %mul3A_191 = arith.constant 4 : i32
        %mul3A_192 = arith.muli %add3A_188, %mul3A_191 : i32
        %add3A_193 = arith.addi %mul3A_190, %mul3A_192 : i32
        %mul3A_194 = arith.constant 4 : i32
        %mul3A_195 = arith.muli %sub3A_91, %mul3A_194 : i32
        %mul3A_196 = arith.constant 4 : i32
        %mul3A_197 = arith.muli %sub3A_91, %mul3A_196 : i32
        %dma_start3A_198 = arith.constant 0 : i32
        %dma_start3A_199 = tpu.memref_slice %arg11[%mul3A_195, %dma_start3A_198] : memref<8x128xi32, #tpu.memory_space<vmem>> -> memref<4x128xi32, #tpu.memory_space<vmem>>
        %dma_start3A_200 = arith.constant 0 : i32
        %dma_start3A_201 = tpu.memref_slice %arg2[%add3A_193, %dma_start3A_200] : memref<25088x128xi32, #tpu.memory_space<hbm>> -> memref<4x128xi32, #tpu.memory_space<hbm>>
        %dma_start3A_202 = arith.constant 0 : i32
        %dma_start3A_203 = tpu.memref_slice %arg11[%mul3A_195, %dma_start3A_202] : memref<8x128xi32, #tpu.memory_space<vmem>> -> memref<4x128xi32, #tpu.memory_space<vmem>>
        %dma_start3A_204 = arith.constant 0 : i32
        %dma_start3A_205 = tpu.memref_slice %arg2[%add3A_193, %dma_start3A_204] : memref<25088x128xi32, #tpu.memory_space<hbm>> -> memref<4x128xi32, #tpu.memory_space<hbm>>
        tpu.enqueue_dma source(%dma_start3A_205 : memref<4x128xi32, #tpu.memory_space<hbm>>) target(%dma_start3A_203 : memref<4x128xi32, #tpu.memory_space<vmem>>) target_semaphore(%arg15 : memref<!tpu.dma_semaphore, #tpu.memory_space<semaphore_mem>>)
        %dma_start3A_206 = arith.constant 0 : i32
        %dma_start3A_207 = tpu.memref_slice %arg12[%mul3A_197, %dma_start3A_206] : memref<8x128xi32, #tpu.memory_space<vmem>> -> memref<4x128xi32, #tpu.memory_space<vmem>>
        %dma_start3A_208 = arith.constant 0 : i32
        %dma_start3A_209 = tpu.memref_slice %arg3[%add3A_193, %dma_start3A_208] : memref<25088x128xi32, #tpu.memory_space<hbm>> -> memref<4x128xi32, #tpu.memory_space<hbm>>
        %dma_start3A_210 = arith.constant 0 : i32
        %dma_start3A_211 = tpu.memref_slice %arg12[%mul3A_197, %dma_start3A_210] : memref<8x128xi32, #tpu.memory_space<vmem>> -> memref<4x128xi32, #tpu.memory_space<vmem>>
        %dma_start3A_212 = arith.constant 0 : i32
        %dma_start3A_213 = tpu.memref_slice %arg3[%add3A_193, %dma_start3A_212] : memref<25088x128xi32, #tpu.memory_space<hbm>> -> memref<4x128xi32, #tpu.memory_space<hbm>>
        tpu.enqueue_dma source(%dma_start3A_213 : memref<4x128xi32, #tpu.memory_space<hbm>>) target(%dma_start3A_211 : memref<4x128xi32, #tpu.memory_space<vmem>>) target_semaphore(%arg15 : memref<!tpu.dma_semaphore, #tpu.memory_space<semaphore_mem>>)
      } else {
      }
      %dma_wait3A_98 = arith.constant 0 : i32
      %dma_wait3A_99 = arith.constant 0 : i32
      %dma_wait3A_100 = tpu.memref_slice %arg13[%dma_wait3A_98, %dma_wait3A_99] : memref<1024x16xf32, #tpu.memory_space<vmem>> -> memref<512x16xf32, #tpu.memory_space<vmem>>
      %dma_wait3A_101 = arith.constant 0 : i32
      %dma_wait3A_102 = arith.constant 0 : i32
      %dma_wait3A_103 = tpu.memref_slice %arg4[%dma_wait3A_101, %dma_wait3A_102] : memref<100000x16xf32, #tpu.memory_space<hbm>> -> memref<512x16xf32, #tpu.memory_space<hbm>>
      %dma_wait3A_104 = arith.constant 0 : i32
      %dma_wait3A_105 = arith.constant 0 : i32
      %dma_wait3A_106 = tpu.memref_slice %arg13[%dma_wait3A_104, %dma_wait3A_105] : memref<1024x16xf32, #tpu.memory_space<vmem>> -> memref<512x16xf32, #tpu.memory_space<vmem>>
      %dma_wait3A_107 = arith.constant 0 : i32
      %dma_wait3A_108 = arith.constant 0 : i32
      %dma_wait3A_109 = tpu.memref_slice %arg4[%dma_wait3A_107, %dma_wait3A_108] : memref<100000x16xf32, #tpu.memory_space<hbm>> -> memref<512x16xf32, #tpu.memory_space<hbm>>
      tpu.wait_dma2 semaphore(%arg16 : memref<!tpu.dma_semaphore, #tpu.memory_space<semaphore_mem>>) src(%dma_wait3A_109 : memref<512x16xf32, #tpu.memory_space<hbm>>) dst(%dma_wait3A_106 : memref<512x16xf32, #tpu.memory_space<vmem>>)
      %mul3A_110 = arith.constant 4 : i32
      %mul3A_111 = arith.muli %rem3A_90, %mul3A_110 : i32
      %add3A_112 = arith.constant 0 : i32
      %add3A_113 = arith.addi %mul3A_111, %add3A_112 : i32
      %mul3A_114 = arith.constant 128 : i32
      %mul3A_115 = arith.muli %add3A_113, %mul3A_114 : i32
      %mul3A_116 = arith.constant 4 : i32
      %mul3A_117 = arith.muli %rem3A_90, %mul3A_116 : i32
      %add3A_118 = arith.constant 0 : i32
      %add3A_119 = arith.addi %mul3A_117, %add3A_118 : i32
      %mul3A_120 = arith.constant 4 : i32
      %mul3A_121 = arith.muli %rem3A_90, %mul3A_120 : i32
      %add3A_122 = arith.constant 1 : i32
      %add3A_123 = arith.addi %mul3A_121, %add3A_122 : i32
      %mul3A_124 = arith.constant 128 : i32
      %mul3A_125 = arith.muli %add3A_123, %mul3A_124 : i32
      %mul3A_126 = arith.constant 4 : i32
      %mul3A_127 = arith.muli %rem3A_90, %mul3A_126 : i32
      %add3A_128 = arith.constant 1 : i32
      %add3A_129 = arith.addi %mul3A_127, %add3A_128 : i32
      %mul3A_130 = arith.constant 4 : i32
      %mul3A_131 = arith.muli %rem3A_90, %mul3A_130 : i32
      %add3A_132 = arith.constant 2 : i32
      %add3A_133 = arith.addi %mul3A_131, %add3A_132 : i32
      %mul3A_134 = arith.constant 128 : i32
      %mul3A_135 = arith.muli %add3A_133, %mul3A_134 : i32
      %mul3A_136 = arith.constant 4 : i32
      %mul3A_137 = arith.muli %rem3A_90, %mul3A_136 : i32
      %add3A_138 = arith.constant 2 : i32
      %add3A_139 = arith.addi %mul3A_137, %add3A_138 : i32
      %mul3A_140 = arith.constant 4 : i32
      %mul3A_141 = arith.muli %rem3A_90, %mul3A_140 : i32
      %add3A_142 = arith.constant 3 : i32
      %add3A_143 = arith.addi %mul3A_141, %add3A_142 : i32
      %mul3A_144 = arith.constant 128 : i32
      %mul3A_145 = arith.muli %add3A_143, %mul3A_144 : i32
      %mul3A_146 = arith.constant 4 : i32
      %mul3A_147 = arith.muli %rem3A_90, %mul3A_146 : i32
      %add3A_148 = arith.constant 3 : i32
      %add3A_149 = arith.addi %mul3A_147, %add3A_148 : i32
      %dma_start3A_150 = arith.constant 0 : i32
      %dma_start3A_151 = tpu.memref_slice %arg13[%mul3A_115, %dma_start3A_150] : memref<1024x16xf32, #tpu.memory_space<vmem>> -> memref<128x16xf32, #tpu.memory_space<vmem>>
      %dma_start3A_152 = arith.constant 0 : i32
      %dma_start3A_153 = tpu.memref_slice %arg12[%add3A_119, %dma_start3A_152] : memref<8x128xi32, #tpu.memory_space<vmem>> -> memref<1x128xi32, #tpu.memory_space<vmem>>
      %dma_start3A_154 = tpu.memref_squeeze %dma_start3A_153 : memref<1x128xi32, #tpu.memory_space<vmem>> -> memref<128xi32, #tpu.memory_space<vmem>>
      %dma_start3A_155 = arith.constant 0 : i32
      %dma_start3A_156 = arith.constant 0 : i32
      %dma_start3A_157 = tpu.memref_slice %arg9[%dma_start3A_155, %dma_start3A_156] : memref<100352x16xf32, #tpu.memory_space<vmem_shared>> -> memref<100352x16xf32, #tpu.memory_space<vmem_shared>>
      tpu.enqueue_indirect_dma source(%dma_start3A_151 : memref<128x16xf32, #tpu.memory_space<vmem>>) target(%dma_start3A_157 : memref<100352x16xf32, #tpu.memory_space<vmem_shared>>) offsets(%dma_start3A_154 : memref<128xi32, #tpu.memory_space<vmem>>) semaphore(%arg17 : memref<!tpu.dma_semaphore, #tpu.memory_space<semaphore_mem>>) {add = true}
      %dma_start3A_158 = arith.constant 0 : i32
      %dma_start3A_159 = tpu.memref_slice %arg13[%mul3A_125, %dma_start3A_158] : memref<1024x16xf32, #tpu.memory_space<vmem>> -> memref<128x16xf32, #tpu.memory_space<vmem>>
      %dma_start3A_160 = arith.constant 0 : i32
      %dma_start3A_161 = tpu.memref_slice %arg12[%add3A_129, %dma_start3A_160] : memref<8x128xi32, #tpu.memory_space<vmem>> -> memref<1x128xi32, #tpu.memory_space<vmem>>
      %dma_start3A_162 = tpu.memref_squeeze %dma_start3A_161 : memref<1x128xi32, #tpu.memory_space<vmem>> -> memref<128xi32, #tpu.memory_space<vmem>>
      %dma_start3A_163 = arith.constant 0 : i32
      %dma_start3A_164 = arith.constant 0 : i32
      %dma_start3A_165 = tpu.memref_slice %arg9[%dma_start3A_163, %dma_start3A_164] : memref<100352x16xf32, #tpu.memory_space<vmem_shared>> -> memref<100352x16xf32, #tpu.memory_space<vmem_shared>>
      tpu.enqueue_indirect_dma source(%dma_start3A_159 : memref<128x16xf32, #tpu.memory_space<vmem>>) target(%dma_start3A_165 : memref<100352x16xf32, #tpu.memory_space<vmem_shared>>) offsets(%dma_start3A_162 : memref<128xi32, #tpu.memory_space<vmem>>) semaphore(%arg17 : memref<!tpu.dma_semaphore, #tpu.memory_space<semaphore_mem>>) {add = true}
      %dma_start3A_166 = arith.constant 0 : i32
      %dma_start3A_167 = tpu.memref_slice %arg13[%mul3A_135, %dma_start3A_166] : memref<1024x16xf32, #tpu.memory_space<vmem>> -> memref<128x16xf32, #tpu.memory_space<vmem>>
      %dma_start3A_168 = arith.constant 0 : i32
      %dma_start3A_169 = tpu.memref_slice %arg12[%add3A_139, %dma_start3A_168] : memref<8x128xi32, #tpu.memory_space<vmem>> -> memref<1x128xi32, #tpu.memory_space<vmem>>
      %dma_start3A_170 = tpu.memref_squeeze %dma_start3A_169 : memref<1x128xi32, #tpu.memory_space<vmem>> -> memref<128xi32, #tpu.memory_space<vmem>>
      %dma_start3A_171 = arith.constant 0 : i32
      %dma_start3A_172 = arith.constant 0 : i32
      %dma_start3A_173 = tpu.memref_slice %arg9[%dma_start3A_171, %dma_start3A_172] : memref<100352x16xf32, #tpu.memory_space<vmem_shared>> -> memref<100352x16xf32, #tpu.memory_space<vmem_shared>>
      tpu.enqueue_indirect_dma source(%dma_start3A_167 : memref<128x16xf32, #tpu.memory_space<vmem>>) target(%dma_start3A_173 : memref<100352x16xf32, #tpu.memory_space<vmem_shared>>) offsets(%dma_start3A_170 : memref<128xi32, #tpu.memory_space<vmem>>) semaphore(%arg17 : memref<!tpu.dma_semaphore, #tpu.memory_space<semaphore_mem>>) {add = true}
      %dma_start3A_174 = arith.constant 0 : i32
      %dma_start3A_175 = tpu.memref_slice %arg13[%mul3A_145, %dma_start3A_174] : memref<1024x16xf32, #tpu.memory_space<vmem>> -> memref<128x16xf32, #tpu.memory_space<vmem>>
      %dma_start3A_176 = arith.constant 0 : i32
      %dma_start3A_177 = tpu.memref_slice %arg12[%add3A_149, %dma_start3A_176] : memref<8x128xi32, #tpu.memory_space<vmem>> -> memref<1x128xi32, #tpu.memory_space<vmem>>
      %dma_start3A_178 = tpu.memref_squeeze %dma_start3A_177 : memref<1x128xi32, #tpu.memory_space<vmem>> -> memref<128xi32, #tpu.memory_space<vmem>>
      %dma_start3A_179 = arith.constant 0 : i32
      %dma_start3A_180 = arith.constant 0 : i32
      %dma_start3A_181 = tpu.memref_slice %arg9[%dma_start3A_179, %dma_start3A_180] : memref<100352x16xf32, #tpu.memory_space<vmem_shared>> -> memref<100352x16xf32, #tpu.memory_space<vmem_shared>>
      tpu.enqueue_indirect_dma source(%dma_start3A_175 : memref<128x16xf32, #tpu.memory_space<vmem>>) target(%dma_start3A_181 : memref<100352x16xf32, #tpu.memory_space<vmem_shared>>) offsets(%dma_start3A_178 : memref<128xi32, #tpu.memory_space<vmem>>) semaphore(%arg17 : memref<!tpu.dma_semaphore, #tpu.memory_space<semaphore_mem>>) {add = true}
      %lt3A_182 = arith.constant 195 : i32
      %lt3A_183 = arith.cmpi slt, %scan3A_89, %lt3A_182 : i32
      %convert_element_type3A_184 = arith.extui %lt3A_183 : i1 to i32
      %cond3A_185 = arith.constant 0 : i32
      %cond3A_186 = arith.cmpi ne, %convert_element_type3A_184, %cond3A_185 : i32
      scf.if %cond3A_186 {
        %dma_wait3A_187 = arith.constant 0 : i32
        %dma_wait3A_188 = arith.constant 0 : i32
        %dma_wait3A_189 = tpu.memref_slice %arg2[%dma_wait3A_187, %dma_wait3A_188] : memref<25088x128xi32, #tpu.memory_space<hbm>> -> memref<8x128xi32, #tpu.memory_space<hbm>>
        %dma_wait3A_190 = arith.constant 0 : i32
        %dma_wait3A_191 = arith.constant 0 : i32
        %dma_wait3A_192 = tpu.memref_slice %arg2[%dma_wait3A_190, %dma_wait3A_191] : memref<25088x128xi32, #tpu.memory_space<hbm>> -> memref<8x128xi32, #tpu.memory_space<hbm>>
        tpu.wait_dma2 semaphore(%arg15 : memref<!tpu.dma_semaphore, #tpu.memory_space<semaphore_mem>>) src(%dma_wait3A_192 : memref<8x128xi32, #tpu.memory_space<hbm>>) dst(%arg11 : memref<8x128xi32, #tpu.memory_space<vmem>>)
        %mul3A_193 = arith.constant 4 : i32
        %mul3A_194 = arith.muli %sub3A_91, %mul3A_193 : i32
        %add3A_195 = arith.constant 0 : i32
        %add3A_196 = arith.addi %mul3A_194, %add3A_195 : i32
        %mul3A_197 = arith.constant 4 : i32
        %mul3A_198 = arith.muli %sub3A_91, %mul3A_197 : i32
        %add3A_199 = arith.constant 0 : i32
        %add3A_200 = arith.addi %mul3A_198, %add3A_199 : i32
        %mul3A_201 = arith.constant 128 : i32
        %mul3A_202 = arith.muli %add3A_200, %mul3A_201 : i32
        %mul3A_203 = arith.constant 4 : i32
        %mul3A_204 = arith.muli %sub3A_91, %mul3A_203 : i32
        %add3A_205 = arith.constant 1 : i32
        %add3A_206 = arith.addi %mul3A_204, %add3A_205 : i32
        %mul3A_207 = arith.constant 4 : i32
        %mul3A_208 = arith.muli %sub3A_91, %mul3A_207 : i32
        %add3A_209 = arith.constant 1 : i32
        %add3A_210 = arith.addi %mul3A_208, %add3A_209 : i32
        %mul3A_211 = arith.constant 128 : i32
        %mul3A_212 = arith.muli %add3A_210, %mul3A_211 : i32
        %mul3A_213 = arith.constant 4 : i32
        %mul3A_214 = arith.muli %sub3A_91, %mul3A_213 : i32
        %add3A_215 = arith.constant 2 : i32
        %add3A_216 = arith.addi %mul3A_214, %add3A_215 : i32
        %mul3A_217 = arith.constant 4 : i32
        %mul3A_218 = arith.muli %sub3A_91, %mul3A_217 : i32
        %add3A_219 = arith.constant 2 : i32
        %add3A_220 = arith.addi %mul3A_218, %add3A_219 : i32
        %mul3A_221 = arith.constant 128 : i32
        %mul3A_222 = arith.muli %add3A_220, %mul3A_221 : i32
        %mul3A_223 = arith.constant 4 : i32
        %mul3A_224 = arith.muli %sub3A_91, %mul3A_223 : i32
        %add3A_225 = arith.constant 3 : i32
        %add3A_226 = arith.addi %mul3A_224, %add3A_225 : i32
        %mul3A_227 = arith.constant 4 : i32
        %mul3A_228 = arith.muli %sub3A_91, %mul3A_227 : i32
        %add3A_229 = arith.constant 3 : i32
        %add3A_230 = arith.addi %mul3A_228, %add3A_229 : i32
        %mul3A_231 = arith.constant 128 : i32
        %mul3A_232 = arith.muli %add3A_230, %mul3A_231 : i32
        %dma_start3A_233 = arith.constant 0 : i32
        %dma_start3A_234 = tpu.memref_slice %arg13[%mul3A_202, %dma_start3A_233] : memref<1024x16xf32, #tpu.memory_space<vmem>> -> memref<128x16xf32, #tpu.memory_space<vmem>>
        %dma_start3A_235 = arith.constant 0 : i32
        %dma_start3A_236 = tpu.memref_slice %arg11[%add3A_196, %dma_start3A_235] : memref<8x128xi32, #tpu.memory_space<vmem>> -> memref<1x128xi32, #tpu.memory_space<vmem>>
        %dma_start3A_237 = tpu.memref_squeeze %dma_start3A_236 : memref<1x128xi32, #tpu.memory_space<vmem>> -> memref<128xi32, #tpu.memory_space<vmem>>
        %dma_start3A_238 = arith.constant 0 : i32
        %dma_start3A_239 = arith.constant 0 : i32
        %dma_start3A_240 = tpu.memref_slice %arg4[%dma_start3A_238, %dma_start3A_239] : memref<100000x16xf32, #tpu.memory_space<hbm>> -> memref<100000x16xf32, #tpu.memory_space<hbm>>
        tpu.enqueue_indirect_dma source(%dma_start3A_240 : memref<100000x16xf32, #tpu.memory_space<hbm>>) target(%dma_start3A_234 : memref<128x16xf32, #tpu.memory_space<vmem>>) offsets(%dma_start3A_237 : memref<128xi32, #tpu.memory_space<vmem>>) semaphore(%arg16 : memref<!tpu.dma_semaphore, #tpu.memory_space<semaphore_mem>>)
        %dma_start3A_241 = arith.constant 0 : i32
        %dma_start3A_242 = tpu.memref_slice %arg13[%mul3A_212, %dma_start3A_241] : memref<1024x16xf32, #tpu.memory_space<vmem>> -> memref<128x16xf32, #tpu.memory_space<vmem>>
        %dma_start3A_243 = arith.constant 0 : i32
        %dma_start3A_244 = tpu.memref_slice %arg11[%add3A_206, %dma_start3A_243] : memref<8x128xi32, #tpu.memory_space<vmem>> -> memref<1x128xi32, #tpu.memory_space<vmem>>
        %dma_start3A_245 = tpu.memref_squeeze %dma_start3A_244 : memref<1x128xi32, #tpu.memory_space<vmem>> -> memref<128xi32, #tpu.memory_space<vmem>>
        %dma_start3A_246 = arith.constant 0 : i32
        %dma_start3A_247 = arith.constant 0 : i32
        %dma_start3A_248 = tpu.memref_slice %arg4[%dma_start3A_246, %dma_start3A_247] : memref<100000x16xf32, #tpu.memory_space<hbm>> -> memref<100000x16xf32, #tpu.memory_space<hbm>>
        tpu.enqueue_indirect_dma source(%dma_start3A_248 : memref<100000x16xf32, #tpu.memory_space<hbm>>) target(%dma_start3A_242 : memref<128x16xf32, #tpu.memory_space<vmem>>) offsets(%dma_start3A_245 : memref<128xi32, #tpu.memory_space<vmem>>) semaphore(%arg16 : memref<!tpu.dma_semaphore, #tpu.memory_space<semaphore_mem>>)
        %dma_start3A_249 = arith.constant 0 : i32
        %dma_start3A_250 = tpu.memref_slice %arg13[%mul3A_222, %dma_start3A_249] : memref<1024x16xf32, #tpu.memory_space<vmem>> -> memref<128x16xf32, #tpu.memory_space<vmem>>
        %dma_start3A_251 = arith.constant 0 : i32
        %dma_start3A_252 = tpu.memref_slice %arg11[%add3A_216, %dma_start3A_251] : memref<8x128xi32, #tpu.memory_space<vmem>> -> memref<1x128xi32, #tpu.memory_space<vmem>>
        %dma_start3A_253 = tpu.memref_squeeze %dma_start3A_252 : memref<1x128xi32, #tpu.memory_space<vmem>> -> memref<128xi32, #tpu.memory_space<vmem>>
        %dma_start3A_254 = arith.constant 0 : i32
        %dma_start3A_255 = arith.constant 0 : i32
        %dma_start3A_256 = tpu.memref_slice %arg4[%dma_start3A_254, %dma_start3A_255] : memref<100000x16xf32, #tpu.memory_space<hbm>> -> memref<100000x16xf32, #tpu.memory_space<hbm>>
        tpu.enqueue_indirect_dma source(%dma_start3A_256 : memref<100000x16xf32, #tpu.memory_space<hbm>>) target(%dma_start3A_250 : memref<128x16xf32, #tpu.memory_space<vmem>>) offsets(%dma_start3A_253 : memref<128xi32, #tpu.memory_space<vmem>>) semaphore(%arg16 : memref<!tpu.dma_semaphore, #tpu.memory_space<semaphore_mem>>)
        %dma_start3A_257 = arith.constant 0 : i32
        %dma_start3A_258 = tpu.memref_slice %arg13[%mul3A_232, %dma_start3A_257] : memref<1024x16xf32, #tpu.memory_space<vmem>> -> memref<128x16xf32, #tpu.memory_space<vmem>>
        %dma_start3A_259 = arith.constant 0 : i32
        %dma_start3A_260 = tpu.memref_slice %arg11[%add3A_226, %dma_start3A_259] : memref<8x128xi32, #tpu.memory_space<vmem>> -> memref<1x128xi32, #tpu.memory_space<vmem>>
        %dma_start3A_261 = tpu.memref_squeeze %dma_start3A_260 : memref<1x128xi32, #tpu.memory_space<vmem>> -> memref<128xi32, #tpu.memory_space<vmem>>
        %dma_start3A_262 = arith.constant 0 : i32
        %dma_start3A_263 = arith.constant 0 : i32
        %dma_start3A_264 = tpu.memref_slice %arg4[%dma_start3A_262, %dma_start3A_263] : memref<100000x16xf32, #tpu.memory_space<hbm>> -> memref<100000x16xf32, #tpu.memory_space<hbm>>
        tpu.enqueue_indirect_dma source(%dma_start3A_264 : memref<100000x16xf32, #tpu.memory_space<hbm>>) target(%dma_start3A_258 : memref<128x16xf32, #tpu.memory_space<vmem>>) offsets(%dma_start3A_261 : memref<128xi32, #tpu.memory_space<vmem>>) semaphore(%arg16 : memref<!tpu.dma_semaphore, #tpu.memory_space<semaphore_mem>>)
      } else {
      }
    }
    %scan3A_75 = arith.constant 196 : i32
    %dma_wait3A_76 = arith.constant 0 : i32
    %dma_wait3A_77 = arith.constant 0 : i32
    %dma_wait3A_78 = tpu.memref_slice %arg13[%dma_wait3A_76, %dma_wait3A_77] : memref<1024x16xf32, #tpu.memory_space<vmem>> -> memref<512x16xf32, #tpu.memory_space<vmem>>
    %dma_wait3A_79 = arith.constant 0 : i32
    %dma_wait3A_80 = arith.constant 0 : i32
    %dma_wait3A_81 = tpu.memref_slice %arg4[%dma_wait3A_79, %dma_wait3A_80] : memref<100000x16xf32, #tpu.memory_space<hbm>> -> memref<512x16xf32, #tpu.memory_space<hbm>>
    %dma_wait3A_82 = arith.constant 0 : i32
    %dma_wait3A_83 = arith.constant 0 : i32
    %dma_wait3A_84 = tpu.memref_slice %arg13[%dma_wait3A_82, %dma_wait3A_83] : memref<1024x16xf32, #tpu.memory_space<vmem>> -> memref<512x16xf32, #tpu.memory_space<vmem>>
    %dma_wait3A_85 = arith.constant 0 : i32
    %dma_wait3A_86 = arith.constant 0 : i32
    %dma_wait3A_87 = tpu.memref_slice %arg4[%dma_wait3A_85, %dma_wait3A_86] : memref<100000x16xf32, #tpu.memory_space<hbm>> -> memref<512x16xf32, #tpu.memory_space<hbm>>
    tpu.wait_dma2 semaphore(%arg17 : memref<!tpu.dma_semaphore, #tpu.memory_space<semaphore_mem>>) src(%dma_wait3A_87 : memref<512x16xf32, #tpu.memory_space<hbm>>) dst(%dma_wait3A_84 : memref<512x16xf32, #tpu.memory_space<vmem>>)
    %barrier3A_88 = arith.constant 0 : index
    tpu.barrier barrier_id(%barrier3A_88)
    "tpu.region"() ({
      %run_scoped3A = tpu.sem_alloc : memref<!tpu.dma_semaphore, #tpu.memory_space<semaphore_mem>>
      %dma_start3A_89 = arith.constant 0 : i32
      %dma_start3A_90 = arith.constant 0 : i32
      %dma_start3A_91 = tpu.memref_slice %arg7[%arg0, %dma_start3A_89, %dma_start3A_90] : memref<2x100352x16xf32, #tpu.memory_space<hbm>> -> memref<1x100352x16xf32, #tpu.memory_space<hbm>>
      %dma_start3A_92 = tpu.memref_squeeze %dma_start3A_91 : memref<1x100352x16xf32, #tpu.memory_space<hbm>> -> memref<100352x16xf32, #tpu.memory_space<hbm>>
      %dma_start3A_93 = arith.constant 0 : i32
      %dma_start3A_94 = tpu.memref_slice %dma_start3A_92[%mul3A_2, %dma_start3A_93] : memref<100352x16xf32, #tpu.memory_space<hbm>> -> memref<6272x16xf32, #tpu.memory_space<hbm>>
      %dma_start3A_95 = arith.constant 0 : i32
      %dma_start3A_96 = tpu.memref_slice %arg9[%mul3A_2, %dma_start3A_95] : memref<100352x16xf32, #tpu.memory_space<vmem_shared>> -> memref<6272x16xf32, #tpu.memory_space<vmem_shared>>
      tpu.enqueue_dma source(%dma_start3A_96 : memref<6272x16xf32, #tpu.memory_space<vmem_shared>>) target(%dma_start3A_94 : memref<6272x16xf32, #tpu.memory_space<hbm>>) target_semaphore(%run_scoped3A : memref<!tpu.dma_semaphore, #tpu.memory_space<semaphore_mem>>)
      %dma_wait3A_97 = arith.constant 0 : i32
      %dma_wait3A_98 = arith.constant 0 : i32
      %dma_wait3A_99 = tpu.memref_slice %arg7[%arg0, %dma_wait3A_97, %dma_wait3A_98] : memref<2x100352x16xf32, #tpu.memory_space<hbm>> -> memref<1x100352x16xf32, #tpu.memory_space<hbm>>
      %dma_wait3A_100 = tpu.memref_squeeze %dma_wait3A_99 : memref<1x100352x16xf32, #tpu.memory_space<hbm>> -> memref<100352x16xf32, #tpu.memory_space<hbm>>
      %dma_wait3A_101 = arith.constant 0 : i32
      %dma_wait3A_102 = tpu.memref_slice %dma_wait3A_100[%mul3A_2, %dma_wait3A_101] : memref<100352x16xf32, #tpu.memory_space<hbm>> -> memref<6272x16xf32, #tpu.memory_space<hbm>>
      %dma_wait3A_103 = arith.constant 0 : i32
      %dma_wait3A_104 = tpu.memref_slice %arg9[%mul3A_2, %dma_wait3A_103] : memref<100352x16xf32, #tpu.memory_space<vmem_shared>> -> memref<6272x16xf32, #tpu.memory_space<vmem_shared>>
      tpu.wait_dma2 semaphore(%run_scoped3A : memref<!tpu.dma_semaphore, #tpu.memory_space<semaphore_mem>>) src(%dma_wait3A_104 : memref<6272x16xf32, #tpu.memory_space<vmem_shared>>) dst(%dma_wait3A_102 : memref<6272x16xf32, #tpu.memory_space<hbm>>)
      tpu.yield
    }) : () -> ()
    return
  }
}

#map = affine_map<(d0, d1) -> (0, 0)>
#map1 = affine_map<(d0, d1) -> (0, 0, 0)>
#map2 = affine_map<(d0, d1) -> (0)>
module attributes {stable_mosaic.version = 14 : i64} {
  func.func @_sc_edge_body(%arg0: i32, %arg1: i32, %arg2: memref<25088x128xi32, #tpu.memory_space<hbm>>, %arg3: memref<25088x128xi32, #tpu.memory_space<hbm>>, %arg4: memref<2x100352x8xf32, #tpu.memory_space<hbm>>, %arg5: memref<2x100352x8xf32, #tpu.memory_space<hbm>>, %arg6: memref<2x8x16xf32, #tpu.memory_space<hbm>>, %arg7: memref<16xf32, #tpu.memory_space<hbm>>, %arg8: memref<2x3211264xf32, #tpu.memory_space<hbm>>, %arg9: memref<100352x8xf32, #tpu.memory_space<vmem_shared>>, %arg10: memref<100352x8xf32, #tpu.memory_space<vmem_shared>>, %arg11: memref<8x128xi32, #tpu.memory_space<vmem>>, %arg12: memref<8x128xi32, #tpu.memory_space<vmem>>, %arg13: memref<1024x8xf32, #tpu.memory_space<vmem>>, %arg14: memref<1024x8xf32, #tpu.memory_space<vmem>>, %arg15: memref<1024xf32, #tpu.memory_space<vmem>>, %arg16: memref<8x16xf32, #tpu.memory_space<vmem>>, %arg17: memref<16xf32, #tpu.memory_space<vmem>>, %arg18: memref<!tpu.dma_semaphore, #tpu.memory_space<semaphore_mem>>, %arg19: memref<!tpu.dma_semaphore, #tpu.memory_space<semaphore_mem>>, %arg20: memref<!tpu.dma_semaphore, #tpu.memory_space<semaphore_mem>>) attributes {dimension_semantics = [#tpu.dimension_semantics<core_parallel>, #tpu.dimension_semantics<subcore_parallel>], iteration_bounds = array<i64: 2, 16>, scalar_prefetch = 0 : i64, scratch_operands = 12 : i64, tpu.core_type = #tpu.core_type<sc_vector_subcore>, window_params = [{transform_indices = #map}, {transform_indices = #map}, {transform_indices = #map1}, {transform_indices = #map1}, {transform_indices = #map1}, {transform_indices = #map2}, {transform_indices = #map}]} {
    %mul3A = arith.constant 6272 : i32
    %mul3A_0 = arith.muli %arg1, %mul3A : i32
    "tpu.region"() ({
      %run_scoped3A = tpu.sem_alloc : memref<!tpu.dma_semaphore, #tpu.memory_space<semaphore_mem>>
      %dma_start3A_205 = arith.constant 0 : i32
      %dma_start3A_206 = tpu.memref_slice %arg9[%mul3A_0, %dma_start3A_205] : memref<100352x8xf32, #tpu.memory_space<vmem_shared>> -> memref<6272x8xf32, #tpu.memory_space<vmem_shared>>
      %dma_start3A_207 = arith.constant 0 : i32
      %dma_start3A_208 = arith.constant 0 : i32
      %dma_start3A_209 = tpu.memref_slice %arg4[%arg0, %dma_start3A_207, %dma_start3A_208] : memref<2x100352x8xf32, #tpu.memory_space<hbm>> -> memref<1x100352x8xf32, #tpu.memory_space<hbm>>
      %dma_start3A_210 = tpu.memref_squeeze %dma_start3A_209 : memref<1x100352x8xf32, #tpu.memory_space<hbm>> -> memref<100352x8xf32, #tpu.memory_space<hbm>>
      %dma_start3A_211 = arith.constant 0 : i32
      %dma_start3A_212 = tpu.memref_slice %dma_start3A_210[%mul3A_0, %dma_start3A_211] : memref<100352x8xf32, #tpu.memory_space<hbm>> -> memref<6272x8xf32, #tpu.memory_space<hbm>>
      tpu.enqueue_dma source(%dma_start3A_212 : memref<6272x8xf32, #tpu.memory_space<hbm>>) target(%dma_start3A_206 : memref<6272x8xf32, #tpu.memory_space<vmem_shared>>) target_semaphore(%run_scoped3A : memref<!tpu.dma_semaphore, #tpu.memory_space<semaphore_mem>>)
      %dma_wait3A_213 = arith.constant 0 : i32
      %dma_wait3A_214 = tpu.memref_slice %arg9[%mul3A_0, %dma_wait3A_213] : memref<100352x8xf32, #tpu.memory_space<vmem_shared>> -> memref<6272x8xf32, #tpu.memory_space<vmem_shared>>
      %dma_wait3A_215 = arith.constant 0 : i32
      %dma_wait3A_216 = arith.constant 0 : i32
      %dma_wait3A_217 = tpu.memref_slice %arg4[%arg0, %dma_wait3A_215, %dma_wait3A_216] : memref<2x100352x8xf32, #tpu.memory_space<hbm>> -> memref<1x100352x8xf32, #tpu.memory_space<hbm>>
      %dma_wait3A_218 = tpu.memref_squeeze %dma_wait3A_217 : memref<1x100352x8xf32, #tpu.memory_space<hbm>> -> memref<100352x8xf32, #tpu.memory_space<hbm>>
      %dma_wait3A_219 = arith.constant 0 : i32
      %dma_wait3A_220 = tpu.memref_slice %dma_wait3A_218[%mul3A_0, %dma_wait3A_219] : memref<100352x8xf32, #tpu.memory_space<hbm>> -> memref<6272x8xf32, #tpu.memory_space<hbm>>
      tpu.wait_dma2 semaphore(%run_scoped3A : memref<!tpu.dma_semaphore, #tpu.memory_space<semaphore_mem>>) src(%dma_wait3A_220 : memref<6272x8xf32, #tpu.memory_space<hbm>>) dst(%dma_wait3A_214 : memref<6272x8xf32, #tpu.memory_space<vmem_shared>>)
      tpu.yield
    }) : () -> ()
    "tpu.region"() ({
      %run_scoped3A = tpu.sem_alloc : memref<!tpu.dma_semaphore, #tpu.memory_space<semaphore_mem>>
      %dma_start3A_205 = arith.constant 0 : i32
      %dma_start3A_206 = tpu.memref_slice %arg10[%mul3A_0, %dma_start3A_205] : memref<100352x8xf32, #tpu.memory_space<vmem_shared>> -> memref<6272x8xf32, #tpu.memory_space<vmem_shared>>
      %dma_start3A_207 = arith.constant 0 : i32
      %dma_start3A_208 = arith.constant 0 : i32
      %dma_start3A_209 = tpu.memref_slice %arg5[%arg0, %dma_start3A_207, %dma_start3A_208] : memref<2x100352x8xf32, #tpu.memory_space<hbm>> -> memref<1x100352x8xf32, #tpu.memory_space<hbm>>
      %dma_start3A_210 = tpu.memref_squeeze %dma_start3A_209 : memref<1x100352x8xf32, #tpu.memory_space<hbm>> -> memref<100352x8xf32, #tpu.memory_space<hbm>>
      %dma_start3A_211 = arith.constant 0 : i32
      %dma_start3A_212 = tpu.memref_slice %dma_start3A_210[%mul3A_0, %dma_start3A_211] : memref<100352x8xf32, #tpu.memory_space<hbm>> -> memref<6272x8xf32, #tpu.memory_space<hbm>>
      tpu.enqueue_dma source(%dma_start3A_212 : memref<6272x8xf32, #tpu.memory_space<hbm>>) target(%dma_start3A_206 : memref<6272x8xf32, #tpu.memory_space<vmem_shared>>) target_semaphore(%run_scoped3A : memref<!tpu.dma_semaphore, #tpu.memory_space<semaphore_mem>>)
      %dma_wait3A_213 = arith.constant 0 : i32
      %dma_wait3A_214 = tpu.memref_slice %arg10[%mul3A_0, %dma_wait3A_213] : memref<100352x8xf32, #tpu.memory_space<vmem_shared>> -> memref<6272x8xf32, #tpu.memory_space<vmem_shared>>
      %dma_wait3A_215 = arith.constant 0 : i32
      %dma_wait3A_216 = arith.constant 0 : i32
      %dma_wait3A_217 = tpu.memref_slice %arg5[%arg0, %dma_wait3A_215, %dma_wait3A_216] : memref<2x100352x8xf32, #tpu.memory_space<hbm>> -> memref<1x100352x8xf32, #tpu.memory_space<hbm>>
      %dma_wait3A_218 = tpu.memref_squeeze %dma_wait3A_217 : memref<1x100352x8xf32, #tpu.memory_space<hbm>> -> memref<100352x8xf32, #tpu.memory_space<hbm>>
      %dma_wait3A_219 = arith.constant 0 : i32
      %dma_wait3A_220 = tpu.memref_slice %dma_wait3A_218[%mul3A_0, %dma_wait3A_219] : memref<100352x8xf32, #tpu.memory_space<hbm>> -> memref<6272x8xf32, #tpu.memory_space<hbm>>
      tpu.wait_dma2 semaphore(%run_scoped3A : memref<!tpu.dma_semaphore, #tpu.memory_space<semaphore_mem>>) src(%dma_wait3A_220 : memref<6272x8xf32, #tpu.memory_space<hbm>>) dst(%dma_wait3A_214 : memref<6272x8xf32, #tpu.memory_space<vmem_shared>>)
      tpu.yield
    }) : () -> ()
    "tpu.region"() ({
      %run_scoped3A = tpu.sem_alloc : memref<!tpu.dma_semaphore, #tpu.memory_space<semaphore_mem>>
      %dma_start3A_205 = arith.constant 0 : i32
      %dma_start3A_206 = arith.constant 0 : i32
      %dma_start3A_207 = tpu.memref_slice %arg6[%arg0, %dma_start3A_205, %dma_start3A_206] : memref<2x8x16xf32, #tpu.memory_space<hbm>> -> memref<1x8x16xf32, #tpu.memory_space<hbm>>
      %dma_start3A_208 = tpu.memref_squeeze %dma_start3A_207 : memref<1x8x16xf32, #tpu.memory_space<hbm>> -> memref<8x16xf32, #tpu.memory_space<hbm>>
      %dma_start3A_209 = arith.constant 0 : i32
      %dma_start3A_210 = arith.constant 0 : i32
      %dma_start3A_211 = tpu.memref_slice %arg6[%arg0, %dma_start3A_209, %dma_start3A_210] : memref<2x8x16xf32, #tpu.memory_space<hbm>> -> memref<1x8x16xf32, #tpu.memory_space<hbm>>
      %dma_start3A_212 = tpu.memref_squeeze %dma_start3A_211 : memref<1x8x16xf32, #tpu.memory_space<hbm>> -> memref<8x16xf32, #tpu.memory_space<hbm>>
      tpu.enqueue_dma source(%dma_start3A_212 : memref<8x16xf32, #tpu.memory_space<hbm>>) target(%arg16 : memref<8x16xf32, #tpu.memory_space<vmem>>) target_semaphore(%run_scoped3A : memref<!tpu.dma_semaphore, #tpu.memory_space<semaphore_mem>>)
      %dma_wait3A_213 = arith.constant 0 : i32
      %dma_wait3A_214 = arith.constant 0 : i32
      %dma_wait3A_215 = tpu.memref_slice %arg6[%arg0, %dma_wait3A_213, %dma_wait3A_214] : memref<2x8x16xf32, #tpu.memory_space<hbm>> -> memref<1x8x16xf32, #tpu.memory_space<hbm>>
      %dma_wait3A_216 = tpu.memref_squeeze %dma_wait3A_215 : memref<1x8x16xf32, #tpu.memory_space<hbm>> -> memref<8x16xf32, #tpu.memory_space<hbm>>
      %dma_wait3A_217 = arith.constant 0 : i32
      %dma_wait3A_218 = arith.constant 0 : i32
      %dma_wait3A_219 = tpu.memref_slice %arg6[%arg0, %dma_wait3A_217, %dma_wait3A_218] : memref<2x8x16xf32, #tpu.memory_space<hbm>> -> memref<1x8x16xf32, #tpu.memory_space<hbm>>
      %dma_wait3A_220 = tpu.memref_squeeze %dma_wait3A_219 : memref<1x8x16xf32, #tpu.memory_space<hbm>> -> memref<8x16xf32, #tpu.memory_space<hbm>>
      tpu.wait_dma2 semaphore(%run_scoped3A : memref<!tpu.dma_semaphore, #tpu.memory_space<semaphore_mem>>) src(%dma_wait3A_220 : memref<8x16xf32, #tpu.memory_space<hbm>>) dst(%arg16 : memref<8x16xf32, #tpu.memory_space<vmem>>)
      tpu.yield
    }) : () -> ()
    "tpu.region"() ({
      %run_scoped3A = tpu.sem_alloc : memref<!tpu.dma_semaphore, #tpu.memory_space<semaphore_mem>>
      tpu.enqueue_dma source(%arg7 : memref<16xf32, #tpu.memory_space<hbm>>) target(%arg17 : memref<16xf32, #tpu.memory_space<vmem>>) target_semaphore(%run_scoped3A : memref<!tpu.dma_semaphore, #tpu.memory_space<semaphore_mem>>)
      tpu.wait_dma2 semaphore(%run_scoped3A : memref<!tpu.dma_semaphore, #tpu.memory_space<semaphore_mem>>) src(%arg7 : memref<16xf32, #tpu.memory_space<hbm>>) dst(%arg17 : memref<16xf32, #tpu.memory_space<vmem>>)
      tpu.yield
    }) : () -> ()
    %barrier3A = arith.constant 0 : index
    tpu.barrier barrier_id(%barrier3A)
    %get3A = arith.constant 0 : i32
    %get3A_1 = arith.index_cast %get3A : i32 to index
    %get3A_2 = arith.constant 0 : index
    %get3A_3 = tpu.vector_load %arg16[%get3A_1, %get3A_2] {strides = array<i32>} : memref<8x16xf32, #tpu.memory_space<vmem>>, vector<16xf32>,
    %get3A_4 = arith.constant 1 : i32
    %get3A_5 = arith.index_cast %get3A_4 : i32 to index
    %get3A_6 = arith.constant 0 : index
    %get3A_7 = tpu.vector_load %arg16[%get3A_5, %get3A_6] {strides = array<i32>} : memref<8x16xf32, #tpu.memory_space<vmem>>, vector<16xf32>,
    %get3A_8 = arith.constant 2 : i32
    %get3A_9 = arith.index_cast %get3A_8 : i32 to index
    %get3A_10 = arith.constant 0 : index
    %get3A_11 = tpu.vector_load %arg16[%get3A_9, %get3A_10] {strides = array<i32>} : memref<8x16xf32, #tpu.memory_space<vmem>>, vector<16xf32>,
    %get3A_12 = arith.constant 3 : i32
    %get3A_13 = arith.index_cast %get3A_12 : i32 to index
    %get3A_14 = arith.constant 0 : index
    %get3A_15 = tpu.vector_load %arg16[%get3A_13, %get3A_14] {strides = array<i32>} : memref<8x16xf32, #tpu.memory_space<vmem>>, vector<16xf32>,
    %get3A_16 = arith.constant 4 : i32
    %get3A_17 = arith.index_cast %get3A_16 : i32 to index
    %get3A_18 = arith.constant 0 : index
    %get3A_19 = tpu.vector_load %arg16[%get3A_17, %get3A_18] {strides = array<i32>} : memref<8x16xf32, #tpu.memory_space<vmem>>, vector<16xf32>,
    %get3A_20 = arith.constant 5 : i32
    %get3A_21 = arith.index_cast %get3A_20 : i32 to index
    %get3A_22 = arith.constant 0 : index
    %get3A_23 = tpu.vector_load %arg16[%get3A_21, %get3A_22] {strides = array<i32>} : memref<8x16xf32, #tpu.memory_space<vmem>>, vector<16xf32>,
    %get3A_24 = arith.constant 6 : i32
    %get3A_25 = arith.index_cast %get3A_24 : i32 to index
    %get3A_26 = arith.constant 0 : index
    %get3A_27 = tpu.vector_load %arg16[%get3A_25, %get3A_26] {strides = array<i32>} : memref<8x16xf32, #tpu.memory_space<vmem>>, vector<16xf32>,
    %get3A_28 = arith.constant 7 : i32
    %get3A_29 = arith.index_cast %get3A_28 : i32 to index
    %get3A_30 = arith.constant 0 : index
    %get3A_31 = tpu.vector_load %arg16[%get3A_29, %get3A_30] {strides = array<i32>} : memref<8x16xf32, #tpu.memory_space<vmem>>, vector<16xf32>,
    %get3A_32 = arith.constant 0 : index
    %get3A_33 = tpu.vector_load %arg17[%get3A_32] {strides = array<i32>} : memref<16xf32, #tpu.memory_space<vmem>>, vector<16xf32>,
    %convert_element_type3A = arith.sitofp %arg0 : i32 to f32
    %sub3A = arith.constant 1.000000e+00 : f32
    %sub3A_34 = arith.subf %sub3A, %convert_element_type3A : f32
    %mul3A_35 = vector.broadcast %sub3A_34 : f32 to vector<16xf32>
    %mul3A_36 = arith.mulf %get3A_33, %mul3A_35 : vector<16xf32>
    %iota3A = tpu.iota {dimensions = array<i32: 0>} : vector<16xi32>
    %broadcast_in_dim3A = arith.constant 0 : i32
    %broadcast_in_dim3A_37 = vector.broadcast %broadcast_in_dim3A : i32 to vector<16xi32>
    %broadcast_in_dim3A_38 = arith.constant 1 : i32
    %broadcast_in_dim3A_39 = vector.broadcast %broadcast_in_dim3A_38 : i32 to vector<16xi32>
    %broadcast_in_dim3A_40 = arith.constant 2 : i32
    %broadcast_in_dim3A_41 = vector.broadcast %broadcast_in_dim3A_40 : i32 to vector<16xi32>
    %broadcast_in_dim3A_42 = arith.constant 3 : i32
    %broadcast_in_dim3A_43 = vector.broadcast %broadcast_in_dim3A_42 : i32 to vector<16xi32>
    %broadcast_in_dim3A_44 = arith.constant 4 : i32
    %broadcast_in_dim3A_45 = vector.broadcast %broadcast_in_dim3A_44 : i32 to vector<16xi32>
    %broadcast_in_dim3A_46 = arith.constant 5 : i32
    %broadcast_in_dim3A_47 = vector.broadcast %broadcast_in_dim3A_46 : i32 to vector<16xi32>
    %broadcast_in_dim3A_48 = arith.constant 6 : i32
    %broadcast_in_dim3A_49 = vector.broadcast %broadcast_in_dim3A_48 : i32 to vector<16xi32>
    %broadcast_in_dim3A_50 = arith.constant 7 : i32
    %broadcast_in_dim3A_51 = vector.broadcast %broadcast_in_dim3A_50 : i32 to vector<16xi32>
    %mul3A_52 = arith.constant 1568 : i32
    %mul3A_53 = arith.muli %arg1, %mul3A_52 : i32
    %add3A = arith.constant 0 : i32
    %add3A_54 = arith.addi %mul3A_53, %add3A : i32
    %dma_start3A = arith.constant 0 : i32
    %dma_start3A_55 = arith.constant 0 : i32
    %dma_start3A_56 = tpu.memref_slice %arg11[%dma_start3A, %dma_start3A_55] : memref<8x128xi32, #tpu.memory_space<vmem>> -> memref<4x128xi32, #tpu.memory_space<vmem>>
    %dma_start3A_57 = arith.constant 0 : i32
    %dma_start3A_58 = tpu.memref_slice %arg2[%add3A_54, %dma_start3A_57] : memref<25088x128xi32, #tpu.memory_space<hbm>> -> memref<4x128xi32, #tpu.memory_space<hbm>>
    %dma_start3A_59 = arith.constant 0 : i32
    %dma_start3A_60 = arith.constant 0 : i32
    %dma_start3A_61 = tpu.memref_slice %arg11[%dma_start3A_59, %dma_start3A_60] : memref<8x128xi32, #tpu.memory_space<vmem>> -> memref<4x128xi32, #tpu.memory_space<vmem>>
    %dma_start3A_62 = arith.constant 0 : i32
    %dma_start3A_63 = tpu.memref_slice %arg2[%add3A_54, %dma_start3A_62] : memref<25088x128xi32, #tpu.memory_space<hbm>> -> memref<4x128xi32, #tpu.memory_space<hbm>>
    tpu.enqueue_dma source(%dma_start3A_63 : memref<4x128xi32, #tpu.memory_space<hbm>>) target(%dma_start3A_61 : memref<4x128xi32, #tpu.memory_space<vmem>>) target_semaphore(%arg18 : memref<!tpu.dma_semaphore, #tpu.memory_space<semaphore_mem>>)
    %dma_start3A_64 = arith.constant 0 : i32
    %dma_start3A_65 = arith.constant 0 : i32
    %dma_start3A_66 = tpu.memref_slice %arg12[%dma_start3A_64, %dma_start3A_65] : memref<8x128xi32, #tpu.memory_space<vmem>> -> memref<4x128xi32, #tpu.memory_space<vmem>>
    %dma_start3A_67 = arith.constant 0 : i32
    %dma_start3A_68 = tpu.memref_slice %arg3[%add3A_54, %dma_start3A_67] : memref<25088x128xi32, #tpu.memory_space<hbm>> -> memref<4x128xi32, #tpu.memory_space<hbm>>
    %dma_start3A_69 = arith.constant 0 : i32
    %dma_start3A_70 = arith.constant 0 : i32
    %dma_start3A_71 = tpu.memref_slice %arg12[%dma_start3A_69, %dma_start3A_70] : memref<8x128xi32, #tpu.memory_space<vmem>> -> memref<4x128xi32, #tpu.memory_space<vmem>>
    %dma_start3A_72 = arith.constant 0 : i32
    %dma_start3A_73 = tpu.memref_slice %arg3[%add3A_54, %dma_start3A_72] : memref<25088x128xi32, #tpu.memory_space<hbm>> -> memref<4x128xi32, #tpu.memory_space<hbm>>
    tpu.enqueue_dma source(%dma_start3A_73 : memref<4x128xi32, #tpu.memory_space<hbm>>) target(%dma_start3A_71 : memref<4x128xi32, #tpu.memory_space<vmem>>) target_semaphore(%arg18 : memref<!tpu.dma_semaphore, #tpu.memory_space<semaphore_mem>>)
    %dma_wait3A = arith.constant 0 : i32
    %dma_wait3A_74 = arith.constant 0 : i32
    %dma_wait3A_75 = tpu.memref_slice %arg2[%dma_wait3A, %dma_wait3A_74] : memref<25088x128xi32, #tpu.memory_space<hbm>> -> memref<8x128xi32, #tpu.memory_space<hbm>>
    %dma_wait3A_76 = arith.constant 0 : i32
    %dma_wait3A_77 = arith.constant 0 : i32
    %dma_wait3A_78 = tpu.memref_slice %arg2[%dma_wait3A_76, %dma_wait3A_77] : memref<25088x128xi32, #tpu.memory_space<hbm>> -> memref<8x128xi32, #tpu.memory_space<hbm>>
    tpu.wait_dma2 semaphore(%arg18 : memref<!tpu.dma_semaphore, #tpu.memory_space<semaphore_mem>>) src(%dma_wait3A_78 : memref<8x128xi32, #tpu.memory_space<hbm>>) dst(%arg11 : memref<8x128xi32, #tpu.memory_space<vmem>>)
    %dma_start3A_79 = arith.constant 0 : i32
    %dma_start3A_80 = arith.constant 0 : i32
    %dma_start3A_81 = arith.constant 0 : i32
    %dma_start3A_82 = tpu.memref_slice %arg13[%dma_start3A_80, %dma_start3A_81] : memref<1024x8xf32, #tpu.memory_space<vmem>> -> memref<128x8xf32, #tpu.memory_space<vmem>>
    %dma_start3A_83 = arith.constant 0 : i32
    %dma_start3A_84 = tpu.memref_slice %arg11[%dma_start3A_79, %dma_start3A_83] : memref<8x128xi32, #tpu.memory_space<vmem>> -> memref<1x128xi32, #tpu.memory_space<vmem>>
    %dma_start3A_85 = tpu.memref_squeeze %dma_start3A_84 : memref<1x128xi32, #tpu.memory_space<vmem>> -> memref<128xi32, #tpu.memory_space<vmem>>
    %dma_start3A_86 = arith.constant 0 : i32
    %dma_start3A_87 = arith.constant 0 : i32
    %dma_start3A_88 = tpu.memref_slice %arg9[%dma_start3A_86, %dma_start3A_87] : memref<100352x8xf32, #tpu.memory_space<vmem_shared>> -> memref<100352x8xf32, #tpu.memory_space<vmem_shared>>
    tpu.enqueue_indirect_dma source(%dma_start3A_88 : memref<100352x8xf32, #tpu.memory_space<vmem_shared>>) target(%dma_start3A_82 : memref<128x8xf32, #tpu.memory_space<vmem>>) offsets(%dma_start3A_85 : memref<128xi32, #tpu.memory_space<vmem>>) semaphore(%arg19 : memref<!tpu.dma_semaphore, #tpu.memory_space<semaphore_mem>>)
    %dma_start3A_89 = arith.constant 0 : i32
    %dma_start3A_90 = arith.constant 0 : i32
    %dma_start3A_91 = arith.constant 0 : i32
    %dma_start3A_92 = tpu.memref_slice %arg14[%dma_start3A_90, %dma_start3A_91] : memref<1024x8xf32, #tpu.memory_space<vmem>> -> memref<128x8xf32, #tpu.memory_space<vmem>>
    %dma_start3A_93 = arith.constant 0 : i32
    %dma_start3A_94 = tpu.memref_slice %arg12[%dma_start3A_89, %dma_start3A_93] : memref<8x128xi32, #tpu.memory_space<vmem>> -> memref<1x128xi32, #tpu.memory_space<vmem>>
    %dma_start3A_95 = tpu.memref_squeeze %dma_start3A_94 : memref<1x128xi32, #tpu.memory_space<vmem>> -> memref<128xi32, #tpu.memory_space<vmem>>
    %dma_start3A_96 = arith.constant 0 : i32
    %dma_start3A_97 = arith.constant 0 : i32
    %dma_start3A_98 = tpu.memref_slice %arg10[%dma_start3A_96, %dma_start3A_97] : memref<100352x8xf32, #tpu.memory_space<vmem_shared>> -> memref<100352x8xf32, #tpu.memory_space<vmem_shared>>
    tpu.enqueue_indirect_dma source(%dma_start3A_98 : memref<100352x8xf32, #tpu.memory_space<vmem_shared>>) target(%dma_start3A_92 : memref<128x8xf32, #tpu.memory_space<vmem>>) offsets(%dma_start3A_95 : memref<128xi32, #tpu.memory_space<vmem>>) semaphore(%arg19 : memref<!tpu.dma_semaphore, #tpu.memory_space<semaphore_mem>>)
    %dma_start3A_99 = arith.constant 1 : i32
    %dma_start3A_100 = arith.constant 128 : i32
    %dma_start3A_101 = arith.constant 0 : i32
    %dma_start3A_102 = tpu.memref_slice %arg13[%dma_start3A_100, %dma_start3A_101] : memref<1024x8xf32, #tpu.memory_space<vmem>> -> memref<128x8xf32, #tpu.memory_space<vmem>>
    %dma_start3A_103 = arith.constant 0 : i32
    %dma_start3A_104 = tpu.memref_slice %arg11[%dma_start3A_99, %dma_start3A_103] : memref<8x128xi32, #tpu.memory_space<vmem>> -> memref<1x128xi32, #tpu.memory_space<vmem>>
    %dma_start3A_105 = tpu.memref_squeeze %dma_start3A_104 : memref<1x128xi32, #tpu.memory_space<vmem>> -> memref<128xi32, #tpu.memory_space<vmem>>
    %dma_start3A_106 = arith.constant 0 : i32
    %dma_start3A_107 = arith.constant 0 : i32
    %dma_start3A_108 = tpu.memref_slice %arg9[%dma_start3A_106, %dma_start3A_107] : memref<100352x8xf32, #tpu.memory_space<vmem_shared>> -> memref<100352x8xf32, #tpu.memory_space<vmem_shared>>
    tpu.enqueue_indirect_dma source(%dma_start3A_108 : memref<100352x8xf32, #tpu.memory_space<vmem_shared>>) target(%dma_start3A_102 : memref<128x8xf32, #tpu.memory_space<vmem>>) offsets(%dma_start3A_105 : memref<128xi32, #tpu.memory_space<vmem>>) semaphore(%arg19 : memref<!tpu.dma_semaphore, #tpu.memory_space<semaphore_mem>>)
    %dma_start3A_109 = arith.constant 1 : i32
    %dma_start3A_110 = arith.constant 128 : i32
    %dma_start3A_111 = arith.constant 0 : i32
    %dma_start3A_112 = tpu.memref_slice %arg14[%dma_start3A_110, %dma_start3A_111] : memref<1024x8xf32, #tpu.memory_space<vmem>> -> memref<128x8xf32, #tpu.memory_space<vmem>>
    %dma_start3A_113 = arith.constant 0 : i32
    %dma_start3A_114 = tpu.memref_slice %arg12[%dma_start3A_109, %dma_start3A_113] : memref<8x128xi32, #tpu.memory_space<vmem>> -> memref<1x128xi32, #tpu.memory_space<vmem>>
    %dma_start3A_115 = tpu.memref_squeeze %dma_start3A_114 : memref<1x128xi32, #tpu.memory_space<vmem>> -> memref<128xi32, #tpu.memory_space<vmem>>
    %dma_start3A_116 = arith.constant 0 : i32
    %dma_start3A_117 = arith.constant 0 : i32
    %dma_start3A_118 = tpu.memref_slice %arg10[%dma_start3A_116, %dma_start3A_117] : memref<100352x8xf32, #tpu.memory_space<vmem_shared>> -> memref<100352x8xf32, #tpu.memory_space<vmem_shared>>
    tpu.enqueue_indirect_dma source(%dma_start3A_118 : memref<100352x8xf32, #tpu.memory_space<vmem_shared>>) target(%dma_start3A_112 : memref<128x8xf32, #tpu.memory_space<vmem>>) offsets(%dma_start3A_115 : memref<128xi32, #tpu.memory_space<vmem>>) semaphore(%arg19 : memref<!tpu.dma_semaphore, #tpu.memory_space<semaphore_mem>>)
    %dma_start3A_119 = arith.constant 2 : i32
    %dma_start3A_120 = arith.constant 256 : i32
    %dma_start3A_121 = arith.constant 0 : i32
    %dma_start3A_122 = tpu.memref_slice %arg13[%dma_start3A_120, %dma_start3A_121] : memref<1024x8xf32, #tpu.memory_space<vmem>> -> memref<128x8xf32, #tpu.memory_space<vmem>>
    %dma_start3A_123 = arith.constant 0 : i32
    %dma_start3A_124 = tpu.memref_slice %arg11[%dma_start3A_119, %dma_start3A_123] : memref<8x128xi32, #tpu.memory_space<vmem>> -> memref<1x128xi32, #tpu.memory_space<vmem>>
    %dma_start3A_125 = tpu.memref_squeeze %dma_start3A_124 : memref<1x128xi32, #tpu.memory_space<vmem>> -> memref<128xi32, #tpu.memory_space<vmem>>
    %dma_start3A_126 = arith.constant 0 : i32
    %dma_start3A_127 = arith.constant 0 : i32
    %dma_start3A_128 = tpu.memref_slice %arg9[%dma_start3A_126, %dma_start3A_127] : memref<100352x8xf32, #tpu.memory_space<vmem_shared>> -> memref<100352x8xf32, #tpu.memory_space<vmem_shared>>
    tpu.enqueue_indirect_dma source(%dma_start3A_128 : memref<100352x8xf32, #tpu.memory_space<vmem_shared>>) target(%dma_start3A_122 : memref<128x8xf32, #tpu.memory_space<vmem>>) offsets(%dma_start3A_125 : memref<128xi32, #tpu.memory_space<vmem>>) semaphore(%arg19 : memref<!tpu.dma_semaphore, #tpu.memory_space<semaphore_mem>>)
    %dma_start3A_129 = arith.constant 2 : i32
    %dma_start3A_130 = arith.constant 256 : i32
    %dma_start3A_131 = arith.constant 0 : i32
    %dma_start3A_132 = tpu.memref_slice %arg14[%dma_start3A_130, %dma_start3A_131] : memref<1024x8xf32, #tpu.memory_space<vmem>> -> memref<128x8xf32, #tpu.memory_space<vmem>>
    %dma_start3A_133 = arith.constant 0 : i32
    %dma_start3A_134 = tpu.memref_slice %arg12[%dma_start3A_129, %dma_start3A_133] : memref<8x128xi32, #tpu.memory_space<vmem>> -> memref<1x128xi32, #tpu.memory_space<vmem>>
    %dma_start3A_135 = tpu.memref_squeeze %dma_start3A_134 : memref<1x128xi32, #tpu.memory_space<vmem>> -> memref<128xi32, #tpu.memory_space<vmem>>
    %dma_start3A_136 = arith.constant 0 : i32
    %dma_start3A_137 = arith.constant 0 : i32
    %dma_start3A_138 = tpu.memref_slice %arg10[%dma_start3A_136, %dma_start3A_137] : memref<100352x8xf32, #tpu.memory_space<vmem_shared>> -> memref<100352x8xf32, #tpu.memory_space<vmem_shared>>
    tpu.enqueue_indirect_dma source(%dma_start3A_138 : memref<100352x8xf32, #tpu.memory_space<vmem_shared>>) target(%dma_start3A_132 : memref<128x8xf32, #tpu.memory_space<vmem>>) offsets(%dma_start3A_135 : memref<128xi32, #tpu.memory_space<vmem>>) semaphore(%arg19 : memref<!tpu.dma_semaphore, #tpu.memory_space<semaphore_mem>>)
    %dma_start3A_139 = arith.constant 3 : i32
    %dma_start3A_140 = arith.constant 384 : i32
    %dma_start3A_141 = arith.constant 0 : i32
    %dma_start3A_142 = tpu.memref_slice %arg13[%dma_start3A_140, %dma_start3A_141] : memref<1024x8xf32, #tpu.memory_space<vmem>> -> memref<128x8xf32, #tpu.memory_space<vmem>>
    %dma_start3A_143 = arith.constant 0 : i32
    %dma_start3A_144 = tpu.memref_slice %arg11[%dma_start3A_139, %dma_start3A_143] : memref<8x128xi32, #tpu.memory_space<vmem>> -> memref<1x128xi32, #tpu.memory_space<vmem>>
    %dma_start3A_145 = tpu.memref_squeeze %dma_start3A_144 : memref<1x128xi32, #tpu.memory_space<vmem>> -> memref<128xi32, #tpu.memory_space<vmem>>
    %dma_start3A_146 = arith.constant 0 : i32
    %dma_start3A_147 = arith.constant 0 : i32
    %dma_start3A_148 = tpu.memref_slice %arg9[%dma_start3A_146, %dma_start3A_147] : memref<100352x8xf32, #tpu.memory_space<vmem_shared>> -> memref<100352x8xf32, #tpu.memory_space<vmem_shared>>
    tpu.enqueue_indirect_dma source(%dma_start3A_148 : memref<100352x8xf32, #tpu.memory_space<vmem_shared>>) target(%dma_start3A_142 : memref<128x8xf32, #tpu.memory_space<vmem>>) offsets(%dma_start3A_145 : memref<128xi32, #tpu.memory_space<vmem>>) semaphore(%arg19 : memref<!tpu.dma_semaphore, #tpu.memory_space<semaphore_mem>>)
    %dma_start3A_149 = arith.constant 3 : i32
    %dma_start3A_150 = arith.constant 384 : i32
    %dma_start3A_151 = arith.constant 0 : i32
    %dma_start3A_152 = tpu.memref_slice %arg14[%dma_start3A_150, %dma_start3A_151] : memref<1024x8xf32, #tpu.memory_space<vmem>> -> memref<128x8xf32, #tpu.memory_space<vmem>>
    %dma_start3A_153 = arith.constant 0 : i32
    %dma_start3A_154 = tpu.memref_slice %arg12[%dma_start3A_149, %dma_start3A_153] : memref<8x128xi32, #tpu.memory_space<vmem>> -> memref<1x128xi32, #tpu.memory_space<vmem>>
    %dma_start3A_155 = tpu.memref_squeeze %dma_start3A_154 : memref<1x128xi32, #tpu.memory_space<vmem>> -> memref<128xi32, #tpu.memory_space<vmem>>
    %dma_start3A_156 = arith.constant 0 : i32
    %dma_start3A_157 = arith.constant 0 : i32
    %dma_start3A_158 = tpu.memref_slice %arg10[%dma_start3A_156, %dma_start3A_157] : memref<100352x8xf32, #tpu.memory_space<vmem_shared>> -> memref<100352x8xf32, #tpu.memory_space<vmem_shared>>
    tpu.enqueue_indirect_dma source(%dma_start3A_158 : memref<100352x8xf32, #tpu.memory_space<vmem_shared>>) target(%dma_start3A_152 : memref<128x8xf32, #tpu.memory_space<vmem>>) offsets(%dma_start3A_155 : memref<128xi32, #tpu.memory_space<vmem>>) semaphore(%arg19 : memref<!tpu.dma_semaphore, #tpu.memory_space<semaphore_mem>>)
    %scan3A = arith.constant 0 : i32
    %scan3A_159 = arith.constant 0 : i32
    %scan3A_160 = arith.constant 392 : i32
    %scan3A_161 = arith.addi %scan3A_159, %scan3A_160 : i32
    %scan3A_162 = arith.constant 1 : i32
    scf.for %scan3A_205 = %scan3A_159 to %scan3A_161 step %scan3A_162  : i32 {
      %rem3A_206 = arith.constant 2 : i32
      %rem3A_207 = arith.remsi %scan3A_205, %rem3A_206 : i32
      %sub3A_208 = arith.constant 1 : i32
      %sub3A_209 = arith.subi %sub3A_208, %rem3A_207 : i32
      %lt3A = arith.constant 391 : i32
      %lt3A_210 = arith.cmpi slt, %scan3A_205, %lt3A : i32
      %convert_element_type3A_211 = arith.extui %lt3A_210 : i1 to i32
      %cond3A = arith.constant 0 : i32
      %cond3A_212 = arith.cmpi ne, %convert_element_type3A_211, %cond3A : i32
      scf.if %cond3A_212 {
        %add3A_288 = arith.constant 1 : i32
        %add3A_289 = arith.addi %scan3A_205, %add3A_288 : i32
        %mul3A_290 = arith.constant 1568 : i32
        %mul3A_291 = arith.muli %arg1, %mul3A_290 : i32
        %mul3A_292 = arith.constant 4 : i32
        %mul3A_293 = arith.muli %add3A_289, %mul3A_292 : i32
        %add3A_294 = arith.addi %mul3A_291, %mul3A_293 : i32
        %mul3A_295 = arith.constant 4 : i32
        %mul3A_296 = arith.muli %sub3A_209, %mul3A_295 : i32
        %mul3A_297 = arith.constant 4 : i32
        %mul3A_298 = arith.muli %sub3A_209, %mul3A_297 : i32
        %dma_start3A_299 = arith.constant 0 : i32
        %dma_start3A_300 = tpu.memref_slice %arg11[%mul3A_296, %dma_start3A_299] : memref<8x128xi32, #tpu.memory_space<vmem>> -> memref<4x128xi32, #tpu.memory_space<vmem>>
        %dma_start3A_301 = arith.constant 0 : i32
        %dma_start3A_302 = tpu.memref_slice %arg2[%add3A_294, %dma_start3A_301] : memref<25088x128xi32, #tpu.memory_space<hbm>> -> memref<4x128xi32, #tpu.memory_space<hbm>>
        %dma_start3A_303 = arith.constant 0 : i32
        %dma_start3A_304 = tpu.memref_slice %arg11[%mul3A_296, %dma_start3A_303] : memref<8x128xi32, #tpu.memory_space<vmem>> -> memref<4x128xi32, #tpu.memory_space<vmem>>
        %dma_start3A_305 = arith.constant 0 : i32
        %dma_start3A_306 = tpu.memref_slice %arg2[%add3A_294, %dma_start3A_305] : memref<25088x128xi32, #tpu.memory_space<hbm>> -> memref<4x128xi32, #tpu.memory_space<hbm>>
        tpu.enqueue_dma source(%dma_start3A_306 : memref<4x128xi32, #tpu.memory_space<hbm>>) target(%dma_start3A_304 : memref<4x128xi32, #tpu.memory_space<vmem>>) target_semaphore(%arg18 : memref<!tpu.dma_semaphore, #tpu.memory_space<semaphore_mem>>)
        %dma_start3A_307 = arith.constant 0 : i32
        %dma_start3A_308 = tpu.memref_slice %arg12[%mul3A_298, %dma_start3A_307] : memref<8x128xi32, #tpu.memory_space<vmem>> -> memref<4x128xi32, #tpu.memory_space<vmem>>
        %dma_start3A_309 = arith.constant 0 : i32
        %dma_start3A_310 = tpu.memref_slice %arg3[%add3A_294, %dma_start3A_309] : memref<25088x128xi32, #tpu.memory_space<hbm>> -> memref<4x128xi32, #tpu.memory_space<hbm>>
        %dma_start3A_311 = arith.constant 0 : i32
        %dma_start3A_312 = tpu.memref_slice %arg12[%mul3A_298, %dma_start3A_311] : memref<8x128xi32, #tpu.memory_space<vmem>> -> memref<4x128xi32, #tpu.memory_space<vmem>>
        %dma_start3A_313 = arith.constant 0 : i32
        %dma_start3A_314 = tpu.memref_slice %arg3[%add3A_294, %dma_start3A_313] : memref<25088x128xi32, #tpu.memory_space<hbm>> -> memref<4x128xi32, #tpu.memory_space<hbm>>
        tpu.enqueue_dma source(%dma_start3A_314 : memref<4x128xi32, #tpu.memory_space<hbm>>) target(%dma_start3A_312 : memref<4x128xi32, #tpu.memory_space<vmem>>) target_semaphore(%arg18 : memref<!tpu.dma_semaphore, #tpu.memory_space<semaphore_mem>>)
      } else {
      }
      %dma_wait3A_213 = arith.constant 0 : i32
      %dma_wait3A_214 = arith.constant 0 : i32
      %dma_wait3A_215 = tpu.memref_slice %arg13[%dma_wait3A_213, %dma_wait3A_214] : memref<1024x8xf32, #tpu.memory_space<vmem>> -> memref<512x8xf32, #tpu.memory_space<vmem>>
      %dma_wait3A_216 = arith.constant 0 : i32
      %dma_wait3A_217 = arith.constant 0 : i32
      %dma_wait3A_218 = tpu.memref_slice %arg4[%arg0, %dma_wait3A_216, %dma_wait3A_217] : memref<2x100352x8xf32, #tpu.memory_space<hbm>> -> memref<1x100352x8xf32, #tpu.memory_space<hbm>>
      %dma_wait3A_219 = tpu.memref_squeeze %dma_wait3A_218 : memref<1x100352x8xf32, #tpu.memory_space<hbm>> -> memref<100352x8xf32, #tpu.memory_space<hbm>>
      %dma_wait3A_220 = arith.constant 0 : i32
      %dma_wait3A_221 = arith.constant 0 : i32
      %dma_wait3A_222 = tpu.memref_slice %dma_wait3A_219[%dma_wait3A_220, %dma_wait3A_221] : memref<100352x8xf32, #tpu.memory_space<hbm>> -> memref<512x8xf32, #tpu.memory_space<hbm>>
      %dma_wait3A_223 = arith.constant 0 : i32
      %dma_wait3A_224 = arith.constant 0 : i32
      %dma_wait3A_225 = tpu.memref_slice %arg13[%dma_wait3A_223, %dma_wait3A_224] : memref<1024x8xf32, #tpu.memory_space<vmem>> -> memref<512x8xf32, #tpu.memory_space<vmem>>
      %dma_wait3A_226 = arith.constant 0 : i32
      %dma_wait3A_227 = arith.constant 0 : i32
      %dma_wait3A_228 = tpu.memref_slice %arg4[%arg0, %dma_wait3A_226, %dma_wait3A_227] : memref<2x100352x8xf32, #tpu.memory_space<hbm>> -> memref<1x100352x8xf32, #tpu.memory_space<hbm>>
      %dma_wait3A_229 = tpu.memref_squeeze %dma_wait3A_228 : memref<1x100352x8xf32, #tpu.memory_space<hbm>> -> memref<100352x8xf32, #tpu.memory_space<hbm>>
      %dma_wait3A_230 = arith.constant 0 : i32
      %dma_wait3A_231 = arith.constant 0 : i32
      %dma_wait3A_232 = tpu.memref_slice %dma_wait3A_229[%dma_wait3A_230, %dma_wait3A_231] : memref<100352x8xf32, #tpu.memory_space<hbm>> -> memref<512x8xf32, #tpu.memory_space<hbm>>
      tpu.wait_dma2 semaphore(%arg19 : memref<!tpu.dma_semaphore, #tpu.memory_space<semaphore_mem>>) src(%dma_wait3A_232 : memref<512x8xf32, #tpu.memory_space<hbm>>) dst(%dma_wait3A_225 : memref<512x8xf32, #tpu.memory_space<vmem>>)
      %dma_wait3A_233 = arith.constant 0 : i32
      %dma_wait3A_234 = arith.constant 0 : i32
      %dma_wait3A_235 = tpu.memref_slice %arg14[%dma_wait3A_233, %dma_wait3A_234] : memref<1024x8xf32, #tpu.memory_space<vmem>> -> memref<512x8xf32, #tpu.memory_space<vmem>>
      %dma_wait3A_236 = arith.constant 0 : i32
      %dma_wait3A_237 = arith.constant 0 : i32
      %dma_wait3A_238 = tpu.memref_slice %arg5[%arg0, %dma_wait3A_236, %dma_wait3A_237] : memref<2x100352x8xf32, #tpu.memory_space<hbm>> -> memref<1x100352x8xf32, #tpu.memory_space<hbm>>
      %dma_wait3A_239 = tpu.memref_squeeze %dma_wait3A_238 : memref<1x100352x8xf32, #tpu.memory_space<hbm>> -> memref<100352x8xf32, #tpu.memory_space<hbm>>
      %dma_wait3A_240 = arith.constant 0 : i32
      %dma_wait3A_241 = arith.constant 0 : i32
      %dma_wait3A_242 = tpu.memref_slice %dma_wait3A_239[%dma_wait3A_240, %dma_wait3A_241] : memref<100352x8xf32, #tpu.memory_space<hbm>> -> memref<512x8xf32, #tpu.memory_space<hbm>>
      %dma_wait3A_243 = arith.constant 0 : i32
      %dma_wait3A_244 = arith.constant 0 : i32
      %dma_wait3A_245 = tpu.memref_slice %arg14[%dma_wait3A_243, %dma_wait3A_244] : memref<1024x8xf32, #tpu.memory_space<vmem>> -> memref<512x8xf32, #tpu.memory_space<vmem>>
      %dma_wait3A_246 = arith.constant 0 : i32
      %dma_wait3A_247 = arith.constant 0 : i32
      %dma_wait3A_248 = tpu.memref_slice %arg5[%arg0, %dma_wait3A_246, %dma_wait3A_247] : memref<2x100352x8xf32, #tpu.memory_space<hbm>> -> memref<1x100352x8xf32, #tpu.memory_space<hbm>>
      %dma_wait3A_249 = tpu.memref_squeeze %dma_wait3A_248 : memref<1x100352x8xf32, #tpu.memory_space<hbm>> -> memref<100352x8xf32, #tpu.memory_space<hbm>>
      %dma_wait3A_250 = arith.constant 0 : i32
      %dma_wait3A_251 = arith.constant 0 : i32
      %dma_wait3A_252 = tpu.memref_slice %dma_wait3A_249[%dma_wait3A_250, %dma_wait3A_251] : memref<100352x8xf32, #tpu.memory_space<hbm>> -> memref<512x8xf32, #tpu.memory_space<hbm>>
      tpu.wait_dma2 semaphore(%arg19 : memref<!tpu.dma_semaphore, #tpu.memory_space<semaphore_mem>>) src(%dma_wait3A_252 : memref<512x8xf32, #tpu.memory_space<hbm>>) dst(%dma_wait3A_245 : memref<512x8xf32, #tpu.memory_space<vmem>>)
      %lt3A_253 = arith.constant 391 : i32
      %lt3A_254 = arith.cmpi slt, %scan3A_205, %lt3A_253 : i32
      %convert_element_type3A_255 = arith.extui %lt3A_254 : i1 to i32
      %cond3A_256 = arith.constant 0 : i32
      %cond3A_257 = arith.cmpi ne, %convert_element_type3A_255, %cond3A_256 : i32
      scf.if %cond3A_257 {
        %dma_wait3A_288 = arith.constant 0 : i32
        %dma_wait3A_289 = arith.constant 0 : i32
        %dma_wait3A_290 = tpu.memref_slice %arg2[%dma_wait3A_288, %dma_wait3A_289] : memref<25088x128xi32, #tpu.memory_space<hbm>> -> memref<8x128xi32, #tpu.memory_space<hbm>>
        %dma_wait3A_291 = arith.constant 0 : i32
        %dma_wait3A_292 = arith.constant 0 : i32
        %dma_wait3A_293 = tpu.memref_slice %arg2[%dma_wait3A_291, %dma_wait3A_292] : memref<25088x128xi32, #tpu.memory_space<hbm>> -> memref<8x128xi32, #tpu.memory_space<hbm>>
        tpu.wait_dma2 semaphore(%arg18 : memref<!tpu.dma_semaphore, #tpu.memory_space<semaphore_mem>>) src(%dma_wait3A_293 : memref<8x128xi32, #tpu.memory_space<hbm>>) dst(%arg11 : memref<8x128xi32, #tpu.memory_space<vmem>>)
        %mul3A_294 = arith.constant 4 : i32
        %mul3A_295 = arith.muli %sub3A_209, %mul3A_294 : i32
        %add3A_296 = arith.constant 0 : i32
        %add3A_297 = arith.addi %mul3A_295, %add3A_296 : i32
        %mul3A_298 = arith.constant 128 : i32
        %mul3A_299 = arith.muli %add3A_297, %mul3A_298 : i32
        %mul3A_300 = arith.constant 4 : i32
        %mul3A_301 = arith.muli %sub3A_209, %mul3A_300 : i32
        %add3A_302 = arith.constant 0 : i32
        %add3A_303 = arith.addi %mul3A_301, %add3A_302 : i32
        %mul3A_304 = arith.constant 4 : i32
        %mul3A_305 = arith.muli %sub3A_209, %mul3A_304 : i32
        %add3A_306 = arith.constant 0 : i32
        %add3A_307 = arith.addi %mul3A_305, %add3A_306 : i32
        %mul3A_308 = arith.constant 4 : i32
        %mul3A_309 = arith.muli %sub3A_209, %mul3A_308 : i32
        %add3A_310 = arith.constant 1 : i32
        %add3A_311 = arith.addi %mul3A_309, %add3A_310 : i32
        %mul3A_312 = arith.constant 128 : i32
        %mul3A_313 = arith.muli %add3A_311, %mul3A_312 : i32
        %mul3A_314 = arith.constant 4 : i32
        %mul3A_315 = arith.muli %sub3A_209, %mul3A_314 : i32
        %add3A_316 = arith.constant 1 : i32
        %add3A_317 = arith.addi %mul3A_315, %add3A_316 : i32
        %mul3A_318 = arith.constant 4 : i32
        %mul3A_319 = arith.muli %sub3A_209, %mul3A_318 : i32
        %add3A_320 = arith.constant 1 : i32
        %add3A_321 = arith.addi %mul3A_319, %add3A_320 : i32
        %mul3A_322 = arith.constant 4 : i32
        %mul3A_323 = arith.muli %sub3A_209, %mul3A_322 : i32
        %add3A_324 = arith.constant 2 : i32
        %add3A_325 = arith.addi %mul3A_323, %add3A_324 : i32
        %mul3A_326 = arith.constant 128 : i32
        %mul3A_327 = arith.muli %add3A_325, %mul3A_326 : i32
        %mul3A_328 = arith.constant 4 : i32
        %mul3A_329 = arith.muli %sub3A_209, %mul3A_328 : i32
        %add3A_330 = arith.constant 2 : i32
        %add3A_331 = arith.addi %mul3A_329, %add3A_330 : i32
        %mul3A_332 = arith.constant 4 : i32
        %mul3A_333 = arith.muli %sub3A_209, %mul3A_332 : i32
        %add3A_334 = arith.constant 2 : i32
        %add3A_335 = arith.addi %mul3A_333, %add3A_334 : i32
        %mul3A_336 = arith.constant 4 : i32
        %mul3A_337 = arith.muli %sub3A_209, %mul3A_336 : i32
        %add3A_338 = arith.constant 3 : i32
        %add3A_339 = arith.addi %mul3A_337, %add3A_338 : i32
        %mul3A_340 = arith.constant 128 : i32
        %mul3A_341 = arith.muli %add3A_339, %mul3A_340 : i32
        %mul3A_342 = arith.constant 4 : i32
        %mul3A_343 = arith.muli %sub3A_209, %mul3A_342 : i32
        %add3A_344 = arith.constant 3 : i32
        %add3A_345 = arith.addi %mul3A_343, %add3A_344 : i32
        %mul3A_346 = arith.constant 4 : i32
        %mul3A_347 = arith.muli %sub3A_209, %mul3A_346 : i32
        %add3A_348 = arith.constant 3 : i32
        %add3A_349 = arith.addi %mul3A_347, %add3A_348 : i32
        %dma_start3A_350 = arith.constant 0 : i32
        %dma_start3A_351 = tpu.memref_slice %arg13[%mul3A_299, %dma_start3A_350] : memref<1024x8xf32, #tpu.memory_space<vmem>> -> memref<128x8xf32, #tpu.memory_space<vmem>>
        %dma_start3A_352 = arith.constant 0 : i32
        %dma_start3A_353 = tpu.memref_slice %arg11[%add3A_303, %dma_start3A_352] : memref<8x128xi32, #tpu.memory_space<vmem>> -> memref<1x128xi32, #tpu.memory_space<vmem>>
        %dma_start3A_354 = tpu.memref_squeeze %dma_start3A_353 : memref<1x128xi32, #tpu.memory_space<vmem>> -> memref<128xi32, #tpu.memory_space<vmem>>
        %dma_start3A_355 = arith.constant 0 : i32
        %dma_start3A_356 = arith.constant 0 : i32
        %dma_start3A_357 = tpu.memref_slice %arg9[%dma_start3A_355, %dma_start3A_356] : memref<100352x8xf32, #tpu.memory_space<vmem_shared>> -> memref<100352x8xf32, #tpu.memory_space<vmem_shared>>
        tpu.enqueue_indirect_dma source(%dma_start3A_357 : memref<100352x8xf32, #tpu.memory_space<vmem_shared>>) target(%dma_start3A_351 : memref<128x8xf32, #tpu.memory_space<vmem>>) offsets(%dma_start3A_354 : memref<128xi32, #tpu.memory_space<vmem>>) semaphore(%arg19 : memref<!tpu.dma_semaphore, #tpu.memory_space<semaphore_mem>>)
        %dma_start3A_358 = arith.constant 0 : i32
        %dma_start3A_359 = tpu.memref_slice %arg14[%mul3A_299, %dma_start3A_358] : memref<1024x8xf32, #tpu.memory_space<vmem>> -> memref<128x8xf32, #tpu.memory_space<vmem>>
        %dma_start3A_360 = arith.constant 0 : i32
        %dma_start3A_361 = tpu.memref_slice %arg12[%add3A_307, %dma_start3A_360] : memref<8x128xi32, #tpu.memory_space<vmem>> -> memref<1x128xi32, #tpu.memory_space<vmem>>
        %dma_start3A_362 = tpu.memref_squeeze %dma_start3A_361 : memref<1x128xi32, #tpu.memory_space<vmem>> -> memref<128xi32, #tpu.memory_space<vmem>>
        %dma_start3A_363 = arith.constant 0 : i32
        %dma_start3A_364 = arith.constant 0 : i32
        %dma_start3A_365 = tpu.memref_slice %arg10[%dma_start3A_363, %dma_start3A_364] : memref<100352x8xf32, #tpu.memory_space<vmem_shared>> -> memref<100352x8xf32, #tpu.memory_space<vmem_shared>>
        tpu.enqueue_indirect_dma source(%dma_start3A_365 : memref<100352x8xf32, #tpu.memory_space<vmem_shared>>) target(%dma_start3A_359 : memref<128x8xf32, #tpu.memory_space<vmem>>) offsets(%dma_start3A_362 : memref<128xi32, #tpu.memory_space<vmem>>) semaphore(%arg19 : memref<!tpu.dma_semaphore, #tpu.memory_space<semaphore_mem>>)
        %dma_start3A_366 = arith.constant 0 : i32
        %dma_start3A_367 = tpu.memref_slice %arg13[%mul3A_313, %dma_start3A_366] : memref<1024x8xf32, #tpu.memory_space<vmem>> -> memref<128x8xf32, #tpu.memory_space<vmem>>
        %dma_start3A_368 = arith.constant 0 : i32
        %dma_start3A_369 = tpu.memref_slice %arg11[%add3A_317, %dma_start3A_368] : memref<8x128xi32, #tpu.memory_space<vmem>> -> memref<1x128xi32, #tpu.memory_space<vmem>>
        %dma_start3A_370 = tpu.memref_squeeze %dma_start3A_369 : memref<1x128xi32, #tpu.memory_space<vmem>> -> memref<128xi32, #tpu.memory_space<vmem>>
        %dma_start3A_371 = arith.constant 0 : i32
        %dma_start3A_372 = arith.constant 0 : i32
        %dma_start3A_373 = tpu.memref_slice %arg9[%dma_start3A_371, %dma_start3A_372] : memref<100352x8xf32, #tpu.memory_space<vmem_shared>> -> memref<100352x8xf32, #tpu.memory_space<vmem_shared>>
        tpu.enqueue_indirect_dma source(%dma_start3A_373 : memref<100352x8xf32, #tpu.memory_space<vmem_shared>>) target(%dma_start3A_367 : memref<128x8xf32, #tpu.memory_space<vmem>>) offsets(%dma_start3A_370 : memref<128xi32, #tpu.memory_space<vmem>>) semaphore(%arg19 : memref<!tpu.dma_semaphore, #tpu.memory_space<semaphore_mem>>)
        %dma_start3A_374 = arith.constant 0 : i32
        %dma_start3A_375 = tpu.memref_slice %arg14[%mul3A_313, %dma_start3A_374] : memref<1024x8xf32, #tpu.memory_space<vmem>> -> memref<128x8xf32, #tpu.memory_space<vmem>>
        %dma_start3A_376 = arith.constant 0 : i32
        %dma_start3A_377 = tpu.memref_slice %arg12[%add3A_321, %dma_start3A_376] : memref<8x128xi32, #tpu.memory_space<vmem>> -> memref<1x128xi32, #tpu.memory_space<vmem>>
        %dma_start3A_378 = tpu.memref_squeeze %dma_start3A_377 : memref<1x128xi32, #tpu.memory_space<vmem>> -> memref<128xi32, #tpu.memory_space<vmem>>
        %dma_start3A_379 = arith.constant 0 : i32
        %dma_start3A_380 = arith.constant 0 : i32
        %dma_start3A_381 = tpu.memref_slice %arg10[%dma_start3A_379, %dma_start3A_380] : memref<100352x8xf32, #tpu.memory_space<vmem_shared>> -> memref<100352x8xf32, #tpu.memory_space<vmem_shared>>
        tpu.enqueue_indirect_dma source(%dma_start3A_381 : memref<100352x8xf32, #tpu.memory_space<vmem_shared>>) target(%dma_start3A_375 : memref<128x8xf32, #tpu.memory_space<vmem>>) offsets(%dma_start3A_378 : memref<128xi32, #tpu.memory_space<vmem>>) semaphore(%arg19 : memref<!tpu.dma_semaphore, #tpu.memory_space<semaphore_mem>>)
        %dma_start3A_382 = arith.constant 0 : i32
        %dma_start3A_383 = tpu.memref_slice %arg13[%mul3A_327, %dma_start3A_382] : memref<1024x8xf32, #tpu.memory_space<vmem>> -> memref<128x8xf32, #tpu.memory_space<vmem>>
        %dma_start3A_384 = arith.constant 0 : i32
        %dma_start3A_385 = tpu.memref_slice %arg11[%add3A_331, %dma_start3A_384] : memref<8x128xi32, #tpu.memory_space<vmem>> -> memref<1x128xi32, #tpu.memory_space<vmem>>
        %dma_start3A_386 = tpu.memref_squeeze %dma_start3A_385 : memref<1x128xi32, #tpu.memory_space<vmem>> -> memref<128xi32, #tpu.memory_space<vmem>>
        %dma_start3A_387 = arith.constant 0 : i32
        %dma_start3A_388 = arith.constant 0 : i32
        %dma_start3A_389 = tpu.memref_slice %arg9[%dma_start3A_387, %dma_start3A_388] : memref<100352x8xf32, #tpu.memory_space<vmem_shared>> -> memref<100352x8xf32, #tpu.memory_space<vmem_shared>>
        tpu.enqueue_indirect_dma source(%dma_start3A_389 : memref<100352x8xf32, #tpu.memory_space<vmem_shared>>) target(%dma_start3A_383 : memref<128x8xf32, #tpu.memory_space<vmem>>) offsets(%dma_start3A_386 : memref<128xi32, #tpu.memory_space<vmem>>) semaphore(%arg19 : memref<!tpu.dma_semaphore, #tpu.memory_space<semaphore_mem>>)
        %dma_start3A_390 = arith.constant 0 : i32
        %dma_start3A_391 = tpu.memref_slice %arg14[%mul3A_327, %dma_start3A_390] : memref<1024x8xf32, #tpu.memory_space<vmem>> -> memref<128x8xf32, #tpu.memory_space<vmem>>
        %dma_start3A_392 = arith.constant 0 : i32
        %dma_start3A_393 = tpu.memref_slice %arg12[%add3A_335, %dma_start3A_392] : memref<8x128xi32, #tpu.memory_space<vmem>> -> memref<1x128xi32, #tpu.memory_space<vmem>>
        %dma_start3A_394 = tpu.memref_squeeze %dma_start3A_393 : memref<1x128xi32, #tpu.memory_space<vmem>> -> memref<128xi32, #tpu.memory_space<vmem>>
        %dma_start3A_395 = arith.constant 0 : i32
        %dma_start3A_396 = arith.constant 0 : i32
        %dma_start3A_397 = tpu.memref_slice %arg10[%dma_start3A_395, %dma_start3A_396] : memref<100352x8xf32, #tpu.memory_space<vmem_shared>> -> memref<100352x8xf32, #tpu.memory_space<vmem_shared>>
        tpu.enqueue_indirect_dma source(%dma_start3A_397 : memref<100352x8xf32, #tpu.memory_space<vmem_shared>>) target(%dma_start3A_391 : memref<128x8xf32, #tpu.memory_space<vmem>>) offsets(%dma_start3A_394 : memref<128xi32, #tpu.memory_space<vmem>>) semaphore(%arg19 : memref<!tpu.dma_semaphore, #tpu.memory_space<semaphore_mem>>)
        %dma_start3A_398 = arith.constant 0 : i32
        %dma_start3A_399 = tpu.memref_slice %arg13[%mul3A_341, %dma_start3A_398] : memref<1024x8xf32, #tpu.memory_space<vmem>> -> memref<128x8xf32, #tpu.memory_space<vmem>>
        %dma_start3A_400 = arith.constant 0 : i32
        %dma_start3A_401 = tpu.memref_slice %arg11[%add3A_345, %dma_start3A_400] : memref<8x128xi32, #tpu.memory_space<vmem>> -> memref<1x128xi32, #tpu.memory_space<vmem>>
        %dma_start3A_402 = tpu.memref_squeeze %dma_start3A_401 : memref<1x128xi32, #tpu.memory_space<vmem>> -> memref<128xi32, #tpu.memory_space<vmem>>
        %dma_start3A_403 = arith.constant 0 : i32
        %dma_start3A_404 = arith.constant 0 : i32
        %dma_start3A_405 = tpu.memref_slice %arg9[%dma_start3A_403, %dma_start3A_404] : memref<100352x8xf32, #tpu.memory_space<vmem_shared>> -> memref<100352x8xf32, #tpu.memory_space<vmem_shared>>
        tpu.enqueue_indirect_dma source(%dma_start3A_405 : memref<100352x8xf32, #tpu.memory_space<vmem_shared>>) target(%dma_start3A_399 : memref<128x8xf32, #tpu.memory_space<vmem>>) offsets(%dma_start3A_402 : memref<128xi32, #tpu.memory_space<vmem>>) semaphore(%arg19 : memref<!tpu.dma_semaphore, #tpu.memory_space<semaphore_mem>>)
        %dma_start3A_406 = arith.constant 0 : i32
        %dma_start3A_407 = tpu.memref_slice %arg14[%mul3A_341, %dma_start3A_406] : memref<1024x8xf32, #tpu.memory_space<vmem>> -> memref<128x8xf32, #tpu.memory_space<vmem>>
        %dma_start3A_408 = arith.constant 0 : i32
        %dma_start3A_409 = tpu.memref_slice %arg12[%add3A_349, %dma_start3A_408] : memref<8x128xi32, #tpu.memory_space<vmem>> -> memref<1x128xi32, #tpu.memory_space<vmem>>
        %dma_start3A_410 = tpu.memref_squeeze %dma_start3A_409 : memref<1x128xi32, #tpu.memory_space<vmem>> -> memref<128xi32, #tpu.memory_space<vmem>>
        %dma_start3A_411 = arith.constant 0 : i32
        %dma_start3A_412 = arith.constant 0 : i32
        %dma_start3A_413 = tpu.memref_slice %arg10[%dma_start3A_411, %dma_start3A_412] : memref<100352x8xf32, #tpu.memory_space<vmem_shared>> -> memref<100352x8xf32, #tpu.memory_space<vmem_shared>>
        tpu.enqueue_indirect_dma source(%dma_start3A_413 : memref<100352x8xf32, #tpu.memory_space<vmem_shared>>) target(%dma_start3A_407 : memref<128x8xf32, #tpu.memory_space<vmem>>) offsets(%dma_start3A_410 : memref<128xi32, #tpu.memory_space<vmem>>) semaphore(%arg19 : memref<!tpu.dma_semaphore, #tpu.memory_space<semaphore_mem>>)
      } else {
      }
      %ge3A = arith.constant 2 : i32
      %ge3A_258 = arith.cmpi sge, %scan3A_205, %ge3A : i32
      %convert_element_type3A_259 = arith.extui %ge3A_258 : i1 to i32
      %cond3A_260 = arith.constant 0 : i32
      %cond3A_261 = arith.cmpi ne, %convert_element_type3A_259, %cond3A_260 : i32
      scf.if %cond3A_261 {
        %sub3A_288 = arith.constant 2 : i32
        %sub3A_289 = arith.subi %scan3A_205, %sub3A_288 : i32
        %mul3A_290 = arith.constant 1568 : i32
        %mul3A_291 = arith.muli %arg1, %mul3A_290 : i32
        %mul3A_292 = arith.constant 4 : i32
        %mul3A_293 = arith.muli %sub3A_289, %mul3A_292 : i32
        %add3A_294 = arith.addi %mul3A_291, %mul3A_293 : i32
        %mul3A_295 = arith.constant 512 : i32
        %mul3A_296 = arith.muli %rem3A_207, %mul3A_295 : i32
        %mul3A_297 = arith.constant 128 : i32
        %mul3A_298 = arith.muli %add3A_294, %mul3A_297 : i32
        %dma_wait3A_299 = tpu.memref_slice %arg15[%mul3A_296] : memref<1024xf32, #tpu.memory_space<vmem>> -> memref<512xf32, #tpu.memory_space<vmem>>
        %dma_wait3A_300 = arith.constant 0 : i32
        %dma_wait3A_301 = tpu.memref_slice %arg8[%arg0, %dma_wait3A_300] : memref<2x3211264xf32, #tpu.memory_space<hbm>> -> memref<1x3211264xf32, #tpu.memory_space<hbm>>
        %dma_wait3A_302 = tpu.memref_squeeze %dma_wait3A_301 : memref<1x3211264xf32, #tpu.memory_space<hbm>> -> memref<3211264xf32, #tpu.memory_space<hbm>>
        %dma_wait3A_303 = tpu.memref_slice %dma_wait3A_302[%mul3A_298] : memref<3211264xf32, #tpu.memory_space<hbm>> -> memref<512xf32, #tpu.memory_space<hbm>>
        %dma_wait3A_304 = arith.constant 0 : i32
        %dma_wait3A_305 = tpu.memref_slice %arg8[%arg0, %dma_wait3A_304] : memref<2x3211264xf32, #tpu.memory_space<hbm>> -> memref<1x3211264xf32, #tpu.memory_space<hbm>>
        %dma_wait3A_306 = tpu.memref_squeeze %dma_wait3A_305 : memref<1x3211264xf32, #tpu.memory_space<hbm>> -> memref<3211264xf32, #tpu.memory_space<hbm>>
        %dma_wait3A_307 = tpu.memref_slice %dma_wait3A_306[%mul3A_298] : memref<3211264xf32, #tpu.memory_space<hbm>> -> memref<512xf32, #tpu.memory_space<hbm>>
        %dma_wait3A_308 = tpu.memref_slice %arg15[%mul3A_296] : memref<1024xf32, #tpu.memory_space<vmem>> -> memref<512xf32, #tpu.memory_space<vmem>>
        tpu.wait_dma2 semaphore(%arg20 : memref<!tpu.dma_semaphore, #tpu.memory_space<semaphore_mem>>) src(%dma_wait3A_308 : memref<512xf32, #tpu.memory_space<vmem>>) dst(%dma_wait3A_307 : memref<512xf32, #tpu.memory_space<hbm>>)
      } else {
      }
      %mul3A_262 = arith.constant 512 : i32
      %mul3A_263 = arith.muli %rem3A_207, %mul3A_262 : i32
      %scan3A_264 = arith.constant 0 : i32
      %scan3A_265 = arith.constant 32 : i32
      %scan3A_266 = arith.addi %scan3A_264, %scan3A_265 : i32
      %scan3A_267 = arith.constant 1 : i32
      scf.for %scan3A_288 = %scan3A_264 to %scan3A_266 step %scan3A_267  : i32 {
        %mul3A_289 = arith.constant 1 : i32
        %mul3A_290 = arith.muli %scan3A_288, %mul3A_289 : i32
        %add3A_291 = arith.constant 0 : i32
        %add3A_292 = arith.addi %add3A_291, %mul3A_290 : i32
        %mul3A_293 = arith.constant 16 : i32
        %mul3A_294 = arith.muli %add3A_292, %mul3A_293 : i32
        %add3A_295 = arith.addi %mul3A_263, %mul3A_294 : i32
        %add3A_296 = vector.broadcast %add3A_295 : i32 to vector<16xi32>
        %add3A_297 = arith.addi %add3A_296, %iota3A : vector<16xi32>
        %gather3A = tpu.vector_load_idx %arg13[%add3A_297, %broadcast_in_dim3A_37] : memref<1024x8xf32, #tpu.memory_space<vmem>>[vector<16xi32>, vector<16xi32>], vector<16xf32>,
        %gather3A_298 = tpu.vector_load_idx %arg14[%add3A_297, %broadcast_in_dim3A_37] : memref<1024x8xf32, #tpu.memory_space<vmem>>[vector<16xi32>, vector<16xi32>], vector<16xf32>,
        %add3A_299 = arith.addf %gather3A, %gather3A_298 : vector<16xf32>
        %max3A = arith.constant 0.000000e+00 : f32
        %max3A_300 = vector.broadcast %max3A : f32 to vector<16xf32>
        %max3A_301 = arith.maximumf %add3A_299, %max3A_300 : vector<16xf32>
        %bitcast3A = vector.bitcast %max3A_301 : vector<16xf32> to vector<16xi32>
        %add3A_302 = arith.constant 32767 : i32
        %add3A_303 = vector.broadcast %add3A_302 : i32 to vector<16xi32>
        %add3A_304 = arith.addi %bitcast3A, %add3A_303 : vector<16xi32>
        %shift_right_logical3A = arith.constant 16 : i32
        %shift_right_logical3A_305 = vector.broadcast %shift_right_logical3A : i32 to vector<16xi32>
        %shift_right_logical3A_306 = arith.shrui %bitcast3A, %shift_right_logical3A_305 : vector<16xi32>
        %and3A = arith.constant 1 : i32
        %and3A_307 = vector.broadcast %and3A : i32 to vector<16xi32>
        %and3A_308 = arith.andi %shift_right_logical3A_306, %and3A_307 : vector<16xi32>
        %add3A_309 = arith.addi %add3A_304, %and3A_308 : vector<16xi32>
        %and3A_310 = arith.constant -65536 : i32
        %and3A_311 = vector.broadcast %and3A_310 : i32 to vector<16xi32>
        %and3A_312 = arith.andi %add3A_309, %and3A_311 : vector<16xi32>
        %bitcast3A_313 = vector.bitcast %and3A_312 : vector<16xi32> to vector<16xf32>
        %mul3A_314 = arith.mulf %bitcast3A_313, %get3A_3 : vector<16xf32>
        %add3A_315 = arith.addf %mul3A_36, %mul3A_314 : vector<16xf32>
        %gather3A_316 = tpu.vector_load_idx %arg13[%add3A_297, %broadcast_in_dim3A_39] : memref<1024x8xf32, #tpu.memory_space<vmem>>[vector<16xi32>, vector<16xi32>], vector<16xf32>,
        %gather3A_317 = tpu.vector_load_idx %arg14[%add3A_297, %broadcast_in_dim3A_39] : memref<1024x8xf32, #tpu.memory_space<vmem>>[vector<16xi32>, vector<16xi32>], vector<16xf32>,
        %add3A_318 = arith.addf %gather3A_316, %gather3A_317 : vector<16xf32>
        %max3A_319 = arith.constant 0.000000e+00 : f32
        %max3A_320 = vector.broadcast %max3A_319 : f32 to vector<16xf32>
        %max3A_321 = arith.maximumf %add3A_318, %max3A_320 : vector<16xf32>
        %bitcast3A_322 = vector.bitcast %max3A_321 : vector<16xf32> to vector<16xi32>
        %add3A_323 = arith.constant 32767 : i32
        %add3A_324 = vector.broadcast %add3A_323 : i32 to vector<16xi32>
        %add3A_325 = arith.addi %bitcast3A_322, %add3A_324 : vector<16xi32>
        %shift_right_logical3A_326 = arith.constant 16 : i32
        %shift_right_logical3A_327 = vector.broadcast %shift_right_logical3A_326 : i32 to vector<16xi32>
        %shift_right_logical3A_328 = arith.shrui %bitcast3A_322, %shift_right_logical3A_327 : vector<16xi32>
        %and3A_329 = arith.constant 1 : i32
        %and3A_330 = vector.broadcast %and3A_329 : i32 to vector<16xi32>
        %and3A_331 = arith.andi %shift_right_logical3A_328, %and3A_330 : vector<16xi32>
        %add3A_332 = arith.addi %add3A_325, %and3A_331 : vector<16xi32>
        %and3A_333 = arith.constant -65536 : i32
        %and3A_334 = vector.broadcast %and3A_333 : i32 to vector<16xi32>
        %and3A_335 = arith.andi %add3A_332, %and3A_334 : vector<16xi32>
        %bitcast3A_336 = vector.bitcast %and3A_335 : vector<16xi32> to vector<16xf32>
        %mul3A_337 = arith.mulf %bitcast3A_336, %get3A_7 : vector<16xf32>
        %add3A_338 = arith.addf %add3A_315, %mul3A_337 : vector<16xf32>
        %gather3A_339 = tpu.vector_load_idx %arg13[%add3A_297, %broadcast_in_dim3A_41] : memref<1024x8xf32, #tpu.memory_space<vmem>>[vector<16xi32>, vector<16xi32>], vector<16xf32>,
        %gather3A_340 = tpu.vector_load_idx %arg14[%add3A_297, %broadcast_in_dim3A_41] : memref<1024x8xf32, #tpu.memory_space<vmem>>[vector<16xi32>, vector<16xi32>], vector<16xf32>,
        %add3A_341 = arith.addf %gather3A_339, %gather3A_340 : vector<16xf32>
        %max3A_342 = arith.constant 0.000000e+00 : f32
        %max3A_343 = vector.broadcast %max3A_342 : f32 to vector<16xf32>
        %max3A_344 = arith.maximumf %add3A_341, %max3A_343 : vector<16xf32>
        %bitcast3A_345 = vector.bitcast %max3A_344 : vector<16xf32> to vector<16xi32>
        %add3A_346 = arith.constant 32767 : i32
        %add3A_347 = vector.broadcast %add3A_346 : i32 to vector<16xi32>
        %add3A_348 = arith.addi %bitcast3A_345, %add3A_347 : vector<16xi32>
        %shift_right_logical3A_349 = arith.constant 16 : i32
        %shift_right_logical3A_350 = vector.broadcast %shift_right_logical3A_349 : i32 to vector<16xi32>
        %shift_right_logical3A_351 = arith.shrui %bitcast3A_345, %shift_right_logical3A_350 : vector<16xi32>
        %and3A_352 = arith.constant 1 : i32
        %and3A_353 = vector.broadcast %and3A_352 : i32 to vector<16xi32>
        %and3A_354 = arith.andi %shift_right_logical3A_351, %and3A_353 : vector<16xi32>
        %add3A_355 = arith.addi %add3A_348, %and3A_354 : vector<16xi32>
        %and3A_356 = arith.constant -65536 : i32
        %and3A_357 = vector.broadcast %and3A_356 : i32 to vector<16xi32>
        %and3A_358 = arith.andi %add3A_355, %and3A_357 : vector<16xi32>
        %bitcast3A_359 = vector.bitcast %and3A_358 : vector<16xi32> to vector<16xf32>
        %mul3A_360 = arith.mulf %bitcast3A_359, %get3A_11 : vector<16xf32>
        %add3A_361 = arith.addf %add3A_338, %mul3A_360 : vector<16xf32>
        %gather3A_362 = tpu.vector_load_idx %arg13[%add3A_297, %broadcast_in_dim3A_43] : memref<1024x8xf32, #tpu.memory_space<vmem>>[vector<16xi32>, vector<16xi32>], vector<16xf32>,
        %gather3A_363 = tpu.vector_load_idx %arg14[%add3A_297, %broadcast_in_dim3A_43] : memref<1024x8xf32, #tpu.memory_space<vmem>>[vector<16xi32>, vector<16xi32>], vector<16xf32>,
        %add3A_364 = arith.addf %gather3A_362, %gather3A_363 : vector<16xf32>
        %max3A_365 = arith.constant 0.000000e+00 : f32
        %max3A_366 = vector.broadcast %max3A_365 : f32 to vector<16xf32>
        %max3A_367 = arith.maximumf %add3A_364, %max3A_366 : vector<16xf32>
        %bitcast3A_368 = vector.bitcast %max3A_367 : vector<16xf32> to vector<16xi32>
        %add3A_369 = arith.constant 32767 : i32
        %add3A_370 = vector.broadcast %add3A_369 : i32 to vector<16xi32>
        %add3A_371 = arith.addi %bitcast3A_368, %add3A_370 : vector<16xi32>
        %shift_right_logical3A_372 = arith.constant 16 : i32
        %shift_right_logical3A_373 = vector.broadcast %shift_right_logical3A_372 : i32 to vector<16xi32>
        %shift_right_logical3A_374 = arith.shrui %bitcast3A_368, %shift_right_logical3A_373 : vector<16xi32>
        %and3A_375 = arith.constant 1 : i32
        %and3A_376 = vector.broadcast %and3A_375 : i32 to vector<16xi32>
        %and3A_377 = arith.andi %shift_right_logical3A_374, %and3A_376 : vector<16xi32>
        %add3A_378 = arith.addi %add3A_371, %and3A_377 : vector<16xi32>
        %and3A_379 = arith.constant -65536 : i32
        %and3A_380 = vector.broadcast %and3A_379 : i32 to vector<16xi32>
        %and3A_381 = arith.andi %add3A_378, %and3A_380 : vector<16xi32>
        %bitcast3A_382 = vector.bitcast %and3A_381 : vector<16xi32> to vector<16xf32>
        %mul3A_383 = arith.mulf %bitcast3A_382, %get3A_15 : vector<16xf32>
        %add3A_384 = arith.addf %add3A_361, %mul3A_383 : vector<16xf32>
        %gather3A_385 = tpu.vector_load_idx %arg13[%add3A_297, %broadcast_in_dim3A_45] : memref<1024x8xf32, #tpu.memory_space<vmem>>[vector<16xi32>, vector<16xi32>], vector<16xf32>,
        %gather3A_386 = tpu.vector_load_idx %arg14[%add3A_297, %broadcast_in_dim3A_45] : memref<1024x8xf32, #tpu.memory_space<vmem>>[vector<16xi32>, vector<16xi32>], vector<16xf32>,
        %add3A_387 = arith.addf %gather3A_385, %gather3A_386 : vector<16xf32>
        %max3A_388 = arith.constant 0.000000e+00 : f32
        %max3A_389 = vector.broadcast %max3A_388 : f32 to vector<16xf32>
        %max3A_390 = arith.maximumf %add3A_387, %max3A_389 : vector<16xf32>
        %bitcast3A_391 = vector.bitcast %max3A_390 : vector<16xf32> to vector<16xi32>
        %add3A_392 = arith.constant 32767 : i32
        %add3A_393 = vector.broadcast %add3A_392 : i32 to vector<16xi32>
        %add3A_394 = arith.addi %bitcast3A_391, %add3A_393 : vector<16xi32>
        %shift_right_logical3A_395 = arith.constant 16 : i32
        %shift_right_logical3A_396 = vector.broadcast %shift_right_logical3A_395 : i32 to vector<16xi32>
        %shift_right_logical3A_397 = arith.shrui %bitcast3A_391, %shift_right_logical3A_396 : vector<16xi32>
        %and3A_398 = arith.constant 1 : i32
        %and3A_399 = vector.broadcast %and3A_398 : i32 to vector<16xi32>
        %and3A_400 = arith.andi %shift_right_logical3A_397, %and3A_399 : vector<16xi32>
        %add3A_401 = arith.addi %add3A_394, %and3A_400 : vector<16xi32>
        %and3A_402 = arith.constant -65536 : i32
        %and3A_403 = vector.broadcast %and3A_402 : i32 to vector<16xi32>
        %and3A_404 = arith.andi %add3A_401, %and3A_403 : vector<16xi32>
        %bitcast3A_405 = vector.bitcast %and3A_404 : vector<16xi32> to vector<16xf32>
        %mul3A_406 = arith.mulf %bitcast3A_405, %get3A_19 : vector<16xf32>
        %add3A_407 = arith.addf %add3A_384, %mul3A_406 : vector<16xf32>
        %gather3A_408 = tpu.vector_load_idx %arg13[%add3A_297, %broadcast_in_dim3A_47] : memref<1024x8xf32, #tpu.memory_space<vmem>>[vector<16xi32>, vector<16xi32>], vector<16xf32>,
        %gather3A_409 = tpu.vector_load_idx %arg14[%add3A_297, %broadcast_in_dim3A_47] : memref<1024x8xf32, #tpu.memory_space<vmem>>[vector<16xi32>, vector<16xi32>], vector<16xf32>,
        %add3A_410 = arith.addf %gather3A_408, %gather3A_409 : vector<16xf32>
        %max3A_411 = arith.constant 0.000000e+00 : f32
        %max3A_412 = vector.broadcast %max3A_411 : f32 to vector<16xf32>
        %max3A_413 = arith.maximumf %add3A_410, %max3A_412 : vector<16xf32>
        %bitcast3A_414 = vector.bitcast %max3A_413 : vector<16xf32> to vector<16xi32>
        %add3A_415 = arith.constant 32767 : i32
        %add3A_416 = vector.broadcast %add3A_415 : i32 to vector<16xi32>
        %add3A_417 = arith.addi %bitcast3A_414, %add3A_416 : vector<16xi32>
        %shift_right_logical3A_418 = arith.constant 16 : i32
        %shift_right_logical3A_419 = vector.broadcast %shift_right_logical3A_418 : i32 to vector<16xi32>
        %shift_right_logical3A_420 = arith.shrui %bitcast3A_414, %shift_right_logical3A_419 : vector<16xi32>
        %and3A_421 = arith.constant 1 : i32
        %and3A_422 = vector.broadcast %and3A_421 : i32 to vector<16xi32>
        %and3A_423 = arith.andi %shift_right_logical3A_420, %and3A_422 : vector<16xi32>
        %add3A_424 = arith.addi %add3A_417, %and3A_423 : vector<16xi32>
        %and3A_425 = arith.constant -65536 : i32
        %and3A_426 = vector.broadcast %and3A_425 : i32 to vector<16xi32>
        %and3A_427 = arith.andi %add3A_424, %and3A_426 : vector<16xi32>
        %bitcast3A_428 = vector.bitcast %and3A_427 : vector<16xi32> to vector<16xf32>
        %mul3A_429 = arith.mulf %bitcast3A_428, %get3A_23 : vector<16xf32>
        %add3A_430 = arith.addf %add3A_407, %mul3A_429 : vector<16xf32>
        %gather3A_431 = tpu.vector_load_idx %arg13[%add3A_297, %broadcast_in_dim3A_49] : memref<1024x8xf32, #tpu.memory_space<vmem>>[vector<16xi32>, vector<16xi32>], vector<16xf32>,
        %gather3A_432 = tpu.vector_load_idx %arg14[%add3A_297, %broadcast_in_dim3A_49] : memref<1024x8xf32, #tpu.memory_space<vmem>>[vector<16xi32>, vector<16xi32>], vector<16xf32>,
        %add3A_433 = arith.addf %gather3A_431, %gather3A_432 : vector<16xf32>
        %max3A_434 = arith.constant 0.000000e+00 : f32
        %max3A_435 = vector.broadcast %max3A_434 : f32 to vector<16xf32>
        %max3A_436 = arith.maximumf %add3A_433, %max3A_435 : vector<16xf32>
        %bitcast3A_437 = vector.bitcast %max3A_436 : vector<16xf32> to vector<16xi32>
        %add3A_438 = arith.constant 32767 : i32
        %add3A_439 = vector.broadcast %add3A_438 : i32 to vector<16xi32>
        %add3A_440 = arith.addi %bitcast3A_437, %add3A_439 : vector<16xi32>
        %shift_right_logical3A_441 = arith.constant 16 : i32
        %shift_right_logical3A_442 = vector.broadcast %shift_right_logical3A_441 : i32 to vector<16xi32>
        %shift_right_logical3A_443 = arith.shrui %bitcast3A_437, %shift_right_logical3A_442 : vector<16xi32>
        %and3A_444 = arith.constant 1 : i32
        %and3A_445 = vector.broadcast %and3A_444 : i32 to vector<16xi32>
        %and3A_446 = arith.andi %shift_right_logical3A_443, %and3A_445 : vector<16xi32>
        %add3A_447 = arith.addi %add3A_440, %and3A_446 : vector<16xi32>
        %and3A_448 = arith.constant -65536 : i32
        %and3A_449 = vector.broadcast %and3A_448 : i32 to vector<16xi32>
        %and3A_450 = arith.andi %add3A_447, %and3A_449 : vector<16xi32>
        %bitcast3A_451 = vector.bitcast %and3A_450 : vector<16xi32> to vector<16xf32>
        %mul3A_452 = arith.mulf %bitcast3A_451, %get3A_27 : vector<16xf32>
        %add3A_453 = arith.addf %add3A_430, %mul3A_452 : vector<16xf32>
        %gather3A_454 = tpu.vector_load_idx %arg13[%add3A_297, %broadcast_in_dim3A_51] : memref<1024x8xf32, #tpu.memory_space<vmem>>[vector<16xi32>, vector<16xi32>], vector<16xf32>,
        %gather3A_455 = tpu.vector_load_idx %arg14[%add3A_297, %broadcast_in_dim3A_51] : memref<1024x8xf32, #tpu.memory_space<vmem>>[vector<16xi32>, vector<16xi32>], vector<16xf32>,
        %add3A_456 = arith.addf %gather3A_454, %gather3A_455 : vector<16xf32>
        %max3A_457 = arith.constant 0.000000e+00 : f32
        %max3A_458 = vector.broadcast %max3A_457 : f32 to vector<16xf32>
        %max3A_459 = arith.maximumf %add3A_456, %max3A_458 : vector<16xf32>
        %bitcast3A_460 = vector.bitcast %max3A_459 : vector<16xf32> to vector<16xi32>
        %add3A_461 = arith.constant 32767 : i32
        %add3A_462 = vector.broadcast %add3A_461 : i32 to vector<16xi32>
        %add3A_463 = arith.addi %bitcast3A_460, %add3A_462 : vector<16xi32>
        %shift_right_logical3A_464 = arith.constant 16 : i32
        %shift_right_logical3A_465 = vector.broadcast %shift_right_logical3A_464 : i32 to vector<16xi32>
        %shift_right_logical3A_466 = arith.shrui %bitcast3A_460, %shift_right_logical3A_465 : vector<16xi32>
        %and3A_467 = arith.constant 1 : i32
        %and3A_468 = vector.broadcast %and3A_467 : i32 to vector<16xi32>
        %and3A_469 = arith.andi %shift_right_logical3A_466, %and3A_468 : vector<16xi32>
        %add3A_470 = arith.addi %add3A_463, %and3A_469 : vector<16xi32>
        %and3A_471 = arith.constant -65536 : i32
        %and3A_472 = vector.broadcast %and3A_471 : i32 to vector<16xi32>
        %and3A_473 = arith.andi %add3A_470, %and3A_472 : vector<16xi32>
        %bitcast3A_474 = vector.bitcast %and3A_473 : vector<16xi32> to vector<16xf32>
        %mul3A_475 = arith.mulf %bitcast3A_474, %get3A_31 : vector<16xf32>
        %add3A_476 = arith.addf %add3A_453, %mul3A_475 : vector<16xf32>
        %mul3A_477 = arith.constant 16 : i32
        %mul3A_478 = arith.muli %add3A_292, %mul3A_477 : i32
        %add3A_479 = arith.addi %mul3A_263, %mul3A_478 : i32
        %swap3A = arith.index_cast %add3A_479 : i32 to index
        %swap3A_480 = tpu.vector_load %arg15[%swap3A] {strides = array<i32>} : memref<1024xf32, #tpu.memory_space<vmem>>, vector<16xf32>,
        tpu.vector_store %arg15[%swap3A], %add3A_476 {strides = array<i32>} : memref<1024xf32, #tpu.memory_space<vmem>>, vector<16xf32>,
      }
      %scan3A_268 = arith.constant 32 : i32
      %mul3A_269 = arith.constant 1568 : i32
      %mul3A_270 = arith.muli %arg1, %mul3A_269 : i32
      %mul3A_271 = arith.constant 4 : i32
      %mul3A_272 = arith.muli %scan3A_205, %mul3A_271 : i32
      %add3A_273 = arith.addi %mul3A_270, %mul3A_272 : i32
      %mul3A_274 = arith.constant 512 : i32
      %mul3A_275 = arith.muli %rem3A_207, %mul3A_274 : i32
      %mul3A_276 = arith.constant 128 : i32
      %mul3A_277 = arith.muli %add3A_273, %mul3A_276 : i32
      %dma_start3A_278 = tpu.memref_slice %arg15[%mul3A_275] : memref<1024xf32, #tpu.memory_space<vmem>> -> memref<512xf32, #tpu.memory_space<vmem>>
      %dma_start3A_279 = arith.constant 0 : i32
      %dma_start3A_280 = tpu.memref_slice %arg8[%arg0, %dma_start3A_279] : memref<2x3211264xf32, #tpu.memory_space<hbm>> -> memref<1x3211264xf32, #tpu.memory_space<hbm>>
      %dma_start3A_281 = tpu.memref_squeeze %dma_start3A_280 : memref<1x3211264xf32, #tpu.memory_space<hbm>> -> memref<3211264xf32, #tpu.memory_space<hbm>>
      %dma_start3A_282 = tpu.memref_slice %dma_start3A_281[%mul3A_277] : memref<3211264xf32, #tpu.memory_space<hbm>> -> memref<512xf32, #tpu.memory_space<hbm>>
      %dma_start3A_283 = arith.constant 0 : i32
      %dma_start3A_284 = tpu.memref_slice %arg8[%arg0, %dma_start3A_283] : memref<2x3211264xf32, #tpu.memory_space<hbm>> -> memref<1x3211264xf32, #tpu.memory_space<hbm>>
      %dma_start3A_285 = tpu.memref_squeeze %dma_start3A_284 : memref<1x3211264xf32, #tpu.memory_space<hbm>> -> memref<3211264xf32, #tpu.memory_space<hbm>>
      %dma_start3A_286 = tpu.memref_slice %dma_start3A_285[%mul3A_277] : memref<3211264xf32, #tpu.memory_space<hbm>> -> memref<512xf32, #tpu.memory_space<hbm>>
      %dma_start3A_287 = tpu.memref_slice %arg15[%mul3A_275] : memref<1024xf32, #tpu.memory_space<vmem>> -> memref<512xf32, #tpu.memory_space<vmem>>
      tpu.enqueue_dma source(%dma_start3A_287 : memref<512xf32, #tpu.memory_space<vmem>>) target(%dma_start3A_286 : memref<512xf32, #tpu.memory_space<hbm>>) target_semaphore(%arg20 : memref<!tpu.dma_semaphore, #tpu.memory_space<semaphore_mem>>)
    }
    %scan3A_163 = arith.constant 392 : i32
    %rem3A = arith.constant 390 : i32
    %rem3A_164 = arith.constant 2 : i32
    %rem3A_165 = arith.remsi %rem3A, %rem3A_164 : i32
    %mul3A_166 = arith.constant 1568 : i32
    %mul3A_167 = arith.muli %arg1, %mul3A_166 : i32
    %add3A_168 = arith.constant 1560 : i32
    %add3A_169 = arith.addi %mul3A_167, %add3A_168 : i32
    %mul3A_170 = arith.constant 512 : i32
    %mul3A_171 = arith.muli %rem3A_165, %mul3A_170 : i32
    %mul3A_172 = arith.constant 128 : i32
    %mul3A_173 = arith.muli %add3A_169, %mul3A_172 : i32
    %dma_wait3A_174 = tpu.memref_slice %arg15[%mul3A_171] : memref<1024xf32, #tpu.memory_space<vmem>> -> memref<512xf32, #tpu.memory_space<vmem>>
    %dma_wait3A_175 = arith.constant 0 : i32
    %dma_wait3A_176 = tpu.memref_slice %arg8[%arg0, %dma_wait3A_175] : memref<2x3211264xf32, #tpu.memory_space<hbm>> -> memref<1x3211264xf32, #tpu.memory_space<hbm>>
    %dma_wait3A_177 = tpu.memref_squeeze %dma_wait3A_176 : memref<1x3211264xf32, #tpu.memory_space<hbm>> -> memref<3211264xf32, #tpu.memory_space<hbm>>
    %dma_wait3A_178 = tpu.memref_slice %dma_wait3A_177[%mul3A_173] : memref<3211264xf32, #tpu.memory_space<hbm>> -> memref<512xf32, #tpu.memory_space<hbm>>
    %dma_wait3A_179 = arith.constant 0 : i32
    %dma_wait3A_180 = tpu.memref_slice %arg8[%arg0, %dma_wait3A_179] : memref<2x3211264xf32, #tpu.memory_space<hbm>> -> memref<1x3211264xf32, #tpu.memory_space<hbm>>
    %dma_wait3A_181 = tpu.memref_squeeze %dma_wait3A_180 : memref<1x3211264xf32, #tpu.memory_space<hbm>> -> memref<3211264xf32, #tpu.memory_space<hbm>>
    %dma_wait3A_182 = tpu.memref_slice %dma_wait3A_181[%mul3A_173] : memref<3211264xf32, #tpu.memory_space<hbm>> -> memref<512xf32, #tpu.memory_space<hbm>>
    %dma_wait3A_183 = tpu.memref_slice %arg15[%mul3A_171] : memref<1024xf32, #tpu.memory_space<vmem>> -> memref<512xf32, #tpu.memory_space<vmem>>
    tpu.wait_dma2 semaphore(%arg20 : memref<!tpu.dma_semaphore, #tpu.memory_space<semaphore_mem>>) src(%dma_wait3A_183 : memref<512xf32, #tpu.memory_space<vmem>>) dst(%dma_wait3A_182 : memref<512xf32, #tpu.memory_space<hbm>>)
    %rem3A_184 = arith.constant 391 : i32
    %rem3A_185 = arith.constant 2 : i32
    %rem3A_186 = arith.remsi %rem3A_184, %rem3A_185 : i32
    %mul3A_187 = arith.constant 1568 : i32
    %mul3A_188 = arith.muli %arg1, %mul3A_187 : i32
    %add3A_189 = arith.constant 1564 : i32
    %add3A_190 = arith.addi %mul3A_188, %add3A_189 : i32
    %mul3A_191 = arith.constant 512 : i32
    %mul3A_192 = arith.muli %rem3A_186, %mul3A_191 : i32
    %mul3A_193 = arith.constant 128 : i32
    %mul3A_194 = arith.muli %add3A_190, %mul3A_193 : i32
    %dma_wait3A_195 = tpu.memref_slice %arg15[%mul3A_192] : memref<1024xf32, #tpu.memory_space<vmem>> -> memref<512xf32, #tpu.memory_space<vmem>>
    %dma_wait3A_196 = arith.constant 0 : i32
    %dma_wait3A_197 = tpu.memref_slice %arg8[%arg0, %dma_wait3A_196] : memref<2x3211264xf32, #tpu.memory_space<hbm>> -> memref<1x3211264xf32, #tpu.memory_space<hbm>>
    %dma_wait3A_198 = tpu.memref_squeeze %dma_wait3A_197 : memref<1x3211264xf32, #tpu.memory_space<hbm>> -> memref<3211264xf32, #tpu.memory_space<hbm>>
    %dma_wait3A_199 = tpu.memref_slice %dma_wait3A_198[%mul3A_194] : memref<3211264xf32, #tpu.memory_space<hbm>> -> memref<512xf32, #tpu.memory_space<hbm>>
    %dma_wait3A_200 = arith.constant 0 : i32
    %dma_wait3A_201 = tpu.memref_slice %arg8[%arg0, %dma_wait3A_200] : memref<2x3211264xf32, #tpu.memory_space<hbm>> -> memref<1x3211264xf32, #tpu.memory_space<hbm>>
    %dma_wait3A_202 = tpu.memref_squeeze %dma_wait3A_201 : memref<1x3211264xf32, #tpu.memory_space<hbm>> -> memref<3211264xf32, #tpu.memory_space<hbm>>
    %dma_wait3A_203 = tpu.memref_slice %dma_wait3A_202[%mul3A_194] : memref<3211264xf32, #tpu.memory_space<hbm>> -> memref<512xf32, #tpu.memory_space<hbm>>
    %dma_wait3A_204 = tpu.memref_slice %arg15[%mul3A_192] : memref<1024xf32, #tpu.memory_space<vmem>> -> memref<512xf32, #tpu.memory_space<vmem>>
    tpu.wait_dma2 semaphore(%arg20 : memref<!tpu.dma_semaphore, #tpu.memory_space<semaphore_mem>>) src(%dma_wait3A_204 : memref<512xf32, #tpu.memory_space<vmem>>) dst(%dma_wait3A_203 : memref<512xf32, #tpu.memory_space<hbm>>)
    return
  }
}

#map = affine_map<(d0, d1) -> (0, 0)>
#map1 = affine_map<(d0, d1) -> (0)>
#map2 = affine_map<(d0, d1) -> (0, 0, 0)>
module attributes {stable_mosaic.version = 14 : i64} {
  func.func @_sc_scatter_body(%arg0: i32, %arg1: i32, %arg2: memref<25088x128xi32, #tpu.memory_space<hbm>>, %arg3: memref<25088x128xi32, #tpu.memory_space<hbm>>, %arg4: memref<100000x16xf32, #tpu.memory_space<hbm>>, %arg5: memref<6272x16xf32, #tpu.memory_space<hbm>>, %arg6: memref<6272xf32, #tpu.memory_space<hbm>>, %arg7: memref<2x100352x16xf32, #tpu.memory_space<hbm>>, %arg8: memref<2x100352xf32, #tpu.memory_space<hbm>>, %arg9: memref<100352x16xf32, #tpu.memory_space<vmem_shared>>, %arg10: memref<100352xf32, #tpu.memory_space<vmem_shared>>, %arg11: memref<8x128xi32, #tpu.memory_space<vmem>>, %arg12: memref<8x128xi32, #tpu.memory_space<vmem>>, %arg13: memref<1024x16xf32, #tpu.memory_space<vmem>>, %arg14: memref<512xf32, #tpu.memory_space<vmem>>, %arg15: memref<!tpu.dma_semaphore, #tpu.memory_space<semaphore_mem>>, %arg16: memref<!tpu.dma_semaphore, #tpu.memory_space<semaphore_mem>>, %arg17: memref<!tpu.dma_semaphore, #tpu.memory_space<semaphore_mem>>) attributes {dimension_semantics = [#tpu.dimension_semantics<core_parallel>, #tpu.dimension_semantics<subcore_parallel>], iteration_bounds = array<i64: 2, 16>, scalar_prefetch = 0 : i64, scratch_operands = 9 : i64, tpu.core_type = #tpu.core_type<sc_vector_subcore>, window_params = [{transform_indices = #map}, {transform_indices = #map}, {transform_indices = #map}, {transform_indices = #map}, {transform_indices = #map1}, {transform_indices = #map2}, {transform_indices = #map}]} {
    %mul3A = arith.constant 2 : i32
    %mul3A_0 = arith.muli %arg1, %mul3A : i32
    %add3A = arith.addi %mul3A_0, %arg0 : i32
    %mul3A_1 = arith.constant 6272 : i32
    %mul3A_2 = arith.muli %arg1, %mul3A_1 : i32
    "tpu.region"() ({
      %run_scoped3A = tpu.sem_alloc : memref<!tpu.dma_semaphore, #tpu.memory_space<semaphore_mem>>
      %dma_start3A_123 = arith.constant 0 : i32
      %dma_start3A_124 = tpu.memref_slice %arg9[%mul3A_2, %dma_start3A_123] : memref<100352x16xf32, #tpu.memory_space<vmem_shared>> -> memref<6272x16xf32, #tpu.memory_space<vmem_shared>>
      tpu.enqueue_dma source(%arg5 : memref<6272x16xf32, #tpu.memory_space<hbm>>) target(%dma_start3A_124 : memref<6272x16xf32, #tpu.memory_space<vmem_shared>>) target_semaphore(%run_scoped3A : memref<!tpu.dma_semaphore, #tpu.memory_space<semaphore_mem>>)
      %dma_wait3A_125 = arith.constant 0 : i32
      %dma_wait3A_126 = tpu.memref_slice %arg9[%mul3A_2, %dma_wait3A_125] : memref<100352x16xf32, #tpu.memory_space<vmem_shared>> -> memref<6272x16xf32, #tpu.memory_space<vmem_shared>>
      tpu.wait_dma2 semaphore(%run_scoped3A : memref<!tpu.dma_semaphore, #tpu.memory_space<semaphore_mem>>) src(%arg5 : memref<6272x16xf32, #tpu.memory_space<hbm>>) dst(%dma_wait3A_126 : memref<6272x16xf32, #tpu.memory_space<vmem_shared>>)
      tpu.yield
    }) : () -> ()
    "tpu.region"() ({
      %run_scoped3A = tpu.sem_alloc : memref<!tpu.dma_semaphore, #tpu.memory_space<semaphore_mem>>
      %dma_start3A_123 = tpu.memref_slice %arg10[%mul3A_2] : memref<100352xf32, #tpu.memory_space<vmem_shared>> -> memref<6272xf32, #tpu.memory_space<vmem_shared>>
      tpu.enqueue_dma source(%arg6 : memref<6272xf32, #tpu.memory_space<hbm>>) target(%dma_start3A_123 : memref<6272xf32, #tpu.memory_space<vmem_shared>>) target_semaphore(%run_scoped3A : memref<!tpu.dma_semaphore, #tpu.memory_space<semaphore_mem>>)
      %dma_wait3A_124 = tpu.memref_slice %arg10[%mul3A_2] : memref<100352xf32, #tpu.memory_space<vmem_shared>> -> memref<6272xf32, #tpu.memory_space<vmem_shared>>
      tpu.wait_dma2 semaphore(%run_scoped3A : memref<!tpu.dma_semaphore, #tpu.memory_space<semaphore_mem>>) src(%arg6 : memref<6272xf32, #tpu.memory_space<hbm>>) dst(%dma_wait3A_124 : memref<6272xf32, #tpu.memory_space<vmem_shared>>)
      tpu.yield
    }) : () -> ()
    %broadcast_in_dim3A = arith.constant 1.000000e+00 : f32
    %broadcast_in_dim3A_3 = vector.broadcast %broadcast_in_dim3A : f32 to vector<16xf32>
    %swap3A = arith.constant 0 : index
    %swap3A_4 = tpu.vector_load %arg14[%swap3A] {strides = array<i32>} : memref<512xf32, #tpu.memory_space<vmem>>, vector<16xf32>,
    tpu.vector_store %arg14[%swap3A], %broadcast_in_dim3A_3 {strides = array<i32>} : memref<512xf32, #tpu.memory_space<vmem>>, vector<16xf32>,
    %broadcast_in_dim3A_5 = arith.constant 1.000000e+00 : f32
    %broadcast_in_dim3A_6 = vector.broadcast %broadcast_in_dim3A_5 : f32 to vector<16xf32>
    %swap3A_7 = arith.constant 16 : index
    %swap3A_8 = tpu.vector_load %arg14[%swap3A_7] {strides = array<i32>} : memref<512xf32, #tpu.memory_space<vmem>>, vector<16xf32>,
    tpu.vector_store %arg14[%swap3A_7], %broadcast_in_dim3A_6 {strides = array<i32>} : memref<512xf32, #tpu.memory_space<vmem>>, vector<16xf32>,
    %broadcast_in_dim3A_9 = arith.constant 1.000000e+00 : f32
    %broadcast_in_dim3A_10 = vector.broadcast %broadcast_in_dim3A_9 : f32 to vector<16xf32>
    %swap3A_11 = arith.constant 32 : index
    %swap3A_12 = tpu.vector_load %arg14[%swap3A_11] {strides = array<i32>} : memref<512xf32, #tpu.memory_space<vmem>>, vector<16xf32>,
    tpu.vector_store %arg14[%swap3A_11], %broadcast_in_dim3A_10 {strides = array<i32>} : memref<512xf32, #tpu.memory_space<vmem>>, vector<16xf32>,
    %broadcast_in_dim3A_13 = arith.constant 1.000000e+00 : f32
    %broadcast_in_dim3A_14 = vector.broadcast %broadcast_in_dim3A_13 : f32 to vector<16xf32>
    %swap3A_15 = arith.constant 48 : index
    %swap3A_16 = tpu.vector_load %arg14[%swap3A_15] {strides = array<i32>} : memref<512xf32, #tpu.memory_space<vmem>>, vector<16xf32>,
    tpu.vector_store %arg14[%swap3A_15], %broadcast_in_dim3A_14 {strides = array<i32>} : memref<512xf32, #tpu.memory_space<vmem>>, vector<16xf32>,
    %broadcast_in_dim3A_17 = arith.constant 1.000000e+00 : f32
    %broadcast_in_dim3A_18 = vector.broadcast %broadcast_in_dim3A_17 : f32 to vector<16xf32>
    %swap3A_19 = arith.constant 64 : index
    %swap3A_20 = tpu.vector_load %arg14[%swap3A_19] {strides = array<i32>} : memref<512xf32, #tpu.memory_space<vmem>>, vector<16xf32>,
    tpu.vector_store %arg14[%swap3A_19], %broadcast_in_dim3A_18 {strides = array<i32>} : memref<512xf32, #tpu.memory_space<vmem>>, vector<16xf32>,
    %broadcast_in_dim3A_21 = arith.constant 1.000000e+00 : f32
    %broadcast_in_dim3A_22 = vector.broadcast %broadcast_in_dim3A_21 : f32 to vector<16xf32>
    %swap3A_23 = arith.constant 80 : index
    %swap3A_24 = tpu.vector_load %arg14[%swap3A_23] {strides = array<i32>} : memref<512xf32, #tpu.memory_space<vmem>>, vector<16xf32>,
    tpu.vector_store %arg14[%swap3A_23], %broadcast_in_dim3A_22 {strides = array<i32>} : memref<512xf32, #tpu.memory_space<vmem>>, vector<16xf32>,
    %broadcast_in_dim3A_25 = arith.constant 1.000000e+00 : f32
    %broadcast_in_dim3A_26 = vector.broadcast %broadcast_in_dim3A_25 : f32 to vector<16xf32>
    %swap3A_27 = arith.constant 96 : index
    %swap3A_28 = tpu.vector_load %arg14[%swap3A_27] {strides = array<i32>} : memref<512xf32, #tpu.memory_space<vmem>>, vector<16xf32>,
    tpu.vector_store %arg14[%swap3A_27], %broadcast_in_dim3A_26 {strides = array<i32>} : memref<512xf32, #tpu.memory_space<vmem>>, vector<16xf32>,
    %broadcast_in_dim3A_29 = arith.constant 1.000000e+00 : f32
    %broadcast_in_dim3A_30 = vector.broadcast %broadcast_in_dim3A_29 : f32 to vector<16xf32>
    %swap3A_31 = arith.constant 112 : index
    %swap3A_32 = tpu.vector_load %arg14[%swap3A_31] {strides = array<i32>} : memref<512xf32, #tpu.memory_space<vmem>>, vector<16xf32>,
    tpu.vector_store %arg14[%swap3A_31], %broadcast_in_dim3A_30 {strides = array<i32>} : memref<512xf32, #tpu.memory_space<vmem>>, vector<16xf32>,
    %barrier3A = arith.constant 0 : index
    tpu.barrier barrier_id(%barrier3A)
    %mul3A_33 = arith.constant 784 : i32
    %mul3A_34 = arith.muli %add3A, %mul3A_33 : i32
    %add3A_35 = arith.constant 0 : i32
    %add3A_36 = arith.addi %mul3A_34, %add3A_35 : i32
    %dma_start3A = arith.constant 0 : i32
    %dma_start3A_37 = arith.constant 0 : i32
    %dma_start3A_38 = tpu.memref_slice %arg11[%dma_start3A, %dma_start3A_37] : memref<8x128xi32, #tpu.memory_space<vmem>> -> memref<4x128xi32, #tpu.memory_space<vmem>>
    %dma_start3A_39 = arith.constant 0 : i32
    %dma_start3A_40 = tpu.memref_slice %arg2[%add3A_36, %dma_start3A_39] : memref<25088x128xi32, #tpu.memory_space<hbm>> -> memref<4x128xi32, #tpu.memory_space<hbm>>
    %dma_start3A_41 = arith.constant 0 : i32
    %dma_start3A_42 = arith.constant 0 : i32
    %dma_start3A_43 = tpu.memref_slice %arg11[%dma_start3A_41, %dma_start3A_42] : memref<8x128xi32, #tpu.memory_space<vmem>> -> memref<4x128xi32, #tpu.memory_space<vmem>>
    %dma_start3A_44 = arith.constant 0 : i32
    %dma_start3A_45 = tpu.memref_slice %arg2[%add3A_36, %dma_start3A_44] : memref<25088x128xi32, #tpu.memory_space<hbm>> -> memref<4x128xi32, #tpu.memory_space<hbm>>
    tpu.enqueue_dma source(%dma_start3A_45 : memref<4x128xi32, #tpu.memory_space<hbm>>) target(%dma_start3A_43 : memref<4x128xi32, #tpu.memory_space<vmem>>) target_semaphore(%arg15 : memref<!tpu.dma_semaphore, #tpu.memory_space<semaphore_mem>>)
    %dma_start3A_46 = arith.constant 0 : i32
    %dma_start3A_47 = arith.constant 0 : i32
    %dma_start3A_48 = tpu.memref_slice %arg12[%dma_start3A_46, %dma_start3A_47] : memref<8x128xi32, #tpu.memory_space<vmem>> -> memref<4x128xi32, #tpu.memory_space<vmem>>
    %dma_start3A_49 = arith.constant 0 : i32
    %dma_start3A_50 = tpu.memref_slice %arg3[%add3A_36, %dma_start3A_49] : memref<25088x128xi32, #tpu.memory_space<hbm>> -> memref<4x128xi32, #tpu.memory_space<hbm>>
    %dma_start3A_51 = arith.constant 0 : i32
    %dma_start3A_52 = arith.constant 0 : i32
    %dma_start3A_53 = tpu.memref_slice %arg12[%dma_start3A_51, %dma_start3A_52] : memref<8x128xi32, #tpu.memory_space<vmem>> -> memref<4x128xi32, #tpu.memory_space<vmem>>
    %dma_start3A_54 = arith.constant 0 : i32
    %dma_start3A_55 = tpu.memref_slice %arg3[%add3A_36, %dma_start3A_54] : memref<25088x128xi32, #tpu.memory_space<hbm>> -> memref<4x128xi32, #tpu.memory_space<hbm>>
    tpu.enqueue_dma source(%dma_start3A_55 : memref<4x128xi32, #tpu.memory_space<hbm>>) target(%dma_start3A_53 : memref<4x128xi32, #tpu.memory_space<vmem>>) target_semaphore(%arg15 : memref<!tpu.dma_semaphore, #tpu.memory_space<semaphore_mem>>)
    %dma_wait3A = arith.constant 0 : i32
    %dma_wait3A_56 = arith.constant 0 : i32
    %dma_wait3A_57 = tpu.memref_slice %arg2[%dma_wait3A, %dma_wait3A_56] : memref<25088x128xi32, #tpu.memory_space<hbm>> -> memref<8x128xi32, #tpu.memory_space<hbm>>
    %dma_wait3A_58 = arith.constant 0 : i32
    %dma_wait3A_59 = arith.constant 0 : i32
    %dma_wait3A_60 = tpu.memref_slice %arg2[%dma_wait3A_58, %dma_wait3A_59] : memref<25088x128xi32, #tpu.memory_space<hbm>> -> memref<8x128xi32, #tpu.memory_space<hbm>>
    tpu.wait_dma2 semaphore(%arg15 : memref<!tpu.dma_semaphore, #tpu.memory_space<semaphore_mem>>) src(%dma_wait3A_60 : memref<8x128xi32, #tpu.memory_space<hbm>>) dst(%arg11 : memref<8x128xi32, #tpu.memory_space<vmem>>)
    %dma_start3A_61 = arith.constant 0 : i32
    %dma_start3A_62 = arith.constant 0 : i32
    %dma_start3A_63 = arith.constant 0 : i32
    %dma_start3A_64 = tpu.memref_slice %arg13[%dma_start3A_62, %dma_start3A_63] : memref<1024x16xf32, #tpu.memory_space<vmem>> -> memref<128x16xf32, #tpu.memory_space<vmem>>
    %dma_start3A_65 = arith.constant 0 : i32
    %dma_start3A_66 = tpu.memref_slice %arg11[%dma_start3A_61, %dma_start3A_65] : memref<8x128xi32, #tpu.memory_space<vmem>> -> memref<1x128xi32, #tpu.memory_space<vmem>>
    %dma_start3A_67 = tpu.memref_squeeze %dma_start3A_66 : memref<1x128xi32, #tpu.memory_space<vmem>> -> memref<128xi32, #tpu.memory_space<vmem>>
    %dma_start3A_68 = arith.constant 0 : i32
    %dma_start3A_69 = arith.constant 0 : i32
    %dma_start3A_70 = tpu.memref_slice %arg4[%dma_start3A_68, %dma_start3A_69] : memref<100000x16xf32, #tpu.memory_space<hbm>> -> memref<100000x16xf32, #tpu.memory_space<hbm>>
    tpu.enqueue_indirect_dma source(%dma_start3A_70 : memref<100000x16xf32, #tpu.memory_space<hbm>>) target(%dma_start3A_64 : memref<128x16xf32, #tpu.memory_space<vmem>>) offsets(%dma_start3A_67 : memref<128xi32, #tpu.memory_space<vmem>>) semaphore(%arg16 : memref<!tpu.dma_semaphore, #tpu.memory_space<semaphore_mem>>)
    %dma_start3A_71 = arith.constant 1 : i32
    %dma_start3A_72 = arith.constant 128 : i32
    %dma_start3A_73 = arith.constant 0 : i32
    %dma_start3A_74 = tpu.memref_slice %arg13[%dma_start3A_72, %dma_start3A_73] : memref<1024x16xf32, #tpu.memory_space<vmem>> -> memref<128x16xf32, #tpu.memory_space<vmem>>
    %dma_start3A_75 = arith.constant 0 : i32
    %dma_start3A_76 = tpu.memref_slice %arg11[%dma_start3A_71, %dma_start3A_75] : memref<8x128xi32, #tpu.memory_space<vmem>> -> memref<1x128xi32, #tpu.memory_space<vmem>>
    %dma_start3A_77 = tpu.memref_squeeze %dma_start3A_76 : memref<1x128xi32, #tpu.memory_space<vmem>> -> memref<128xi32, #tpu.memory_space<vmem>>
    %dma_start3A_78 = arith.constant 0 : i32
    %dma_start3A_79 = arith.constant 0 : i32
    %dma_start3A_80 = tpu.memref_slice %arg4[%dma_start3A_78, %dma_start3A_79] : memref<100000x16xf32, #tpu.memory_space<hbm>> -> memref<100000x16xf32, #tpu.memory_space<hbm>>
    tpu.enqueue_indirect_dma source(%dma_start3A_80 : memref<100000x16xf32, #tpu.memory_space<hbm>>) target(%dma_start3A_74 : memref<128x16xf32, #tpu.memory_space<vmem>>) offsets(%dma_start3A_77 : memref<128xi32, #tpu.memory_space<vmem>>) semaphore(%arg16 : memref<!tpu.dma_semaphore, #tpu.memory_space<semaphore_mem>>)
    %dma_start3A_81 = arith.constant 2 : i32
    %dma_start3A_82 = arith.constant 256 : i32
    %dma_start3A_83 = arith.constant 0 : i32
    %dma_start3A_84 = tpu.memref_slice %arg13[%dma_start3A_82, %dma_start3A_83] : memref<1024x16xf32, #tpu.memory_space<vmem>> -> memref<128x16xf32, #tpu.memory_space<vmem>>
    %dma_start3A_85 = arith.constant 0 : i32
    %dma_start3A_86 = tpu.memref_slice %arg11[%dma_start3A_81, %dma_start3A_85] : memref<8x128xi32, #tpu.memory_space<vmem>> -> memref<1x128xi32, #tpu.memory_space<vmem>>
    %dma_start3A_87 = tpu.memref_squeeze %dma_start3A_86 : memref<1x128xi32, #tpu.memory_space<vmem>> -> memref<128xi32, #tpu.memory_space<vmem>>
    %dma_start3A_88 = arith.constant 0 : i32
    %dma_start3A_89 = arith.constant 0 : i32
    %dma_start3A_90 = tpu.memref_slice %arg4[%dma_start3A_88, %dma_start3A_89] : memref<100000x16xf32, #tpu.memory_space<hbm>> -> memref<100000x16xf32, #tpu.memory_space<hbm>>
    tpu.enqueue_indirect_dma source(%dma_start3A_90 : memref<100000x16xf32, #tpu.memory_space<hbm>>) target(%dma_start3A_84 : memref<128x16xf32, #tpu.memory_space<vmem>>) offsets(%dma_start3A_87 : memref<128xi32, #tpu.memory_space<vmem>>) semaphore(%arg16 : memref<!tpu.dma_semaphore, #tpu.memory_space<semaphore_mem>>)
    %dma_start3A_91 = arith.constant 3 : i32
    %dma_start3A_92 = arith.constant 384 : i32
    %dma_start3A_93 = arith.constant 0 : i32
    %dma_start3A_94 = tpu.memref_slice %arg13[%dma_start3A_92, %dma_start3A_93] : memref<1024x16xf32, #tpu.memory_space<vmem>> -> memref<128x16xf32, #tpu.memory_space<vmem>>
    %dma_start3A_95 = arith.constant 0 : i32
    %dma_start3A_96 = tpu.memref_slice %arg11[%dma_start3A_91, %dma_start3A_95] : memref<8x128xi32, #tpu.memory_space<vmem>> -> memref<1x128xi32, #tpu.memory_space<vmem>>
    %dma_start3A_97 = tpu.memref_squeeze %dma_start3A_96 : memref<1x128xi32, #tpu.memory_space<vmem>> -> memref<128xi32, #tpu.memory_space<vmem>>
    %dma_start3A_98 = arith.constant 0 : i32
    %dma_start3A_99 = arith.constant 0 : i32
    %dma_start3A_100 = tpu.memref_slice %arg4[%dma_start3A_98, %dma_start3A_99] : memref<100000x16xf32, #tpu.memory_space<hbm>> -> memref<100000x16xf32, #tpu.memory_space<hbm>>
    tpu.enqueue_indirect_dma source(%dma_start3A_100 : memref<100000x16xf32, #tpu.memory_space<hbm>>) target(%dma_start3A_94 : memref<128x16xf32, #tpu.memory_space<vmem>>) offsets(%dma_start3A_97 : memref<128xi32, #tpu.memory_space<vmem>>) semaphore(%arg16 : memref<!tpu.dma_semaphore, #tpu.memory_space<semaphore_mem>>)
    %scan3A = arith.constant 0 : i32
    %scan3A_101 = arith.constant 0 : i32
    %scan3A_102 = arith.constant 196 : i32
    %scan3A_103 = arith.addi %scan3A_101, %scan3A_102 : i32
    %scan3A_104 = arith.constant 1 : i32
    scf.for %scan3A_123 = %scan3A_101 to %scan3A_103 step %scan3A_104  : i32 {
      %rem3A = arith.constant 2 : i32
      %rem3A_124 = arith.remsi %scan3A_123, %rem3A : i32
      %sub3A = arith.constant 1 : i32
      %sub3A_125 = arith.subi %sub3A, %rem3A_124 : i32
      %ge3A = arith.constant 1 : i32
      %ge3A_126 = arith.cmpi sge, %scan3A_123, %ge3A : i32
      %convert_element_type3A = arith.extui %ge3A_126 : i1 to i32
      %cond3A = arith.constant 0 : i32
      %cond3A_127 = arith.cmpi ne, %convert_element_type3A, %cond3A : i32
      scf.if %cond3A_127 {
        %dma_wait3A_265 = arith.constant 0 : i32
        %dma_wait3A_266 = arith.constant 0 : i32
        %dma_wait3A_267 = tpu.memref_slice %arg13[%dma_wait3A_265, %dma_wait3A_266] : memref<1024x16xf32, #tpu.memory_space<vmem>> -> memref<512x16xf32, #tpu.memory_space<vmem>>
        %dma_wait3A_268 = arith.constant 0 : i32
        %dma_wait3A_269 = arith.constant 0 : i32
        %dma_wait3A_270 = tpu.memref_slice %arg4[%dma_wait3A_268, %dma_wait3A_269] : memref<100000x16xf32, #tpu.memory_space<hbm>> -> memref<512x16xf32, #tpu.memory_space<hbm>>
        %dma_wait3A_271 = arith.constant 0 : i32
        %dma_wait3A_272 = arith.constant 0 : i32
        %dma_wait3A_273 = tpu.memref_slice %arg13[%dma_wait3A_271, %dma_wait3A_272] : memref<1024x16xf32, #tpu.memory_space<vmem>> -> memref<512x16xf32, #tpu.memory_space<vmem>>
        %dma_wait3A_274 = arith.constant 0 : i32
        %dma_wait3A_275 = arith.constant 0 : i32
        %dma_wait3A_276 = tpu.memref_slice %arg4[%dma_wait3A_274, %dma_wait3A_275] : memref<100000x16xf32, #tpu.memory_space<hbm>> -> memref<512x16xf32, #tpu.memory_space<hbm>>
        tpu.wait_dma2 semaphore(%arg17 : memref<!tpu.dma_semaphore, #tpu.memory_space<semaphore_mem>>) src(%dma_wait3A_276 : memref<512x16xf32, #tpu.memory_space<hbm>>) dst(%dma_wait3A_273 : memref<512x16xf32, #tpu.memory_space<vmem>>)
        %dma_wait3A_277 = arith.constant 0 : i32
        %dma_wait3A_278 = tpu.memref_slice %arg6[%dma_wait3A_277] : memref<6272xf32, #tpu.memory_space<hbm>> -> memref<512xf32, #tpu.memory_space<hbm>>
        %dma_wait3A_279 = arith.constant 0 : i32
        %dma_wait3A_280 = tpu.memref_slice %arg6[%dma_wait3A_279] : memref<6272xf32, #tpu.memory_space<hbm>> -> memref<512xf32, #tpu.memory_space<hbm>>
        tpu.wait_dma2 semaphore(%arg17 : memref<!tpu.dma_semaphore, #tpu.memory_space<semaphore_mem>>) src(%dma_wait3A_280 : memref<512xf32, #tpu.memory_space<hbm>>) dst(%arg14 : memref<512xf32, #tpu.memory_space<vmem>>)
      } else {
      }
      %lt3A = arith.constant 195 : i32
      %lt3A_128 = arith.cmpi slt, %scan3A_123, %lt3A : i32
      %convert_element_type3A_129 = arith.extui %lt3A_128 : i1 to i32
      %cond3A_130 = arith.constant 0 : i32
      %cond3A_131 = arith.cmpi ne, %convert_element_type3A_129, %cond3A_130 : i32
      scf.if %cond3A_131 {
        %add3A_265 = arith.constant 1 : i32
        %add3A_266 = arith.addi %scan3A_123, %add3A_265 : i32
        %mul3A_267 = arith.constant 784 : i32
        %mul3A_268 = arith.muli %add3A, %mul3A_267 : i32
        %mul3A_269 = arith.constant 4 : i32
        %mul3A_270 = arith.muli %add3A_266, %mul3A_269 : i32
        %add3A_271 = arith.addi %mul3A_268, %mul3A_270 : i32
        %mul3A_272 = arith.constant 4 : i32
        %mul3A_273 = arith.muli %sub3A_125, %mul3A_272 : i32
        %mul3A_274 = arith.constant 4 : i32
        %mul3A_275 = arith.muli %sub3A_125, %mul3A_274 : i32
        %dma_start3A_276 = arith.constant 0 : i32
        %dma_start3A_277 = tpu.memref_slice %arg11[%mul3A_273, %dma_start3A_276] : memref<8x128xi32, #tpu.memory_space<vmem>> -> memref<4x128xi32, #tpu.memory_space<vmem>>
        %dma_start3A_278 = arith.constant 0 : i32
        %dma_start3A_279 = tpu.memref_slice %arg2[%add3A_271, %dma_start3A_278] : memref<25088x128xi32, #tpu.memory_space<hbm>> -> memref<4x128xi32, #tpu.memory_space<hbm>>
        %dma_start3A_280 = arith.constant 0 : i32
        %dma_start3A_281 = tpu.memref_slice %arg11[%mul3A_273, %dma_start3A_280] : memref<8x128xi32, #tpu.memory_space<vmem>> -> memref<4x128xi32, #tpu.memory_space<vmem>>
        %dma_start3A_282 = arith.constant 0 : i32
        %dma_start3A_283 = tpu.memref_slice %arg2[%add3A_271, %dma_start3A_282] : memref<25088x128xi32, #tpu.memory_space<hbm>> -> memref<4x128xi32, #tpu.memory_space<hbm>>
        tpu.enqueue_dma source(%dma_start3A_283 : memref<4x128xi32, #tpu.memory_space<hbm>>) target(%dma_start3A_281 : memref<4x128xi32, #tpu.memory_space<vmem>>) target_semaphore(%arg15 : memref<!tpu.dma_semaphore, #tpu.memory_space<semaphore_mem>>)
        %dma_start3A_284 = arith.constant 0 : i32
        %dma_start3A_285 = tpu.memref_slice %arg12[%mul3A_275, %dma_start3A_284] : memref<8x128xi32, #tpu.memory_space<vmem>> -> memref<4x128xi32, #tpu.memory_space<vmem>>
        %dma_start3A_286 = arith.constant 0 : i32
        %dma_start3A_287 = tpu.memref_slice %arg3[%add3A_271, %dma_start3A_286] : memref<25088x128xi32, #tpu.memory_space<hbm>> -> memref<4x128xi32, #tpu.memory_space<hbm>>
        %dma_start3A_288 = arith.constant 0 : i32
        %dma_start3A_289 = tpu.memref_slice %arg12[%mul3A_275, %dma_start3A_288] : memref<8x128xi32, #tpu.memory_space<vmem>> -> memref<4x128xi32, #tpu.memory_space<vmem>>
        %dma_start3A_290 = arith.constant 0 : i32
        %dma_start3A_291 = tpu.memref_slice %arg3[%add3A_271, %dma_start3A_290] : memref<25088x128xi32, #tpu.memory_space<hbm>> -> memref<4x128xi32, #tpu.memory_space<hbm>>
        tpu.enqueue_dma source(%dma_start3A_291 : memref<4x128xi32, #tpu.memory_space<hbm>>) target(%dma_start3A_289 : memref<4x128xi32, #tpu.memory_space<vmem>>) target_semaphore(%arg15 : memref<!tpu.dma_semaphore, #tpu.memory_space<semaphore_mem>>)
      } else {
      }
      %dma_wait3A_132 = arith.constant 0 : i32
      %dma_wait3A_133 = arith.constant 0 : i32
      %dma_wait3A_134 = tpu.memref_slice %arg13[%dma_wait3A_132, %dma_wait3A_133] : memref<1024x16xf32, #tpu.memory_space<vmem>> -> memref<512x16xf32, #tpu.memory_space<vmem>>
      %dma_wait3A_135 = arith.constant 0 : i32
      %dma_wait3A_136 = arith.constant 0 : i32
      %dma_wait3A_137 = tpu.memref_slice %arg4[%dma_wait3A_135, %dma_wait3A_136] : memref<100000x16xf32, #tpu.memory_space<hbm>> -> memref<512x16xf32, #tpu.memory_space<hbm>>
      %dma_wait3A_138 = arith.constant 0 : i32
      %dma_wait3A_139 = arith.constant 0 : i32
      %dma_wait3A_140 = tpu.memref_slice %arg13[%dma_wait3A_138, %dma_wait3A_139] : memref<1024x16xf32, #tpu.memory_space<vmem>> -> memref<512x16xf32, #tpu.memory_space<vmem>>
      %dma_wait3A_141 = arith.constant 0 : i32
      %dma_wait3A_142 = arith.constant 0 : i32
      %dma_wait3A_143 = tpu.memref_slice %arg4[%dma_wait3A_141, %dma_wait3A_142] : memref<100000x16xf32, #tpu.memory_space<hbm>> -> memref<512x16xf32, #tpu.memory_space<hbm>>
      tpu.wait_dma2 semaphore(%arg16 : memref<!tpu.dma_semaphore, #tpu.memory_space<semaphore_mem>>) src(%dma_wait3A_143 : memref<512x16xf32, #tpu.memory_space<hbm>>) dst(%dma_wait3A_140 : memref<512x16xf32, #tpu.memory_space<vmem>>)
      %mul3A_144 = arith.constant 4 : i32
      %mul3A_145 = arith.muli %rem3A_124, %mul3A_144 : i32
      %add3A_146 = arith.constant 0 : i32
      %add3A_147 = arith.addi %mul3A_145, %add3A_146 : i32
      %mul3A_148 = arith.constant 128 : i32
      %mul3A_149 = arith.muli %add3A_147, %mul3A_148 : i32
      %mul3A_150 = arith.constant 4 : i32
      %mul3A_151 = arith.muli %rem3A_124, %mul3A_150 : i32
      %add3A_152 = arith.constant 0 : i32
      %add3A_153 = arith.addi %mul3A_151, %add3A_152 : i32
      %mul3A_154 = arith.constant 4 : i32
      %mul3A_155 = arith.muli %rem3A_124, %mul3A_154 : i32
      %add3A_156 = arith.constant 0 : i32
      %add3A_157 = arith.addi %mul3A_155, %add3A_156 : i32
      %mul3A_158 = arith.constant 4 : i32
      %mul3A_159 = arith.muli %rem3A_124, %mul3A_158 : i32
      %add3A_160 = arith.constant 1 : i32
      %add3A_161 = arith.addi %mul3A_159, %add3A_160 : i32
      %mul3A_162 = arith.constant 128 : i32
      %mul3A_163 = arith.muli %add3A_161, %mul3A_162 : i32
      %mul3A_164 = arith.constant 4 : i32
      %mul3A_165 = arith.muli %rem3A_124, %mul3A_164 : i32
      %add3A_166 = arith.constant 1 : i32
      %add3A_167 = arith.addi %mul3A_165, %add3A_166 : i32
      %mul3A_168 = arith.constant 4 : i32
      %mul3A_169 = arith.muli %rem3A_124, %mul3A_168 : i32
      %add3A_170 = arith.constant 1 : i32
      %add3A_171 = arith.addi %mul3A_169, %add3A_170 : i32
      %mul3A_172 = arith.constant 4 : i32
      %mul3A_173 = arith.muli %rem3A_124, %mul3A_172 : i32
      %add3A_174 = arith.constant 2 : i32
      %add3A_175 = arith.addi %mul3A_173, %add3A_174 : i32
      %mul3A_176 = arith.constant 128 : i32
      %mul3A_177 = arith.muli %add3A_175, %mul3A_176 : i32
      %mul3A_178 = arith.constant 4 : i32
      %mul3A_179 = arith.muli %rem3A_124, %mul3A_178 : i32
      %add3A_180 = arith.constant 2 : i32
      %add3A_181 = arith.addi %mul3A_179, %add3A_180 : i32
      %mul3A_182 = arith.constant 4 : i32
      %mul3A_183 = arith.muli %rem3A_124, %mul3A_182 : i32
      %add3A_184 = arith.constant 2 : i32
      %add3A_185 = arith.addi %mul3A_183, %add3A_184 : i32
      %mul3A_186 = arith.constant 4 : i32
      %mul3A_187 = arith.muli %rem3A_124, %mul3A_186 : i32
      %add3A_188 = arith.constant 3 : i32
      %add3A_189 = arith.addi %mul3A_187, %add3A_188 : i32
      %mul3A_190 = arith.constant 128 : i32
      %mul3A_191 = arith.muli %add3A_189, %mul3A_190 : i32
      %mul3A_192 = arith.constant 4 : i32
      %mul3A_193 = arith.muli %rem3A_124, %mul3A_192 : i32
      %add3A_194 = arith.constant 3 : i32
      %add3A_195 = arith.addi %mul3A_193, %add3A_194 : i32
      %mul3A_196 = arith.constant 4 : i32
      %mul3A_197 = arith.muli %rem3A_124, %mul3A_196 : i32
      %add3A_198 = arith.constant 3 : i32
      %add3A_199 = arith.addi %mul3A_197, %add3A_198 : i32
      %dma_start3A_200 = arith.constant 0 : i32
      %dma_start3A_201 = tpu.memref_slice %arg13[%mul3A_149, %dma_start3A_200] : memref<1024x16xf32, #tpu.memory_space<vmem>> -> memref<128x16xf32, #tpu.memory_space<vmem>>
      %dma_start3A_202 = arith.constant 0 : i32
      %dma_start3A_203 = tpu.memref_slice %arg12[%add3A_153, %dma_start3A_202] : memref<8x128xi32, #tpu.memory_space<vmem>> -> memref<1x128xi32, #tpu.memory_space<vmem>>
      %dma_start3A_204 = tpu.memref_squeeze %dma_start3A_203 : memref<1x128xi32, #tpu.memory_space<vmem>> -> memref<128xi32, #tpu.memory_space<vmem>>
      %dma_start3A_205 = arith.constant 0 : i32
      %dma_start3A_206 = arith.constant 0 : i32
      %dma_start3A_207 = tpu.memref_slice %arg9[%dma_start3A_205, %dma_start3A_206] : memref<100352x16xf32, #tpu.memory_space<vmem_shared>> -> memref<100352x16xf32, #tpu.memory_space<vmem_shared>>
      tpu.enqueue_indirect_dma source(%dma_start3A_201 : memref<128x16xf32, #tpu.memory_space<vmem>>) target(%dma_start3A_207 : memref<100352x16xf32, #tpu.memory_space<vmem_shared>>) offsets(%dma_start3A_204 : memref<128xi32, #tpu.memory_space<vmem>>) semaphore(%arg17 : memref<!tpu.dma_semaphore, #tpu.memory_space<semaphore_mem>>) {add = true}
      %dma_start3A_208 = arith.constant 0 : i32
      %dma_start3A_209 = tpu.memref_slice %arg14[%dma_start3A_208] : memref<512xf32, #tpu.memory_space<vmem>> -> memref<128xf32, #tpu.memory_space<vmem>>
      %dma_start3A_210 = arith.constant 0 : i32
      %dma_start3A_211 = tpu.memref_slice %arg12[%add3A_157, %dma_start3A_210] : memref<8x128xi32, #tpu.memory_space<vmem>> -> memref<1x128xi32, #tpu.memory_space<vmem>>
      %dma_start3A_212 = tpu.memref_squeeze %dma_start3A_211 : memref<1x128xi32, #tpu.memory_space<vmem>> -> memref<128xi32, #tpu.memory_space<vmem>>
      %dma_start3A_213 = arith.constant 0 : i32
      %dma_start3A_214 = tpu.memref_slice %arg10[%dma_start3A_213] : memref<100352xf32, #tpu.memory_space<vmem_shared>> -> memref<100352xf32, #tpu.memory_space<vmem_shared>>
      tpu.enqueue_indirect_dma source(%dma_start3A_209 : memref<128xf32, #tpu.memory_space<vmem>>) target(%dma_start3A_214 : memref<100352xf32, #tpu.memory_space<vmem_shared>>) offsets(%dma_start3A_212 : memref<128xi32, #tpu.memory_space<vmem>>) semaphore(%arg17 : memref<!tpu.dma_semaphore, #tpu.memory_space<semaphore_mem>>) {add = true}
      %dma_start3A_215 = arith.constant 0 : i32
      %dma_start3A_216 = tpu.memref_slice %arg13[%mul3A_163, %dma_start3A_215] : memref<1024x16xf32, #tpu.memory_space<vmem>> -> memref<128x16xf32, #tpu.memory_space<vmem>>
      %dma_start3A_217 = arith.constant 0 : i32
      %dma_start3A_218 = tpu.memref_slice %arg12[%add3A_167, %dma_start3A_217] : memref<8x128xi32, #tpu.memory_space<vmem>> -> memref<1x128xi32, #tpu.memory_space<vmem>>
      %dma_start3A_219 = tpu.memref_squeeze %dma_start3A_218 : memref<1x128xi32, #tpu.memory_space<vmem>> -> memref<128xi32, #tpu.memory_space<vmem>>
      %dma_start3A_220 = arith.constant 0 : i32
      %dma_start3A_221 = arith.constant 0 : i32
      %dma_start3A_222 = tpu.memref_slice %arg9[%dma_start3A_220, %dma_start3A_221] : memref<100352x16xf32, #tpu.memory_space<vmem_shared>> -> memref<100352x16xf32, #tpu.memory_space<vmem_shared>>
      tpu.enqueue_indirect_dma source(%dma_start3A_216 : memref<128x16xf32, #tpu.memory_space<vmem>>) target(%dma_start3A_222 : memref<100352x16xf32, #tpu.memory_space<vmem_shared>>) offsets(%dma_start3A_219 : memref<128xi32, #tpu.memory_space<vmem>>) semaphore(%arg17 : memref<!tpu.dma_semaphore, #tpu.memory_space<semaphore_mem>>) {add = true}
      %dma_start3A_223 = arith.constant 0 : i32
      %dma_start3A_224 = tpu.memref_slice %arg14[%dma_start3A_223] : memref<512xf32, #tpu.memory_space<vmem>> -> memref<128xf32, #tpu.memory_space<vmem>>
      %dma_start3A_225 = arith.constant 0 : i32
      %dma_start3A_226 = tpu.memref_slice %arg12[%add3A_171, %dma_start3A_225] : memref<8x128xi32, #tpu.memory_space<vmem>> -> memref<1x128xi32, #tpu.memory_space<vmem>>
      %dma_start3A_227 = tpu.memref_squeeze %dma_start3A_226 : memref<1x128xi32, #tpu.memory_space<vmem>> -> memref<128xi32, #tpu.memory_space<vmem>>
      %dma_start3A_228 = arith.constant 0 : i32
      %dma_start3A_229 = tpu.memref_slice %arg10[%dma_start3A_228] : memref<100352xf32, #tpu.memory_space<vmem_shared>> -> memref<100352xf32, #tpu.memory_space<vmem_shared>>
      tpu.enqueue_indirect_dma source(%dma_start3A_224 : memref<128xf32, #tpu.memory_space<vmem>>) target(%dma_start3A_229 : memref<100352xf32, #tpu.memory_space<vmem_shared>>) offsets(%dma_start3A_227 : memref<128xi32, #tpu.memory_space<vmem>>) semaphore(%arg17 : memref<!tpu.dma_semaphore, #tpu.memory_space<semaphore_mem>>) {add = true}
      %dma_start3A_230 = arith.constant 0 : i32
      %dma_start3A_231 = tpu.memref_slice %arg13[%mul3A_177, %dma_start3A_230] : memref<1024x16xf32, #tpu.memory_space<vmem>> -> memref<128x16xf32, #tpu.memory_space<vmem>>
      %dma_start3A_232 = arith.constant 0 : i32
      %dma_start3A_233 = tpu.memref_slice %arg12[%add3A_181, %dma_start3A_232] : memref<8x128xi32, #tpu.memory_space<vmem>> -> memref<1x128xi32, #tpu.memory_space<vmem>>
      %dma_start3A_234 = tpu.memref_squeeze %dma_start3A_233 : memref<1x128xi32, #tpu.memory_space<vmem>> -> memref<128xi32, #tpu.memory_space<vmem>>
      %dma_start3A_235 = arith.constant 0 : i32
      %dma_start3A_236 = arith.constant 0 : i32
      %dma_start3A_237 = tpu.memref_slice %arg9[%dma_start3A_235, %dma_start3A_236] : memref<100352x16xf32, #tpu.memory_space<vmem_shared>> -> memref<100352x16xf32, #tpu.memory_space<vmem_shared>>
      tpu.enqueue_indirect_dma source(%dma_start3A_231 : memref<128x16xf32, #tpu.memory_space<vmem>>) target(%dma_start3A_237 : memref<100352x16xf32, #tpu.memory_space<vmem_shared>>) offsets(%dma_start3A_234 : memref<128xi32, #tpu.memory_space<vmem>>) semaphore(%arg17 : memref<!tpu.dma_semaphore, #tpu.memory_space<semaphore_mem>>) {add = true}
      %dma_start3A_238 = arith.constant 0 : i32
      %dma_start3A_239 = tpu.memref_slice %arg14[%dma_start3A_238] : memref<512xf32, #tpu.memory_space<vmem>> -> memref<128xf32, #tpu.memory_space<vmem>>
      %dma_start3A_240 = arith.constant 0 : i32
      %dma_start3A_241 = tpu.memref_slice %arg12[%add3A_185, %dma_start3A_240] : memref<8x128xi32, #tpu.memory_space<vmem>> -> memref<1x128xi32, #tpu.memory_space<vmem>>
      %dma_start3A_242 = tpu.memref_squeeze %dma_start3A_241 : memref<1x128xi32, #tpu.memory_space<vmem>> -> memref<128xi32, #tpu.memory_space<vmem>>
      %dma_start3A_243 = arith.constant 0 : i32
      %dma_start3A_244 = tpu.memref_slice %arg10[%dma_start3A_243] : memref<100352xf32, #tpu.memory_space<vmem_shared>> -> memref<100352xf32, #tpu.memory_space<vmem_shared>>
      tpu.enqueue_indirect_dma source(%dma_start3A_239 : memref<128xf32, #tpu.memory_space<vmem>>) target(%dma_start3A_244 : memref<100352xf32, #tpu.memory_space<vmem_shared>>) offsets(%dma_start3A_242 : memref<128xi32, #tpu.memory_space<vmem>>) semaphore(%arg17 : memref<!tpu.dma_semaphore, #tpu.memory_space<semaphore_mem>>) {add = true}
      %dma_start3A_245 = arith.constant 0 : i32
      %dma_start3A_246 = tpu.memref_slice %arg13[%mul3A_191, %dma_start3A_245] : memref<1024x16xf32, #tpu.memory_space<vmem>> -> memref<128x16xf32, #tpu.memory_space<vmem>>
      %dma_start3A_247 = arith.constant 0 : i32
      %dma_start3A_248 = tpu.memref_slice %arg12[%add3A_195, %dma_start3A_247] : memref<8x128xi32, #tpu.memory_space<vmem>> -> memref<1x128xi32, #tpu.memory_space<vmem>>
      %dma_start3A_249 = tpu.memref_squeeze %dma_start3A_248 : memref<1x128xi32, #tpu.memory_space<vmem>> -> memref<128xi32, #tpu.memory_space<vmem>>
      %dma_start3A_250 = arith.constant 0 : i32
      %dma_start3A_251 = arith.constant 0 : i32
      %dma_start3A_252 = tpu.memref_slice %arg9[%dma_start3A_250, %dma_start3A_251] : memref<100352x16xf32, #tpu.memory_space<vmem_shared>> -> memref<100352x16xf32, #tpu.memory_space<vmem_shared>>
      tpu.enqueue_indirect_dma source(%dma_start3A_246 : memref<128x16xf32, #tpu.memory_space<vmem>>) target(%dma_start3A_252 : memref<100352x16xf32, #tpu.memory_space<vmem_shared>>) offsets(%dma_start3A_249 : memref<128xi32, #tpu.memory_space<vmem>>) semaphore(%arg17 : memref<!tpu.dma_semaphore, #tpu.memory_space<semaphore_mem>>) {add = true}
      %dma_start3A_253 = arith.constant 0 : i32
      %dma_start3A_254 = tpu.memref_slice %arg14[%dma_start3A_253] : memref<512xf32, #tpu.memory_space<vmem>> -> memref<128xf32, #tpu.memory_space<vmem>>
      %dma_start3A_255 = arith.constant 0 : i32
      %dma_start3A_256 = tpu.memref_slice %arg12[%add3A_199, %dma_start3A_255] : memref<8x128xi32, #tpu.memory_space<vmem>> -> memref<1x128xi32, #tpu.memory_space<vmem>>
      %dma_start3A_257 = tpu.memref_squeeze %dma_start3A_256 : memref<1x128xi32, #tpu.memory_space<vmem>> -> memref<128xi32, #tpu.memory_space<vmem>>
      %dma_start3A_258 = arith.constant 0 : i32
      %dma_start3A_259 = tpu.memref_slice %arg10[%dma_start3A_258] : memref<100352xf32, #tpu.memory_space<vmem_shared>> -> memref<100352xf32, #tpu.memory_space<vmem_shared>>
      tpu.enqueue_indirect_dma source(%dma_start3A_254 : memref<128xf32, #tpu.memory_space<vmem>>) target(%dma_start3A_259 : memref<100352xf32, #tpu.memory_space<vmem_shared>>) offsets(%dma_start3A_257 : memref<128xi32, #tpu.memory_space<vmem>>) semaphore(%arg17 : memref<!tpu.dma_semaphore, #tpu.memory_space<semaphore_mem>>) {add = true}
      %lt3A_260 = arith.constant 195 : i32
      %lt3A_261 = arith.cmpi slt, %scan3A_123, %lt3A_260 : i32
      %convert_element_type3A_262 = arith.extui %lt3A_261 : i1 to i32
      %cond3A_263 = arith.constant 0 : i32
      %cond3A_264 = arith.cmpi ne, %convert_element_type3A_262, %cond3A_263 : i32
      scf.if %cond3A_264 {
        %dma_wait3A_265 = arith.constant 0 : i32
        %dma_wait3A_266 = arith.constant 0 : i32
        %dma_wait3A_267 = tpu.memref_slice %arg2[%dma_wait3A_265, %dma_wait3A_266] : memref<25088x128xi32, #tpu.memory_space<hbm>> -> memref<8x128xi32, #tpu.memory_space<hbm>>
        %dma_wait3A_268 = arith.constant 0 : i32
        %dma_wait3A_269 = arith.constant 0 : i32
        %dma_wait3A_270 = tpu.memref_slice %arg2[%dma_wait3A_268, %dma_wait3A_269] : memref<25088x128xi32, #tpu.memory_space<hbm>> -> memref<8x128xi32, #tpu.memory_space<hbm>>
        tpu.wait_dma2 semaphore(%arg15 : memref<!tpu.dma_semaphore, #tpu.memory_space<semaphore_mem>>) src(%dma_wait3A_270 : memref<8x128xi32, #tpu.memory_space<hbm>>) dst(%arg11 : memref<8x128xi32, #tpu.memory_space<vmem>>)
        %mul3A_271 = arith.constant 4 : i32
        %mul3A_272 = arith.muli %sub3A_125, %mul3A_271 : i32
        %add3A_273 = arith.constant 0 : i32
        %add3A_274 = arith.addi %mul3A_272, %add3A_273 : i32
        %mul3A_275 = arith.constant 4 : i32
        %mul3A_276 = arith.muli %sub3A_125, %mul3A_275 : i32
        %add3A_277 = arith.constant 0 : i32
        %add3A_278 = arith.addi %mul3A_276, %add3A_277 : i32
        %mul3A_279 = arith.constant 128 : i32
        %mul3A_280 = arith.muli %add3A_278, %mul3A_279 : i32
        %mul3A_281 = arith.constant 4 : i32
        %mul3A_282 = arith.muli %sub3A_125, %mul3A_281 : i32
        %add3A_283 = arith.constant 1 : i32
        %add3A_284 = arith.addi %mul3A_282, %add3A_283 : i32
        %mul3A_285 = arith.constant 4 : i32
        %mul3A_286 = arith.muli %sub3A_125, %mul3A_285 : i32
        %add3A_287 = arith.constant 1 : i32
        %add3A_288 = arith.addi %mul3A_286, %add3A_287 : i32
        %mul3A_289 = arith.constant 128 : i32
        %mul3A_290 = arith.muli %add3A_288, %mul3A_289 : i32
        %mul3A_291 = arith.constant 4 : i32
        %mul3A_292 = arith.muli %sub3A_125, %mul3A_291 : i32
        %add3A_293 = arith.constant 2 : i32
        %add3A_294 = arith.addi %mul3A_292, %add3A_293 : i32
        %mul3A_295 = arith.constant 4 : i32
        %mul3A_296 = arith.muli %sub3A_125, %mul3A_295 : i32
        %add3A_297 = arith.constant 2 : i32
        %add3A_298 = arith.addi %mul3A_296, %add3A_297 : i32
        %mul3A_299 = arith.constant 128 : i32
        %mul3A_300 = arith.muli %add3A_298, %mul3A_299 : i32
        %mul3A_301 = arith.constant 4 : i32
        %mul3A_302 = arith.muli %sub3A_125, %mul3A_301 : i32
        %add3A_303 = arith.constant 3 : i32
        %add3A_304 = arith.addi %mul3A_302, %add3A_303 : i32
        %mul3A_305 = arith.constant 4 : i32
        %mul3A_306 = arith.muli %sub3A_125, %mul3A_305 : i32
        %add3A_307 = arith.constant 3 : i32
        %add3A_308 = arith.addi %mul3A_306, %add3A_307 : i32
        %mul3A_309 = arith.constant 128 : i32
        %mul3A_310 = arith.muli %add3A_308, %mul3A_309 : i32
        %dma_start3A_311 = arith.constant 0 : i32
        %dma_start3A_312 = tpu.memref_slice %arg13[%mul3A_280, %dma_start3A_311] : memref<1024x16xf32, #tpu.memory_space<vmem>> -> memref<128x16xf32, #tpu.memory_space<vmem>>
        %dma_start3A_313 = arith.constant 0 : i32
        %dma_start3A_314 = tpu.memref_slice %arg11[%add3A_274, %dma_start3A_313] : memref<8x128xi32, #tpu.memory_space<vmem>> -> memref<1x128xi32, #tpu.memory_space<vmem>>
        %dma_start3A_315 = tpu.memref_squeeze %dma_start3A_314 : memref<1x128xi32, #tpu.memory_space<vmem>> -> memref<128xi32, #tpu.memory_space<vmem>>
        %dma_start3A_316 = arith.constant 0 : i32
        %dma_start3A_317 = arith.constant 0 : i32
        %dma_start3A_318 = tpu.memref_slice %arg4[%dma_start3A_316, %dma_start3A_317] : memref<100000x16xf32, #tpu.memory_space<hbm>> -> memref<100000x16xf32, #tpu.memory_space<hbm>>
        tpu.enqueue_indirect_dma source(%dma_start3A_318 : memref<100000x16xf32, #tpu.memory_space<hbm>>) target(%dma_start3A_312 : memref<128x16xf32, #tpu.memory_space<vmem>>) offsets(%dma_start3A_315 : memref<128xi32, #tpu.memory_space<vmem>>) semaphore(%arg16 : memref<!tpu.dma_semaphore, #tpu.memory_space<semaphore_mem>>)
        %dma_start3A_319 = arith.constant 0 : i32
        %dma_start3A_320 = tpu.memref_slice %arg13[%mul3A_290, %dma_start3A_319] : memref<1024x16xf32, #tpu.memory_space<vmem>> -> memref<128x16xf32, #tpu.memory_space<vmem>>
        %dma_start3A_321 = arith.constant 0 : i32
        %dma_start3A_322 = tpu.memref_slice %arg11[%add3A_284, %dma_start3A_321] : memref<8x128xi32, #tpu.memory_space<vmem>> -> memref<1x128xi32, #tpu.memory_space<vmem>>
        %dma_start3A_323 = tpu.memref_squeeze %dma_start3A_322 : memref<1x128xi32, #tpu.memory_space<vmem>> -> memref<128xi32, #tpu.memory_space<vmem>>
        %dma_start3A_324 = arith.constant 0 : i32
        %dma_start3A_325 = arith.constant 0 : i32
        %dma_start3A_326 = tpu.memref_slice %arg4[%dma_start3A_324, %dma_start3A_325] : memref<100000x16xf32, #tpu.memory_space<hbm>> -> memref<100000x16xf32, #tpu.memory_space<hbm>>
        tpu.enqueue_indirect_dma source(%dma_start3A_326 : memref<100000x16xf32, #tpu.memory_space<hbm>>) target(%dma_start3A_320 : memref<128x16xf32, #tpu.memory_space<vmem>>) offsets(%dma_start3A_323 : memref<128xi32, #tpu.memory_space<vmem>>) semaphore(%arg16 : memref<!tpu.dma_semaphore, #tpu.memory_space<semaphore_mem>>)
        %dma_start3A_327 = arith.constant 0 : i32
        %dma_start3A_328 = tpu.memref_slice %arg13[%mul3A_300, %dma_start3A_327] : memref<1024x16xf32, #tpu.memory_space<vmem>> -> memref<128x16xf32, #tpu.memory_space<vmem>>
        %dma_start3A_329 = arith.constant 0 : i32
        %dma_start3A_330 = tpu.memref_slice %arg11[%add3A_294, %dma_start3A_329] : memref<8x128xi32, #tpu.memory_space<vmem>> -> memref<1x128xi32, #tpu.memory_space<vmem>>
        %dma_start3A_331 = tpu.memref_squeeze %dma_start3A_330 : memref<1x128xi32, #tpu.memory_space<vmem>> -> memref<128xi32, #tpu.memory_space<vmem>>
        %dma_start3A_332 = arith.constant 0 : i32
        %dma_start3A_333 = arith.constant 0 : i32
        %dma_start3A_334 = tpu.memref_slice %arg4[%dma_start3A_332, %dma_start3A_333] : memref<100000x16xf32, #tpu.memory_space<hbm>> -> memref<100000x16xf32, #tpu.memory_space<hbm>>
        tpu.enqueue_indirect_dma source(%dma_start3A_334 : memref<100000x16xf32, #tpu.memory_space<hbm>>) target(%dma_start3A_328 : memref<128x16xf32, #tpu.memory_space<vmem>>) offsets(%dma_start3A_331 : memref<128xi32, #tpu.memory_space<vmem>>) semaphore(%arg16 : memref<!tpu.dma_semaphore, #tpu.memory_space<semaphore_mem>>)
        %dma_start3A_335 = arith.constant 0 : i32
        %dma_start3A_336 = tpu.memref_slice %arg13[%mul3A_310, %dma_start3A_335] : memref<1024x16xf32, #tpu.memory_space<vmem>> -> memref<128x16xf32, #tpu.memory_space<vmem>>
        %dma_start3A_337 = arith.constant 0 : i32
        %dma_start3A_338 = tpu.memref_slice %arg11[%add3A_304, %dma_start3A_337] : memref<8x128xi32, #tpu.memory_space<vmem>> -> memref<1x128xi32, #tpu.memory_space<vmem>>
        %dma_start3A_339 = tpu.memref_squeeze %dma_start3A_338 : memref<1x128xi32, #tpu.memory_space<vmem>> -> memref<128xi32, #tpu.memory_space<vmem>>
        %dma_start3A_340 = arith.constant 0 : i32
        %dma_start3A_341 = arith.constant 0 : i32
        %dma_start3A_342 = tpu.memref_slice %arg4[%dma_start3A_340, %dma_start3A_341] : memref<100000x16xf32, #tpu.memory_space<hbm>> -> memref<100000x16xf32, #tpu.memory_space<hbm>>
        tpu.enqueue_indirect_dma source(%dma_start3A_342 : memref<100000x16xf32, #tpu.memory_space<hbm>>) target(%dma_start3A_336 : memref<128x16xf32, #tpu.memory_space<vmem>>) offsets(%dma_start3A_339 : memref<128xi32, #tpu.memory_space<vmem>>) semaphore(%arg16 : memref<!tpu.dma_semaphore, #tpu.memory_space<semaphore_mem>>)
      } else {
      }
    }
    %scan3A_105 = arith.constant 196 : i32
    %dma_wait3A_106 = arith.constant 0 : i32
    %dma_wait3A_107 = arith.constant 0 : i32
    %dma_wait3A_108 = tpu.memref_slice %arg13[%dma_wait3A_106, %dma_wait3A_107] : memref<1024x16xf32, #tpu.memory_space<vmem>> -> memref<512x16xf32, #tpu.memory_space<vmem>>
    %dma_wait3A_109 = arith.constant 0 : i32
    %dma_wait3A_110 = arith.constant 0 : i32
    %dma_wait3A_111 = tpu.memref_slice %arg4[%dma_wait3A_109, %dma_wait3A_110] : memref<100000x16xf32, #tpu.memory_space<hbm>> -> memref<512x16xf32, #tpu.memory_space<hbm>>
    %dma_wait3A_112 = arith.constant 0 : i32
    %dma_wait3A_113 = arith.constant 0 : i32
    %dma_wait3A_114 = tpu.memref_slice %arg13[%dma_wait3A_112, %dma_wait3A_113] : memref<1024x16xf32, #tpu.memory_space<vmem>> -> memref<512x16xf32, #tpu.memory_space<vmem>>
    %dma_wait3A_115 = arith.constant 0 : i32
    %dma_wait3A_116 = arith.constant 0 : i32
    %dma_wait3A_117 = tpu.memref_slice %arg4[%dma_wait3A_115, %dma_wait3A_116] : memref<100000x16xf32, #tpu.memory_space<hbm>> -> memref<512x16xf32, #tpu.memory_space<hbm>>
    tpu.wait_dma2 semaphore(%arg17 : memref<!tpu.dma_semaphore, #tpu.memory_space<semaphore_mem>>) src(%dma_wait3A_117 : memref<512x16xf32, #tpu.memory_space<hbm>>) dst(%dma_wait3A_114 : memref<512x16xf32, #tpu.memory_space<vmem>>)
    %dma_wait3A_118 = arith.constant 0 : i32
    %dma_wait3A_119 = tpu.memref_slice %arg6[%dma_wait3A_118] : memref<6272xf32, #tpu.memory_space<hbm>> -> memref<512xf32, #tpu.memory_space<hbm>>
    %dma_wait3A_120 = arith.constant 0 : i32
    %dma_wait3A_121 = tpu.memref_slice %arg6[%dma_wait3A_120] : memref<6272xf32, #tpu.memory_space<hbm>> -> memref<512xf32, #tpu.memory_space<hbm>>
    tpu.wait_dma2 semaphore(%arg17 : memref<!tpu.dma_semaphore, #tpu.memory_space<semaphore_mem>>) src(%dma_wait3A_121 : memref<512xf32, #tpu.memory_space<hbm>>) dst(%arg14 : memref<512xf32, #tpu.memory_space<vmem>>)
    %barrier3A_122 = arith.constant 0 : index
    tpu.barrier barrier_id(%barrier3A_122)
    "tpu.region"() ({
      %run_scoped3A = tpu.sem_alloc : memref<!tpu.dma_semaphore, #tpu.memory_space<semaphore_mem>>
      %dma_start3A_123 = arith.constant 0 : i32
      %dma_start3A_124 = arith.constant 0 : i32
      %dma_start3A_125 = tpu.memref_slice %arg7[%arg0, %dma_start3A_123, %dma_start3A_124] : memref<2x100352x16xf32, #tpu.memory_space<hbm>> -> memref<1x100352x16xf32, #tpu.memory_space<hbm>>
      %dma_start3A_126 = tpu.memref_squeeze %dma_start3A_125 : memref<1x100352x16xf32, #tpu.memory_space<hbm>> -> memref<100352x16xf32, #tpu.memory_space<hbm>>
      %dma_start3A_127 = arith.constant 0 : i32
      %dma_start3A_128 = tpu.memref_slice %dma_start3A_126[%mul3A_2, %dma_start3A_127] : memref<100352x16xf32, #tpu.memory_space<hbm>> -> memref<6272x16xf32, #tpu.memory_space<hbm>>
      %dma_start3A_129 = arith.constant 0 : i32
      %dma_start3A_130 = tpu.memref_slice %arg9[%mul3A_2, %dma_start3A_129] : memref<100352x16xf32, #tpu.memory_space<vmem_shared>> -> memref<6272x16xf32, #tpu.memory_space<vmem_shared>>
      tpu.enqueue_dma source(%dma_start3A_130 : memref<6272x16xf32, #tpu.memory_space<vmem_shared>>) target(%dma_start3A_128 : memref<6272x16xf32, #tpu.memory_space<hbm>>) target_semaphore(%run_scoped3A : memref<!tpu.dma_semaphore, #tpu.memory_space<semaphore_mem>>)
      %dma_wait3A_131 = arith.constant 0 : i32
      %dma_wait3A_132 = arith.constant 0 : i32
      %dma_wait3A_133 = tpu.memref_slice %arg7[%arg0, %dma_wait3A_131, %dma_wait3A_132] : memref<2x100352x16xf32, #tpu.memory_space<hbm>> -> memref<1x100352x16xf32, #tpu.memory_space<hbm>>
      %dma_wait3A_134 = tpu.memref_squeeze %dma_wait3A_133 : memref<1x100352x16xf32, #tpu.memory_space<hbm>> -> memref<100352x16xf32, #tpu.memory_space<hbm>>
      %dma_wait3A_135 = arith.constant 0 : i32
      %dma_wait3A_136 = tpu.memref_slice %dma_wait3A_134[%mul3A_2, %dma_wait3A_135] : memref<100352x16xf32, #tpu.memory_space<hbm>> -> memref<6272x16xf32, #tpu.memory_space<hbm>>
      %dma_wait3A_137 = arith.constant 0 : i32
      %dma_wait3A_138 = tpu.memref_slice %arg9[%mul3A_2, %dma_wait3A_137] : memref<100352x16xf32, #tpu.memory_space<vmem_shared>> -> memref<6272x16xf32, #tpu.memory_space<vmem_shared>>
      tpu.wait_dma2 semaphore(%run_scoped3A : memref<!tpu.dma_semaphore, #tpu.memory_space<semaphore_mem>>) src(%dma_wait3A_138 : memref<6272x16xf32, #tpu.memory_space<vmem_shared>>) dst(%dma_wait3A_136 : memref<6272x16xf32, #tpu.memory_space<hbm>>)
      tpu.yield
    }) : () -> ()
    "tpu.region"() ({
      %run_scoped3A = tpu.sem_alloc : memref<!tpu.dma_semaphore, #tpu.memory_space<semaphore_mem>>
      %dma_start3A_123 = arith.constant 0 : i32
      %dma_start3A_124 = tpu.memref_slice %arg8[%arg0, %dma_start3A_123] : memref<2x100352xf32, #tpu.memory_space<hbm>> -> memref<1x100352xf32, #tpu.memory_space<hbm>>
      %dma_start3A_125 = tpu.memref_squeeze %dma_start3A_124 : memref<1x100352xf32, #tpu.memory_space<hbm>> -> memref<100352xf32, #tpu.memory_space<hbm>>
      %dma_start3A_126 = tpu.memref_slice %dma_start3A_125[%mul3A_2] : memref<100352xf32, #tpu.memory_space<hbm>> -> memref<6272xf32, #tpu.memory_space<hbm>>
      %dma_start3A_127 = tpu.memref_slice %arg10[%mul3A_2] : memref<100352xf32, #tpu.memory_space<vmem_shared>> -> memref<6272xf32, #tpu.memory_space<vmem_shared>>
      tpu.enqueue_dma source(%dma_start3A_127 : memref<6272xf32, #tpu.memory_space<vmem_shared>>) target(%dma_start3A_126 : memref<6272xf32, #tpu.memory_space<hbm>>) target_semaphore(%run_scoped3A : memref<!tpu.dma_semaphore, #tpu.memory_space<semaphore_mem>>)
      %dma_wait3A_128 = arith.constant 0 : i32
      %dma_wait3A_129 = tpu.memref_slice %arg8[%arg0, %dma_wait3A_128] : memref<2x100352xf32, #tpu.memory_space<hbm>> -> memref<1x100352xf32, #tpu.memory_space<hbm>>
      %dma_wait3A_130 = tpu.memref_squeeze %dma_wait3A_129 : memref<1x100352xf32, #tpu.memory_space<hbm>> -> memref<100352xf32, #tpu.memory_space<hbm>>
      %dma_wait3A_131 = tpu.memref_slice %dma_wait3A_130[%mul3A_2] : memref<100352xf32, #tpu.memory_space<hbm>> -> memref<6272xf32, #tpu.memory_space<hbm>>
      %dma_wait3A_132 = tpu.memref_slice %arg10[%mul3A_2] : memref<100352xf32, #tpu.memory_space<vmem_shared>> -> memref<6272xf32, #tpu.memory_space<vmem_shared>>
      tpu.wait_dma2 semaphore(%run_scoped3A : memref<!tpu.dma_semaphore, #tpu.memory_space<semaphore_mem>>) src(%dma_wait3A_132 : memref<6272xf32, #tpu.memory_space<vmem_shared>>) dst(%dma_wait3A_131 : memref<6272xf32, #tpu.memory_space<hbm>>)
      tpu.yield
    }) : () -> ()
    return
  }
}

module attributes {stable_mosaic.version = 14 : i64} {
  func.func @_tc_s1_body(%arg0: i32, %arg1: memref<2x2000x16xf32, #tpu.memory_space<vmem>>, %arg2: memref<2x2000x1xf32, #tpu.memory_space<vmem>>, %arg3: memref<2000x16xf32, #tpu.memory_space<vmem>>, %arg4: memref<16x16xf32, #tpu.memory_space<vmem>>, %arg5: memref<1x16xf32, #tpu.memory_space<vmem>>, %arg6: memref<16x16xf32, #tpu.memory_space<vmem>>, %arg7: memref<2000x16xf32, #tpu.memory_space<vmem>>) attributes {dimension_semantics = [#tpu.dimension_semantics<arbitrary>], iteration_bounds = array<i64: 50>, scalar_prefetch = 0 : i64, scratch_operands = 0 : i64, tpu.core_type = #tpu.core_type<tc>, window_params = [{transform_indices = @transform_0, window_bounds = array<i64: 2, 2000, 16>}, {transform_indices = @transform_1, window_bounds = array<i64: 2, 2000, 1>}, {transform_indices = @transform_2, window_bounds = array<i64: 2000, 16>}, {pipeline_mode = #tpu.pipeline_mode<synchronous>, transform_indices = @transform_3, window_bounds = array<i64: 16, 16>}, {pipeline_mode = #tpu.pipeline_mode<synchronous>, transform_indices = @transform_4, window_bounds = array<i64: 1, 16>}, {pipeline_mode = #tpu.pipeline_mode<synchronous>, transform_indices = @transform_5, window_bounds = array<i64: 16, 16>}, {transform_indices = @transform_6, window_bounds = array<i64: 2000, 16>}]} {
    %get3A = arith.constant 0 : index
    %get3A_0 = arith.constant 0 : index
    %get3A_1 = arith.constant 0 : index
    %get3A_2 = vector.load %arg2[%get3A, %get3A_0, %get3A_1] : memref<2x2000x1xf32, #tpu.memory_space<vmem>>, vector<1x2000x1xf32>
    %get3A_3 = vector.shape_cast %get3A_2 : vector<1x2000x1xf32> to vector<2000x1xf32>
    %get3A_4 = arith.constant 1 : index
    %get3A_5 = arith.constant 0 : index
    %get3A_6 = arith.constant 0 : index
    %get3A_7 = vector.load %arg2[%get3A_4, %get3A_5, %get3A_6] : memref<2x2000x1xf32, #tpu.memory_space<vmem>>, vector<1x2000x1xf32>
    %get3A_8 = vector.shape_cast %get3A_7 : vector<1x2000x1xf32> to vector<2000x1xf32>
    %add3A = arith.addf %get3A_3, %get3A_8 : vector<2000x1xf32>
    %max3A = arith.constant 1.000000e+00 : f32
    %max3A_9 = vector.broadcast %max3A : f32 to vector<2000x1xf32>
    %max3A_10 = arith.maximumf %add3A, %max3A_9 : vector<2000x1xf32>
    %get3A_11 = arith.constant 0 : index
    %get3A_12 = arith.constant 0 : index
    %get3A_13 = arith.constant 0 : index
    %get3A_14 = vector.load %arg1[%get3A_11, %get3A_12, %get3A_13] : memref<2x2000x16xf32, #tpu.memory_space<vmem>>, vector<1x2000x16xf32>
    %get3A_15 = vector.shape_cast %get3A_14 : vector<1x2000x16xf32> to vector<2000x16xf32>
    %get3A_16 = arith.constant 1 : index
    %get3A_17 = arith.constant 0 : index
    %get3A_18 = arith.constant 0 : index
    %get3A_19 = vector.load %arg1[%get3A_16, %get3A_17, %get3A_18] : memref<2x2000x16xf32, #tpu.memory_space<vmem>>, vector<1x2000x16xf32>
    %get3A_20 = vector.shape_cast %get3A_19 : vector<1x2000x16xf32> to vector<2000x16xf32>
    %add3A_21 = arith.addf %get3A_15, %get3A_20 : vector<2000x16xf32>
    %div3A = vector.broadcast %max3A_10 : vector<2000x1xf32> to vector<2000x16xf32>
    %div3A_22 = arith.divf %add3A_21, %div3A : vector<2000x16xf32>
    %get3A_23 = arith.constant 0 : index
    %get3A_24 = arith.constant 0 : index
    %get3A_25 = vector.load %arg4[%get3A_23, %get3A_24] : memref<16x16xf32, #tpu.memory_space<vmem>>, vector<16x16xf32>
    %dot_general3A = arith.constant dense<0.000000e+00> : vector<2000x16xf32>
    %dot_general3A_26 = tpu.matmul %div3A_22, %get3A_25, %dot_general3A {dimension_numbers = #tpu.dot_dimension_numbers<[1], [1], [0], [0], [0, 0, 1, 0], [], []>, transpose_lhs_hint = false} : vector<2000x16xf32>, vector<16x16xf32>, vector<2000x16xf32> -> vector<2000x16xf32>
    %get3A_27 = arith.constant 0 : index
    %get3A_28 = arith.constant 0 : index
    %get3A_29 = vector.load %arg5[%get3A_27, %get3A_28] : memref<1x16xf32, #tpu.memory_space<vmem>>, vector<1x16xf32>
    %add3A_30 = vector.broadcast %get3A_29 : vector<1x16xf32> to vector<2000x16xf32>
    %add3A_31 = arith.addf %dot_general3A_26, %add3A_30 : vector<2000x16xf32>
    %get3A_32 = arith.constant 0 : index
    %get3A_33 = arith.constant 0 : index
    %get3A_34 = vector.load %arg3[%get3A_32, %get3A_33] : memref<2000x16xf32, #tpu.memory_space<vmem>>, vector<2000x16xf32>
    %get3A_35 = arith.constant 0 : index
    %get3A_36 = arith.constant 0 : index
    %get3A_37 = vector.load %arg6[%get3A_35, %get3A_36] : memref<16x16xf32, #tpu.memory_space<vmem>>, vector<16x16xf32>
    %dot_general3A_38 = arith.constant dense<0.000000e+00> : vector<2000x16xf32>
    %dot_general3A_39 = tpu.matmul %get3A_34, %get3A_37, %dot_general3A_38 {dimension_numbers = #tpu.dot_dimension_numbers<[1], [1], [0], [0], [0, 0, 1, 0], [], []>, transpose_lhs_hint = false} : vector<2000x16xf32>, vector<16x16xf32>, vector<2000x16xf32> -> vector<2000x16xf32>
    %add3A_40 = arith.addf %add3A_31, %dot_general3A_39 : vector<2000x16xf32>
    %max3A_41 = arith.constant 0.000000e+00 : f32
    %max3A_42 = vector.broadcast %max3A_41 : f32 to vector<2000x16xf32>
    %max3A_43 = arith.maximumf %add3A_40, %max3A_42 : vector<2000x16xf32>
    %swap3A = arith.constant 0 : index
    %swap3A_44 = arith.constant 0 : index
    %swap3A_45 = vector.load %arg7[%swap3A, %swap3A_44] : memref<2000x16xf32, #tpu.memory_space<vmem>>, vector<2000x16xf32>
    tpu.vector_store %arg7[%swap3A, %swap3A_44], %max3A_43 {strides = array<i32>} : memref<2000x16xf32, #tpu.memory_space<vmem>>, vector<2000x16xf32>,
    return
  }
  func.func @transform_0(%arg0: i32) -> (i32, i32, i32) {
    %c0_i32 = arith.constant 0 : i32
    %c0_i32_0 = arith.constant 0 : i32
    %c0_i32_1 = arith.constant 0 : i32
    return %c0_i32, %arg0, %c0_i32_0 : i32, i32, i32
  }
  func.func @transform_1(%arg0: i32) -> (i32, i32, i32) {
    %c0_i32 = arith.constant 0 : i32
    %c0_i32_0 = arith.constant 0 : i32
    %c0_i32_1 = arith.constant 0 : i32
    return %c0_i32, %arg0, %c0_i32_0 : i32, i32, i32
  }
  func.func @transform_2(%arg0: i32) -> (i32, i32) {
    %c0_i32 = arith.constant 0 : i32
    %c0_i32_0 = arith.constant 0 : i32
    return %arg0, %c0_i32 : i32, i32
  }
  func.func @transform_3(%arg0: i32) -> (i32, i32) {
    %c0_i32 = arith.constant 0 : i32
    %c0_i32_0 = arith.constant 0 : i32
    %c0_i32_1 = arith.constant 0 : i32
    return %c0_i32, %c0_i32_0 : i32, i32
  }
  func.func @transform_4(%arg0: i32) -> (i32, i32) {
    %c0_i32 = arith.constant 0 : i32
    %c0_i32_0 = arith.constant 0 : i32
    %c0_i32_1 = arith.constant 0 : i32
    return %c0_i32, %c0_i32_0 : i32, i32
  }
  func.func @transform_5(%arg0: i32) -> (i32, i32) {
    %c0_i32 = arith.constant 0 : i32
    %c0_i32_0 = arith.constant 0 : i32
    %c0_i32_1 = arith.constant 0 : i32
    return %c0_i32, %c0_i32_0 : i32, i32
  }
  func.func @transform_6(%arg0: i32) -> (i32, i32) {
    %c0_i32 = arith.constant 0 : i32
    %c0_i32_0 = arith.constant 0 : i32
    return %arg0, %c0_i32 : i32, i32
  }
}

module attributes {stable_mosaic.version = 14 : i64} {
  func.func @_tc_s2_body(%arg0: i32, %arg1: memref<2x2000x16xf32, #tpu.memory_space<vmem>>, %arg2: memref<2x2000x1xf32, #tpu.memory_space<vmem>>, %arg3: memref<2000x16xf32, #tpu.memory_space<vmem>>, %arg4: memref<16x16xf32, #tpu.memory_space<vmem>>, %arg5: memref<1x16xf32, #tpu.memory_space<vmem>>, %arg6: memref<16x16xf32, #tpu.memory_space<vmem>>, %arg7: memref<16x16xf32, #tpu.memory_space<vmem>>, %arg8: memref<16x16xf32, #tpu.memory_space<vmem>>, %arg9: memref<1x16xf32, #tpu.memory_space<vmem>>, %arg10: memref<2x2000x8xf32, #tpu.memory_space<vmem>>, %arg11: memref<2x2000x8xf32, #tpu.memory_space<vmem>>) attributes {dimension_semantics = [#tpu.dimension_semantics<arbitrary>], iteration_bounds = array<i64: 50>, scalar_prefetch = 0 : i64, scratch_operands = 0 : i64, tpu.core_type = #tpu.core_type<tc>, window_params = [{transform_indices = @transform_0, window_bounds = array<i64: 2, 2000, 16>}, {transform_indices = @transform_1, window_bounds = array<i64: 2, 2000, 1>}, {transform_indices = @transform_2, window_bounds = array<i64: 2000, 16>}, {pipeline_mode = #tpu.pipeline_mode<synchronous>, transform_indices = @transform_3, window_bounds = array<i64: 16, 16>}, {pipeline_mode = #tpu.pipeline_mode<synchronous>, transform_indices = @transform_4, window_bounds = array<i64: 1, 16>}, {pipeline_mode = #tpu.pipeline_mode<synchronous>, transform_indices = @transform_5, window_bounds = array<i64: 16, 16>}, {pipeline_mode = #tpu.pipeline_mode<synchronous>, transform_indices = @transform_6, window_bounds = array<i64: 16, 16>}, {pipeline_mode = #tpu.pipeline_mode<synchronous>, transform_indices = @transform_7, window_bounds = array<i64: 16, 16>}, {pipeline_mode = #tpu.pipeline_mode<synchronous>, transform_indices = @transform_8, window_bounds = array<i64: 1, 16>}, {transform_indices = @transform_9, window_bounds = array<i64: 2, 2000, 8>}, {transform_indices = @transform_10, window_bounds = array<i64: 2, 2000, 8>}]} {
    %get3A = arith.constant 0 : index
    %get3A_0 = arith.constant 0 : index
    %get3A_1 = arith.constant 0 : index
    %get3A_2 = vector.load %arg2[%get3A, %get3A_0, %get3A_1] : memref<2x2000x1xf32, #tpu.memory_space<vmem>>, vector<1x2000x1xf32>
    %get3A_3 = vector.shape_cast %get3A_2 : vector<1x2000x1xf32> to vector<2000x1xf32>
    %get3A_4 = arith.constant 1 : index
    %get3A_5 = arith.constant 0 : index
    %get3A_6 = arith.constant 0 : index
    %get3A_7 = vector.load %arg2[%get3A_4, %get3A_5, %get3A_6] : memref<2x2000x1xf32, #tpu.memory_space<vmem>>, vector<1x2000x1xf32>
    %get3A_8 = vector.shape_cast %get3A_7 : vector<1x2000x1xf32> to vector<2000x1xf32>
    %add3A = arith.addf %get3A_3, %get3A_8 : vector<2000x1xf32>
    %max3A = arith.constant 1.000000e+00 : f32
    %max3A_9 = vector.broadcast %max3A : f32 to vector<2000x1xf32>
    %max3A_10 = arith.maximumf %add3A, %max3A_9 : vector<2000x1xf32>
    %get3A_11 = arith.constant 0 : index
    %get3A_12 = arith.constant 0 : index
    %get3A_13 = arith.constant 0 : index
    %get3A_14 = vector.load %arg1[%get3A_11, %get3A_12, %get3A_13] : memref<2x2000x16xf32, #tpu.memory_space<vmem>>, vector<1x2000x16xf32>
    %get3A_15 = vector.shape_cast %get3A_14 : vector<1x2000x16xf32> to vector<2000x16xf32>
    %get3A_16 = arith.constant 1 : index
    %get3A_17 = arith.constant 0 : index
    %get3A_18 = arith.constant 0 : index
    %get3A_19 = vector.load %arg1[%get3A_16, %get3A_17, %get3A_18] : memref<2x2000x16xf32, #tpu.memory_space<vmem>>, vector<1x2000x16xf32>
    %get3A_20 = vector.shape_cast %get3A_19 : vector<1x2000x16xf32> to vector<2000x16xf32>
    %add3A_21 = arith.addf %get3A_15, %get3A_20 : vector<2000x16xf32>
    %div3A = vector.broadcast %max3A_10 : vector<2000x1xf32> to vector<2000x16xf32>
    %div3A_22 = arith.divf %add3A_21, %div3A : vector<2000x16xf32>
    %get3A_23 = arith.constant 0 : index
    %get3A_24 = arith.constant 0 : index
    %get3A_25 = vector.load %arg4[%get3A_23, %get3A_24] : memref<16x16xf32, #tpu.memory_space<vmem>>, vector<16x16xf32>
    %dot_general3A = arith.constant dense<0.000000e+00> : vector<2000x16xf32>
    %dot_general3A_26 = tpu.matmul %div3A_22, %get3A_25, %dot_general3A {dimension_numbers = #tpu.dot_dimension_numbers<[1], [1], [0], [0], [0, 0, 1, 0], [], []>, transpose_lhs_hint = false} : vector<2000x16xf32>, vector<16x16xf32>, vector<2000x16xf32> -> vector<2000x16xf32>
    %get3A_27 = arith.constant 0 : index
    %get3A_28 = arith.constant 0 : index
    %get3A_29 = vector.load %arg5[%get3A_27, %get3A_28] : memref<1x16xf32, #tpu.memory_space<vmem>>, vector<1x16xf32>
    %add3A_30 = vector.broadcast %get3A_29 : vector<1x16xf32> to vector<2000x16xf32>
    %add3A_31 = arith.addf %dot_general3A_26, %add3A_30 : vector<2000x16xf32>
    %get3A_32 = arith.constant 0 : index
    %get3A_33 = arith.constant 0 : index
    %get3A_34 = vector.load %arg3[%get3A_32, %get3A_33] : memref<2000x16xf32, #tpu.memory_space<vmem>>, vector<2000x16xf32>
    %get3A_35 = arith.constant 0 : index
    %get3A_36 = arith.constant 0 : index
    %get3A_37 = vector.load %arg6[%get3A_35, %get3A_36] : memref<16x16xf32, #tpu.memory_space<vmem>>, vector<16x16xf32>
    %dot_general3A_38 = arith.constant dense<0.000000e+00> : vector<2000x16xf32>
    %dot_general3A_39 = tpu.matmul %get3A_34, %get3A_37, %dot_general3A_38 {dimension_numbers = #tpu.dot_dimension_numbers<[1], [1], [0], [0], [0, 0, 1, 0], [], []>, transpose_lhs_hint = false} : vector<2000x16xf32>, vector<16x16xf32>, vector<2000x16xf32> -> vector<2000x16xf32>
    %add3A_40 = arith.addf %add3A_31, %dot_general3A_39 : vector<2000x16xf32>
    %get3A_41 = arith.constant 0 : index
    %get3A_42 = arith.constant 0 : index
    %get3A_43 = vector.load %arg7[%get3A_41, %get3A_42] : memref<16x16xf32, #tpu.memory_space<vmem>>, vector<16x16xf32>
    %dot_general3A_44 = arith.constant dense<0.000000e+00> : vector<2000x16xf32>
    %dot_general3A_45 = tpu.matmul %add3A_40, %get3A_43, %dot_general3A_44 {dimension_numbers = #tpu.dot_dimension_numbers<[1], [1], [0], [0], [0, 0, 1, 0], [], []>, transpose_lhs_hint = false} : vector<2000x16xf32>, vector<16x16xf32>, vector<2000x16xf32> -> vector<2000x16xf32>
    %get3A_46 = arith.constant 0 : index
    %get3A_47 = arith.constant 0 : index
    %get3A_48 = vector.load %arg8[%get3A_46, %get3A_47] : memref<16x16xf32, #tpu.memory_space<vmem>>, vector<16x16xf32>
    %dot_general3A_49 = arith.constant dense<0.000000e+00> : vector<2000x16xf32>
    %dot_general3A_50 = tpu.matmul %add3A_40, %get3A_48, %dot_general3A_49 {dimension_numbers = #tpu.dot_dimension_numbers<[1], [1], [0], [0], [0, 0, 1, 0], [], []>, transpose_lhs_hint = false} : vector<2000x16xf32>, vector<16x16xf32>, vector<2000x16xf32> -> vector<2000x16xf32>
    %get3A_51 = arith.constant 0 : index
    %get3A_52 = arith.constant 0 : index
    %get3A_53 = vector.load %arg9[%get3A_51, %get3A_52] : memref<1x16xf32, #tpu.memory_space<vmem>>, vector<1x16xf32>
    %add3A_54 = vector.broadcast %get3A_53 : vector<1x16xf32> to vector<2000x16xf32>
    %add3A_55 = arith.addf %dot_general3A_50, %add3A_54 : vector<2000x16xf32>
    %slice3A = vector.extract_strided_slice %dot_general3A_45 {offsets = [0, 0], sizes = [2000, 8], strides = [1, 1]} : vector<2000x16xf32> to vector<2000x8xf32>
    %swap3A = arith.constant 0 : index
    %swap3A_56 = arith.constant 0 : index
    %swap3A_57 = arith.constant 0 : index
    %swap3A_58 = vector.load %arg10[%swap3A, %swap3A_56, %swap3A_57] : memref<2x2000x8xf32, #tpu.memory_space<vmem>>, vector<1x2000x8xf32>
    %swap3A_59 = vector.shape_cast %swap3A_58 : vector<1x2000x8xf32> to vector<2000x8xf32>
    %swap3A_60 = vector.shape_cast %slice3A : vector<2000x8xf32> to vector<1x2000x8xf32>
    tpu.vector_store %arg10[%swap3A, %swap3A_56, %swap3A_57], %swap3A_60 {strides = array<i32>} : memref<2x2000x8xf32, #tpu.memory_space<vmem>>, vector<1x2000x8xf32>,
    %slice3A_61 = vector.extract_strided_slice %dot_general3A_45 {offsets = [0, 8], sizes = [2000, 8], strides = [1, 1]} : vector<2000x16xf32> to vector<2000x8xf32>
    %swap3A_62 = arith.constant 1 : index
    %swap3A_63 = arith.constant 0 : index
    %swap3A_64 = arith.constant 0 : index
    %swap3A_65 = vector.load %arg10[%swap3A_62, %swap3A_63, %swap3A_64] : memref<2x2000x8xf32, #tpu.memory_space<vmem>>, vector<1x2000x8xf32>
    %swap3A_66 = vector.shape_cast %swap3A_65 : vector<1x2000x8xf32> to vector<2000x8xf32>
    %swap3A_67 = vector.shape_cast %slice3A_61 : vector<2000x8xf32> to vector<1x2000x8xf32>
    tpu.vector_store %arg10[%swap3A_62, %swap3A_63, %swap3A_64], %swap3A_67 {strides = array<i32>} : memref<2x2000x8xf32, #tpu.memory_space<vmem>>, vector<1x2000x8xf32>,
    %slice3A_68 = vector.extract_strided_slice %add3A_55 {offsets = [0, 0], sizes = [2000, 8], strides = [1, 1]} : vector<2000x16xf32> to vector<2000x8xf32>
    %swap3A_69 = arith.constant 0 : index
    %swap3A_70 = arith.constant 0 : index
    %swap3A_71 = arith.constant 0 : index
    %swap3A_72 = vector.load %arg11[%swap3A_69, %swap3A_70, %swap3A_71] : memref<2x2000x8xf32, #tpu.memory_space<vmem>>, vector<1x2000x8xf32>
    %swap3A_73 = vector.shape_cast %swap3A_72 : vector<1x2000x8xf32> to vector<2000x8xf32>
    %swap3A_74 = vector.shape_cast %slice3A_68 : vector<2000x8xf32> to vector<1x2000x8xf32>
    tpu.vector_store %arg11[%swap3A_69, %swap3A_70, %swap3A_71], %swap3A_74 {strides = array<i32>} : memref<2x2000x8xf32, #tpu.memory_space<vmem>>, vector<1x2000x8xf32>,
    %slice3A_75 = vector.extract_strided_slice %add3A_55 {offsets = [0, 8], sizes = [2000, 8], strides = [1, 1]} : vector<2000x16xf32> to vector<2000x8xf32>
    %swap3A_76 = arith.constant 1 : index
    %swap3A_77 = arith.constant 0 : index
    %swap3A_78 = arith.constant 0 : index
    %swap3A_79 = vector.load %arg11[%swap3A_76, %swap3A_77, %swap3A_78] : memref<2x2000x8xf32, #tpu.memory_space<vmem>>, vector<1x2000x8xf32>
    %swap3A_80 = vector.shape_cast %swap3A_79 : vector<1x2000x8xf32> to vector<2000x8xf32>
    %swap3A_81 = vector.shape_cast %slice3A_75 : vector<2000x8xf32> to vector<1x2000x8xf32>
    tpu.vector_store %arg11[%swap3A_76, %swap3A_77, %swap3A_78], %swap3A_81 {strides = array<i32>} : memref<2x2000x8xf32, #tpu.memory_space<vmem>>, vector<1x2000x8xf32>,
    return
  }
  func.func @transform_0(%arg0: i32) -> (i32, i32, i32) {
    %c0_i32 = arith.constant 0 : i32
    %c0_i32_0 = arith.constant 0 : i32
    %c0_i32_1 = arith.constant 0 : i32
    return %c0_i32, %arg0, %c0_i32_0 : i32, i32, i32
  }
  func.func @transform_1(%arg0: i32) -> (i32, i32, i32) {
    %c0_i32 = arith.constant 0 : i32
    %c0_i32_0 = arith.constant 0 : i32
    %c0_i32_1 = arith.constant 0 : i32
    return %c0_i32, %arg0, %c0_i32_0 : i32, i32, i32
  }
  func.func @transform_2(%arg0: i32) -> (i32, i32) {
    %c0_i32 = arith.constant 0 : i32
    %c0_i32_0 = arith.constant 0 : i32
    return %arg0, %c0_i32 : i32, i32
  }
  func.func @transform_3(%arg0: i32) -> (i32, i32) {
    %c0_i32 = arith.constant 0 : i32
    %c0_i32_0 = arith.constant 0 : i32
    %c0_i32_1 = arith.constant 0 : i32
    return %c0_i32, %c0_i32_0 : i32, i32
  }
  func.func @transform_4(%arg0: i32) -> (i32, i32) {
    %c0_i32 = arith.constant 0 : i32
    %c0_i32_0 = arith.constant 0 : i32
    %c0_i32_1 = arith.constant 0 : i32
    return %c0_i32, %c0_i32_0 : i32, i32
  }
  func.func @transform_5(%arg0: i32) -> (i32, i32) {
    %c0_i32 = arith.constant 0 : i32
    %c0_i32_0 = arith.constant 0 : i32
    %c0_i32_1 = arith.constant 0 : i32
    return %c0_i32, %c0_i32_0 : i32, i32
  }
  func.func @transform_6(%arg0: i32) -> (i32, i32) {
    %c0_i32 = arith.constant 0 : i32
    %c0_i32_0 = arith.constant 0 : i32
    %c0_i32_1 = arith.constant 0 : i32
    return %c0_i32, %c0_i32_0 : i32, i32
  }
  func.func @transform_7(%arg0: i32) -> (i32, i32) {
    %c0_i32 = arith.constant 0 : i32
    %c0_i32_0 = arith.constant 0 : i32
    %c0_i32_1 = arith.constant 0 : i32
    return %c0_i32, %c0_i32_0 : i32, i32
  }
  func.func @transform_8(%arg0: i32) -> (i32, i32) {
    %c0_i32 = arith.constant 0 : i32
    %c0_i32_0 = arith.constant 0 : i32
    %c0_i32_1 = arith.constant 0 : i32
    return %c0_i32, %c0_i32_0 : i32, i32
  }
  func.func @transform_9(%arg0: i32) -> (i32, i32, i32) {
    %c0_i32 = arith.constant 0 : i32
    %c0_i32_0 = arith.constant 0 : i32
    %c0_i32_1 = arith.constant 0 : i32
    return %c0_i32, %arg0, %c0_i32_0 : i32, i32, i32
  }
  func.func @transform_10(%arg0: i32) -> (i32, i32, i32) {
    %c0_i32 = arith.constant 0 : i32
    %c0_i32_0 = arith.constant 0 : i32
    %c0_i32_1 = arith.constant 0 : i32
    return %c0_i32, %arg0, %c0_i32_0 : i32, i32, i32
  }
}

module attributes {stable_mosaic.version = 14 : i64} {
  func.func @_tc_comb_body(%arg0: i32, %arg1: memref<2x512x128xf32, #tpu.memory_space<vmem>>, %arg2: memref<512x128xf32, #tpu.memory_space<vmem>>) attributes {dimension_semantics = [#tpu.dimension_semantics<arbitrary>], iteration_bounds = array<i64: 49>, scalar_prefetch = 0 : i64, scratch_operands = 0 : i64, tpu.core_type = #tpu.core_type<tc>, window_params = [{transform_indices = @transform_0, window_bounds = array<i64: 2, 512, 128>}, {transform_indices = @transform_1, window_bounds = array<i64: 512, 128>}]} {
    %get3A = arith.constant 0 : index
    %get3A_0 = arith.constant 0 : index
    %get3A_1 = arith.constant 0 : index
    %get3A_2 = vector.load %arg1[%get3A, %get3A_0, %get3A_1] : memref<2x512x128xf32, #tpu.memory_space<vmem>>, vector<1x512x128xf32>
    %get3A_3 = vector.shape_cast %get3A_2 : vector<1x512x128xf32> to vector<512x128xf32>
    %get3A_4 = arith.constant 1 : index
    %get3A_5 = arith.constant 0 : index
    %get3A_6 = arith.constant 0 : index
    %get3A_7 = vector.load %arg1[%get3A_4, %get3A_5, %get3A_6] : memref<2x512x128xf32, #tpu.memory_space<vmem>>, vector<1x512x128xf32>
    %get3A_8 = vector.shape_cast %get3A_7 : vector<1x512x128xf32> to vector<512x128xf32>
    %add3A = arith.addf %get3A_3, %get3A_8 : vector<512x128xf32>
    %swap3A = arith.constant 0 : index
    %swap3A_9 = arith.constant 0 : index
    %swap3A_10 = vector.load %arg2[%swap3A, %swap3A_9] : memref<512x128xf32, #tpu.memory_space<vmem>>, vector<512x128xf32>
    tpu.vector_store %arg2[%swap3A, %swap3A_9], %add3A {strides = array<i32>} : memref<512x128xf32, #tpu.memory_space<vmem>>, vector<512x128xf32>,
    return
  }
  func.func @transform_0(%arg0: i32) -> (i32, i32, i32) {
    %c0_i32 = arith.constant 0 : i32
    %c0_i32_0 = arith.constant 0 : i32
    %c0_i32_1 = arith.constant 0 : i32
    return %c0_i32, %arg0, %c0_i32_0 : i32, i32, i32
  }
  func.func @transform_1(%arg0: i32) -> (i32, i32) {
    %c0_i32 = arith.constant 0 : i32
    %c0_i32_0 = arith.constant 0 : i32
    return %arg0, %c0_i32 : i32, i32
  }
}

</mosaic_0001>

<sc_bundles>
// kernel: kernel.11.cloned.1.call-start
scs
__scs_entry_jumppad:
0x0: {  	(pc) =	sbr.rel $0x88, $3  }
0x1: {  	(tag) =	ssettag $0x0;
	lr =	simm.s32 $0x1  }
0x2: {  	[smem:$0x3F95] =	sst lr;
	_ =	strace $0xD0000000  }
0x3: {  	_ = 	snop  }
0x4: {  	_ = 	snop  }
0x5: {  	_ = 	snop  }
0x6: {  	_ = 	snop  }
0x7: {  	_ = 	snop  }
__scs_overlays_trampoline_lowered:
0x8: {  	[smem:$0x3FA4] =	sst s0  }
0x9: {  	[smem:$0x3FA5] =	sst s1  }
0xa: {  	[smem:$0x3FA6] =	sst s2  }
0xb: {  	[smem:$0x3FA7] =	sst s3  }
0xc: {  	[smem:$0x3FA8] =	sst s4  }
0xd: {  	[smem:$0x3FA9] =	sst s5  }
0xe: {  	[smem:$0x3FAA] =	sst s6  }
0xf: {  	[smem:$0x3FAB] =	sst s7  }
0x10: {  	[smem:$0x3FAC] =	sst s8  }
0x11: {  	[smem:$0x3FAD] =	sst s9;
	s0 =	simm.s32 @!p0 $0x0  }
0x12: {  	s1 =	sld [smem:$0x3F93];
	s0 =	simm.s32 @p0 $0x1  }
0x13: {  	[smem:$0x3FAE] =	sst s0;
	s0 =	simm.s32 @!p1 $0x0  }
0x14: {  	s2 =	sld [smem:$0x3F92];
	s0 =	simm.s32 @p1 $0x1  }
0x15: {  	[smem:$0x3FAF] =	sst s0;
	s0 =	simm.s32 @!p2 $0x0  }
0x16: {  	s3 =	sld [smem:$0x3FDB];
	s0 =	simm.s32 @p2 $0x1  }
0x17: {  	s4 =	simm.s32 $0x1BF5;
	[smem:$0x3FB1] =	sst s0  }
0x18: {  	s0 =	sld [smem:$0x3F94];
	_ =	swait.ge [sflag:s4], $0x0  }
0x19: {  	s7 =	sld [smem:$0x3F95]  }
0x1a: {  	s8 =	sadd.s32 $0xFFFFE003, lr  }
0x1b: {  	s9 =	sadd.s32 $0xFFFFFEF7, lr;
	s5 =	simm.s32 $0xFFFFFFFF;
	p2 =	slt.u32 s8, $0xFFFFF086  }
0x1c: {  	p1 =	slt.u32 s9, $0xF7A;
	s5 =	simm.s32 @!p2 $0x0  }
0x1d: {  	s5 =	simm.s32 @p1 $0x1;
	p0 =	seq.s32 s7, s2  }
0x1e: {  	s7 =	smul.u32 @!p0 $0xF7A, s2;
	p2 =	seq.s32 @!p0 s5, $0x0  }
0x1f: {  	s9 =	smul.u32 $0xF7A, s1;
	s8 =	simm.s32 @!p0 $0x1BF5;
	p2 =	por !p2, p0  }
0x20: {  	[sflag:s8] =	ssyncset.s32 @!p0 $0xFFFFF086;
	s6 =	sadd.s32 @!p0 s3, s7;
	s7 =	simm.s32 @!p0 $0x108  }
0x21: {  	s3 =	sadd.s32 s3, s9;
	s6 =	sadd.s32 @!p0 $0x88, s6;
	s7 =	simm.s32 @p2 $0x1082  }
0x22: {  	[simem:s7], [sflag:s8] =	dma.local @!p0 [hbm:s6], $0xF7A  }
0x23: {  	s9 =	sor.u32 $0xD0000000, s2;
	s6 =	simm.s32 $0x108;
	_ =	swait.ge @!p0 [sflag:s8], $0x0  }
0x24: {  	s3 =	sadd.s32 $0x88, s3;
	s6 =	simm.s32 @!p1 $0x1082;
	[sflag:s4] =	ssyncset.s32 $0xFFFFF086  }
0x25: {  	[simem:s6], [sflag:s4] =	dma.local [hbm:s3], $0xF7A  }
0x26: {  	[smem:$0x3F95] =	sst s1;
	(tag) =	ssettag s2;
	_ =	strace s9  }
0x27: {  	s1 =	sld [smem:$0x3FA5]  }
0x28: {  	s2 =	sld [smem:$0x3FA6]  }
0x29: {  	s4 =	sld [smem:$0x3FA8]  }
0x2a: {  	p0 =	seq.s32 s5, $0x0;
	s5 =	sld [smem:$0x3FA9]  }
0x2b: {  	s6 =	sld [smem:$0x3FAA]  }
0x2c: {  	s7 =	sld [smem:$0x3FAB]  }
0x2d: {  	s3 =	simm.s32 $0x108;
	s8 =	sld [smem:$0x3FAC]  }
0x2e: {  	s3 =	simm.s32 @!p0 $0x1082;
	s9 =	sld [smem:$0x3FAD]  }
0x2f: {  	lr =	sadd.s32 s0, s3;
	s0 =	sld [smem:$0x3FA4]  }
0x30: {  	s3 =	sld [smem:$0x3FA7]  }
0x31: {  	[smem:$0x3FB0] =	sst s10  }
0x32: {  	s10 =	sld [smem:$0x3FAE];
	_ =	sdelay $0x3  }
0x33: {  	p0 =	seq.s32 s10, $0x1;
	s10 =	sld [smem:$0x3FB0];
	_ =	sdelay $0x3  }
0x34: {  	[smem:$0x3FB0] =	sst s10  }
0x35: {  	s10 =	sld [smem:$0x3FAF];
	_ =	sdelay $0x3  }
0x36: {  	p1 =	seq.s32 s10, $0x1;
	s10 =	sld [smem:$0x3FB0];
	_ =	sdelay $0x3  }
0x37: {  	[smem:$0x3FB0] =	sst s10  }
0x38: {  	s10 =	sld [smem:$0x3FB1]  }
0x39: {  	_ = 	snop;
	(pc) =	sbr.ind lr, $3  }
0x3a: {  	_ = 	snop  }
0x3b: {  	_ = 	snop  }
0x3c: {  	p2 =	seq.s32 s10, $0x1;
	s10 =	sld [smem:$0x3FB0]  }
0x3d: {  	_ =	shalt  }
0x3e: {  	_ =	shalt  }
0x3f: {  	_ =	shalt  }
0x40: {  	_ =	shalt  }
0x41: {  	_ =	shalt  }
0x42: {  	_ =	shalt  }
0x43: {  	_ =	shalt  }
0x44: {  	_ =	shalt  }
0x45: {  	_ =	shalt  }
0x46: {  	_ =	shalt  }
0x47: {  	_ =	shalt  }
0x48: {  	_ =	shalt  }
0x49: {  	_ =	shalt  }
0x4a: {  	_ =	shalt  }
0x4b: {  	_ =	shalt  }
0x4c: {  	_ =	shalt  }
0x4d: {  	_ =	shalt  }
0x4e: {  	_ =	shalt  }
0x4f: {  	_ =	shalt  }
0x50: {  	_ =	shalt  }
0x51: {  	_ =	shalt  }
0x52: {  	_ =	shalt  }
0x53: {  	_ =	shalt  }
0x54: {  	_ =	shalt  }
0x55: {  	_ =	shalt  }
0x56: {  	_ =	shalt  }
0x57: {  	_ =	shalt  }
0x58: {  	_ =	shalt  }
0x59: {  	_ =	shalt  }
0x5a: {  	_ =	shalt  }
0x5b: {  	_ =	shalt  }
0x5c: {  	_ =	shalt  }
0x5d: {  	_ =	shalt  }
0x5e: {  	_ =	shalt  }
0x5f: {  	_ =	shalt  }
0x60: {  	_ =	shalt  }
0x61: {  	_ =	shalt  }
0x62: {  	_ =	shalt  }
0x63: {  	_ =	shalt  }
0x64: {  	_ =	shalt  }
0x65: {  	_ =	shalt  }
0x66: {  	_ =	shalt  }
0x67: {  	_ =	shalt  }
0x68: {  	_ =	shalt  }
0x69: {  	_ =	shalt  }
0x6a: {  	_ =	shalt  }
0x6b: {  	_ =	shalt  }
0x6c: {  	_ =	shalt  }
0x6d: {  	_ =	shalt  }
0x6e: {  	_ =	shalt  }
0x6f: {  	_ =	shalt  }
0x70: {  	_ =	shalt  }
0x71: {  	_ =	shalt  }
0x72: {  	_ =	shalt  }
0x73: {  	_ =	shalt  }
0x74: {  	_ =	shalt  }
0x75: {  	_ =	shalt  }
0x76: {  	_ =	shalt  }
0x77: {  	_ =	shalt  }
0x78: {  	_ =	shalt  }
0x79: {  	_ =	shalt  }
0x7a: {  	_ =	shalt  }
0x7b: {  	_ =	shalt  }
0x7c: {  	_ =	shalt  }
0x7d: {  	_ =	shalt  }
0x7e: {  	_ =	shalt  }
0x7f: {  	_ =	shalt  }
0x80: {  	_ =	shalt  }
0x81: {  	_ =	shalt  }
0x82: {  	_ =	shalt  }
0x83: {  	_ =	shalt  }
0x84: {  	_ =	shalt  }
0x85: {  	_ =	shalt  }
0x86: {  	_ =	shalt  }
0x87: {  	_ =	shalt  }
.Lfunc_end0:
.L_simem_size_0:
called_computation.1_lowered:
.L_overlay_start_0:
0x88: {  	s2 =	sld [smem:$0x3FD9]  }
0x89: {  	s3 =	sld [smem:$0x3FFE];
	_ =	sdelay $0x1  }
0x8a: {  	s1 =	srdreg.scid  }
0x8b: {  	s0 =	sand.u32 $0x1, s1  }
0x8c: {  	s17 =	sshll.u32 s0, $0xA;
	s2 =	sadd.s32 s3, s2  }
0x8d: {  	s2 =	sadd.s32 s2, s17  }
0x8e: {  	[smem:$0x3FBC] =	sst s2  }
0x8f: {  	_ = 	snop  }
0x90: {  	s2 =	sld [smem:$0x3FD0];
	(tm) =	ssettm $0x1  }
0x91: {  	s18 =	sld [smem:$0x3FFB];
	_ =	sdelay $0x3  }
0x92: {  	_ =	strace s18  }
0x93: {  	s3 =	sld [smem:$0x3FFC];
	_ =	sdelay $0x3  }
0x94: {  	_ =	strace s3  }
0x95: {  	s3 =	sld [smem:$0x3FFD];
	_ =	sdelay $0x3  }
0x96: {  	_ =	strace s3  }
0x97: {  	_ =	strace $0x8FFFFFFF  }
0x98: {  	s19 =	sld [smem:$0x3FDB];
	_ =	sdelay $0x1  }
0x99: {  	s4 =	simm.s32 $_scs_section_size  }
0x9a: {  	s5 =	simm.s32 $_size__tile_overlayer_lowered;
	s6 =	simm.s32 $_tile_overlayer_lowered  }
0x9b: {  	s22 =	simm.s32 $0x1BFF;
	s21 =	sshll.u32 s6, $0x1;
	s3 =	sadd.s32 s4, s19  }
0x9c: {  	s7 =	simm.s32 $0x0;
	s20 =	sshll.u32 s5, $0x1;
	s5 =	sadd.s32 s21, s3  }
0x9d: {  	[timem:s7], [sflag:s22] =	dma.local [hbm:s5], s20  }
0x9e: {  	_ =	swait.ge [sflag:s22], s20  }
0x9f: {  	s4 =	ssub.s32 $0x0, s20;
	[sflag:s22] =	ssyncset.done $0x0  }
0xa0: {  	[sflag:s22] =	ssyncadd.s32 s4;
	_ =	sdelay $0x1  }
0xa1: {  	s23 =	simm.s32 $0x1B8B  }
0xa2: {  	_ =	swait.ge [sflag:s23], $0x1  }
0xa3: {  	[sflag:s23] =	ssyncset.done $0x0  }
0xa4: {  	s25 =	simm.s32 $0x1B8E;
	s24 =	sld [smem:$0x3FFE];
	[sflag:s23] =	ssyncadd.s32 $0xFFFFFFFF  }
0xa5: {  	s26 =	simm.s32 $execute0_lowered;
	[smem:$0x3FD2] =	sst s25  }
0xa6: {  	s5 =	sshll.u32 s26, $0x1;
	_ =	strace $0x80000049;
	[dreg:$0x1] =	wrdreg $0xFFFFFFFF  }
0xa7: {  	s28 =	simm.s32 $_size_execute0_lowered;
	s3 =	sadd.s32 s3, s5;
	[dreg:$0x0] =	wrdreg $0x0  }
0xa8: {  	s5 =	sshll.u32 s28, $0x1;
	[dreg:$0x2] =	wrdreg s3  }
0xa9: {  	[dreg:$0x3] =	wrdreg s5  }
0xaa: {  	[dreg:$0x4] =	wrdreg $0xC0  }
0xab: {  	_ =	task [dreg:s7], $0x5FFFF  }
0xac: {  	[dreg:$0x1] =	wrdreg $0xFFFFFFFF  }
0xad: {  	[dreg:$0x0] =	wrdreg $0x60  }
0xae: {  	[dreg:$0x2] =	wrdreg s24  }
0xaf: {  	[dreg:$0x3] =	wrdreg s2  }
0xb0: {  	[dreg:$0x4] =	wrdreg $0x0  }
0xb1: {  	[dreg:$0x5] =	wrdreg $0x9  }
0xb2: {  	_ =	task.clear_ibuf [dreg:s7], $0x6FFFF;
	_ =	strace $0x90000049  }
0xb3: {  	s29 =	simm.s32 $0x9;
	_ =	strace $0x8000004B  }
0xb4: {  	_ =	swait.ge [sflag:s29], $0x1  }
0xb5: {  	[sflag:s29] =	ssyncadd.s32 $0xFFFFFFFF  }
0xb6: {  	_ =	strace $0x9000004B  }
0xb7: {  	_ =	sfence  }
0xb8: {  	s30 =	sld [smem:$0x0];
	_ =	sdelay $0x2  }
0xb9: {  	s31 =	sshll.u32 s1, $0xD;
	s1 =	sshrl.u32 s1, $0x2  }
0xba: {  	s3 =	sand.u32 $0x4000, s31;
	s1 =	sadd.s32 s1, s30  }
0xbb: {  	s0 =	sor.u32 s3, s0;
	s1 =	sshll.u32 s1, $0x11  }
0xbc: {  	s0 =	sor.u32 s1, s0  }
0xbd: {  	s0 =	sadd.s32 $0x8F2B, s0  }
0xbe: {  	[sflag:s0] =	ssyncadd.remote.s32 $0x1  }
0xbf: {  	_ =	sfence.sel $0xFFFF  }
0xc0: {  	[dreg:$0x0] =	wrdreg $0xFFFFFFFF;
	(pc) =	sbr.abs _section_cstart, $3  }
0xc1: {  	[dreg:$0x1] =	wrdreg $0xFFFFFFFF  }
0xc2: {  	_ =	task.clear_ibuf [dreg:s7], $0x2FFFF;
	_ =	strace $0x9FFFFFFF  }
0xc3: {  	(tm) =	ssettm $0x7FFFFFFF  }
tec
execute0_lowered:
.L_overlay_start_1:
0x0: {  	(tag) =	ssettag $0x1  }
0x1: {  	s0 =	rddreg [dreg:$0x0]  }
0x2: {  	s1 =	rddreg [dreg:$0x1]  }
0x3: {  	s2 =	rddreg [dreg:$0x2]  }
0x4: {  	s3 =	simm.s32 $0x0;
	s4 =	srdreg.scid;
	s5 =	stileid.u32  }
0x5: {  	s17 =	simm.s32 $0x18C00;
	s18 =	simm.s32 $0x80;
	s19 =	simm.s32 $0x19000  }
0x6: {  	s28 =	simm.s32 $0x18A00;
	s30 =	simm.s32 $0x2;
	[smem:$0x7FF] =	sst s3  }
0x7: {  	s4 =	sand.u32 $0x1, s4;
	s11 =	sadd.s32 $0x1EB600, s0;
	s12 =	sadd.s32 $0x189600, s0  }
0x8: {  	s7 =	sadd.s32 $0x24D600, s0;
	s21 =	sshll.u32 s5, $0x1;
	s9 =	smul.u32 $0x18800, s5  }
0x9: {  	s10 =	sshll.u32 s5, $0x6;
	s16 =	smul.u32 $0x6200, s5;
	_ =	strace $0x8000004A  }
0xa: {  	s6 =	smul.u32 $0x31000, s4;
	[dreg:$0x4] =	wrdreg s7;
	s22 =	ssub.s32 $0x2, s4  }
0xb: {  	s8 =	sshrl.u32 s22, $0x1;
	s15 =	sadd.s32 s9, s2;
	s20 =	sshrl.u32 s9, $0x3  }
0xc: {  	s26 =	sadd.s32 s16, s12;
	s16 =	sadd.s32 s16, s11;
	s0 =	sadd.s32 s6, s0  }
0xd: {  	s6 =	sor.u32 s4, s21;
	s14 =	ssub.s32 s22, s8;
	s4 =	smul.u32 $0x3100, s4  }
0xe: {  	s21 =	simm.s32 $0x19800;
	s22 =	simm.s32 $0x1;
	s13 =	smul.u32 $0x3100, s6  }
0xf: {  	s6 =	sor.u32 $0x1C04, s10;
	s0 =	sadd.s32 $0x256E00, s0;
	s25 =	smax.u32 s14, $0x1  }
0x10: {  	[dreg:$0x7] =	wrdreg s25;
	s14 =	sadd.s32 s4, s26;
	s4 =	sadd.s32 s4, s16  }
0x11: {  	s16 =	simm.s32 $0x18800;
	s26 =	simm.s32 $0x1A800;
	s25 =	simm.s32 $0x0  }
.Ltmp0:
0x12: {  	s23 =	sadd.s32 s11, s13;
	s24 =	sadd.s32 s12, s13;
	(pc) =	sbr.rel .LBB2_1-.Ltmp0, $4  }
0x13: {  	s13 =	sor.u32 $0x40, s13;
	s31 =	sadd.s32 $0x80, s14;
	s29 =	sadd.s32 $0x80, s4  }
0x14: {  	s14 =	sshrl.u32 s15, $0x3;
	s15 =	simm.s32 $0x4;
	[dreg:$0x5] =	wrdreg s23  }
0x15: {  	[dreg:$0x6] =	wrdreg s24;
	s10 =	sadd.s32 s11, s13;
	s11 =	sadd.s32 s12, s13  }
0x16: {  	s23 =	simm.s32 $0x1A000;
	s24 =	sadd.s32 s20, s0;
	s20 =	simm.s32 $0x3  }
.LBB2_4:
0x17: {  	_ =	swait.ge [sflag:s20], $0x2000  }
0x18: {  	[sflag:s20] =	ssyncset.done $0x0  }
0x19: {  	[sflag:s20] =	ssyncadd.s32 $0xFFFFE000  }
0x1a: {  	[bflag:$0x0] =	sbarrier.arrive $0xFFFF  }
0x1b: {  	[hbm:s24], [sflag:s6] =	dma.local [spmem:s14], $0x3100  }
0x1c: {  	_ =	swait.ge [sflag:s15], $0x3100  }
0x1d: {  	s25 =	sadd.s32 $0x1, s25;
	s0 =	rddreg [dreg:$0x7]  }
0x1e: {  	p0 =	sne.s32 s25, s0  }
.Ltmp1:
0x1f: {  	_ = 	snop;
	(pc) =	sbr.rel @!p0 .LBB2_5-.Ltmp1, $3  }
0x20: {  	_ =	sdelay $0x1  }
0x21: {  	[sflag:s15] =	ssyncset.done $0x0  }
0x22: {  	[sflag:s15] =	ssyncadd.s32 $0xFFFFCF00  }
.LBB2_1:
0x23: {  	s0 =	rddreg [dreg:$0x4]  }
0x24: {  	[spmem:s14], [sflag:s6] =	dma.local [hbm:s0], $0x3100  }
0x25: {  	_ =	swait.ge [sflag:s15], $0x3100  }
0x26: {  	[sflag:s15] =	ssyncset.done $0x0  }
0x27: {  	[sflag:s15] =	ssyncadd.s32 $0xFFFFCF00  }
0x28: {  	[bflag:$0x0] =	sbarrier.arrive $0xFFFF  }
0x29: {  	s13 =	rddreg [dreg:$0x5]  }
0x2a: {  	[tilespmem:s16], [sflag:$0x1] =	stream.linear.gather [hbm4b:s13+s3], $0x200, $0x38;
	[tilespmem:$0x1D000] =	vst v63  }
0x2b: {  	s4 =	rddreg [dreg:$0x6]  }
0x2c: {  	[tilespmem:s17], [sflag:$0x1] =	stream.linear.gather [hbm4b:s4+s3], $0x200, $0x38;
	[tilespmem:$0x1D000] =	vst v63  }
0x2d: {  	_ =	swait.ge [sflag:s22], $0x400  }
0x2e: {  	[sflag:s22] =	ssyncset.done $0x0  }
0x2f: {  	[sflag:s22] =	ssyncadd.s32 $0xFFFFFC00  }
0x30: {  	[tilespmem:s19], [sflag:$0x2] =	stream.indirect.gather [hbm4b:s1+s18], $0x10, s16, s18, $0xb8;
	[tilespmem:$0x1D000] =	vst v63  }
0x31: {  	s5 =	simm.s32 $0x18880  }
0x32: {  	[tilespmem:s21], [sflag:$0x2] =	stream.indirect.gather [hbm4b:s1+s18], $0x10, s5, s18, $0xb8;
	[tilespmem:$0x1D000] =	vst v63  }
0x33: {  	s7 =	simm.s32 $0x18900  }
0x34: {  	[tilespmem:s23], [sflag:$0x2] =	stream.indirect.gather [hbm4b:s1+s18], $0x10, s7, s18, $0xb8;
	[tilespmem:$0x1D000] =	vst v63  }
0x35: {  	s8 =	simm.s32 $0x18980  }
0x36: {  	[tilespmem:s26], [sflag:$0x2] =	stream.indirect.gather [hbm4b:s1+s18], $0x10, s8, s18, $0xb8;
	[tilespmem:$0x1D000] =	vst v63  }
0x37: {  	_ = 	snop  }
0x38: {  	[tilespmem:s28], [sflag:$0x1] =	stream.linear.gather [hbm4b:s10+s3], $0x200, $0x38;
	[tilespmem:$0x1D000] =	vst v63  }
0x39: {  	s9 =	simm.s32 $0x18E00  }
0x3a: {  	[tilespmem:s9], [sflag:$0x1] =	stream.linear.gather [hbm4b:s11+s3], $0x200, $0x38;
	[tilespmem:$0x1D000] =	vst v63  }
0x3b: {  	_ =	swait.ge [sflag:s30], $0x2000  }
0x3c: {  	[sflag:s30] =	ssyncset.done $0x0  }
0x3d: {  	[sflag:s30] =	ssyncadd.s32 $0xFFFFE000  }
0x3e: {  	[spmem:s2] =	stream.indirect.scatter.add.f32 [tilespmem:s19], [sflag:$0x3], $0x10, s17, s18, $0xb8;
	[tilespmem:$0x1D000] =	vst v63  }
0x3f: {  	s12 =	simm.s32 $0x18C80  }
0x40: {  	[spmem:s2] =	stream.indirect.scatter.add.f32 [tilespmem:s21], [sflag:$0x3], $0x10, s12, s18, $0xb8;
	[tilespmem:$0x1D000] =	vst v63  }
0x41: {  	s13 =	simm.s32 $0x18D00  }
0x42: {  	[spmem:s2] =	stream.indirect.scatter.add.f32 [tilespmem:s23], [sflag:$0x3], $0x10, s13, s18, $0xb8;
	[tilespmem:$0x1D000] =	vst v63  }
0x43: {  	s4 =	simm.s32 $0x18D80  }
0x44: {  	[spmem:s2] =	stream.indirect.scatter.add.f32 [tilespmem:s26], [sflag:$0x3], $0x10, s4, s18, $0xb8;
	[tilespmem:$0x1D000] =	vst v63  }
0x45: {  	_ =	swait.ge [sflag:s22], $0x400  }
0x46: {  	[sflag:s22] =	ssyncset.done $0x0  }
0x47: {  	s5 =	simm.s32 $0x1B000;
	[sflag:s22] =	ssyncadd.s32 $0xFFFFFC00  }
0x48: {  	[tilespmem:s5], [sflag:$0x2] =	stream.indirect.gather [hbm4b:s1+s18], $0x10, s28, s18, $0xb8;
	[tilespmem:$0x1D000] =	vst v63  }
0x49: {  	s7 =	simm.s32 $0x18A80;
	s4 =	simm.s32 $0x1B800  }
0x4a: {  	[tilespmem:s4], [sflag:$0x2] =	stream.indirect.gather [hbm4b:s1+s18], $0x10, s7, s18, $0xb8;
	[tilespmem:$0x1D000] =	vst v63  }
0x4b: {  	s8 =	simm.s32 $0x18B00;
	s9 =	simm.s32 $0x1C000  }
0x4c: {  	[tilespmem:s9], [sflag:$0x2] =	stream.indirect.gather [hbm4b:s1+s18], $0x10, s8, s18, $0xb8;
	[tilespmem:$0x1D000] =	vst v63  }
0x4d: {  	s12 =	simm.s32 $0x18B80;
	s13 =	simm.s32 $0x1C800  }
0x4e: {  	[tilespmem:s13], [sflag:$0x2] =	stream.indirect.gather [hbm4b:s1+s18], $0x10, s12, s18, $0xb8;
	[tilespmem:$0x1D000] =	vst v63  }
0x4f: {  	s0 =	simm.s32 $0x1;
	s13 =	smov.u32 s29;
	s12 =	smov.u32 s31  }
.LBB2_2:
0x50: {  	s5 =	sand.u32 $0x1, s0  }
0x51: {  	_ =	swait.ge [sflag:s20], $0x2000;
	p0 =	seq.s32 s0, $0xC3;
	s4 =	sxor.u32 $0x1, s5  }
0x52: {  	[sflag:s20] =	ssyncset.done $0x0;
	s7 =	sshll.u32 @!p0 s4, $0x9  }
0x53: {  	s9 =	simm.s32 @!p0 $0x0;
	[sflag:s20] =	ssyncadd.s32 $0xFFFFE000;
	s8 =	sor.u32 @!p0 $0x18800, s7  }
0x54: {  	[tilespmem:s8], [sflag:$0x1] =	stream.linear.gather @!p0 [hbm4b:s13+s9], $0x200, $0x38;
	[tilespmem:$0x1D000] =	vst v63  }
0x55: {  	s7 =	sor.u32 @!p0 $0x18C00, s7  }
0x56: {  	[tilespmem:s7], [sflag:$0x1] =	stream.linear.gather @!p0 [hbm4b:s12+s9], $0x200, $0x38;
	[tilespmem:$0x1D000] =	vst v63  }
0x57: {  	_ =	swait.ge [sflag:s30], $0x2000  }
0x58: {  	s7 =	sshll.u32 s5, $0x9;
	s5 =	sshll.u32 s5, $0xD;
	[sflag:s30] =	ssyncset.done $0x0  }
0x59: {  	s8 =	sor.u32 $0x19000, s5;
	s9 =	sor.u32 $0x18C00, s7;
	[sflag:s30] =	ssyncadd.s32 $0xFFFFE000  }
0x5a: {  	[spmem:s2] =	stream.indirect.scatter.add.f32 [tilespmem:s8], [sflag:$0x3], $0x10, s9, s18, $0xb8;
	[tilespmem:$0x1D000] =	vst v63  }
0x5b: {  	s8 =	sor.u32 $0x19800, s5;
	s9 =	sor.u32 $0x18C80, s7  }
0x5c: {  	[spmem:s2] =	stream.indirect.scatter.add.f32 [tilespmem:s8], [sflag:$0x3], $0x10, s9, s18, $0xb8;
	[tilespmem:$0x1D000] =	vst v63  }
.Ltmp2:
0x5d: {  	_ = 	snop;
	(pc) =	sbr.rel @p0 .LBB2_4-.Ltmp2, $4  }
0x5e: {  	s8 =	sadd.s32 $0x1A000, s5;
	s9 =	sor.u32 $0x18D00, s7  }
0x5f: {  	[spmem:s2] =	stream.indirect.scatter.add.f32 [tilespmem:s8], [sflag:$0x3], $0x10, s9, s18, $0xb8;
	[tilespmem:$0x1D000] =	vst v63  }
0x60: {  	s5 =	sadd.s32 $0x1A800, s5;
	s7 =	sor.u32 $0x18D80, s7  }
0x61: {  	[spmem:s2] =	stream.indirect.scatter.add.f32 [tilespmem:s5], [sflag:$0x3], $0x10, s7, s18, $0xb8;
	[tilespmem:$0x1D000] =	vst v63  }
0x62: {  	_ =	swait.ge [sflag:s22], $0x400  }
0x63: {  	s5 =	sshll.u32 s4, $0x9;
	s4 =	sshll.u32 s4, $0xD;
	[sflag:s22] =	ssyncset.done $0x0  }
0x64: {  	s7 =	sor.u32 $0x19000, s4;
	s8 =	sor.u32 $0x18800, s5;
	[sflag:s22] =	ssyncadd.s32 $0xFFFFFC00  }
0x65: {  	[tilespmem:s7], [sflag:$0x2] =	stream.indirect.gather [hbm4b:s1+s18], $0x10, s8, s18, $0xb8;
	[tilespmem:$0x1D000] =	vst v63  }
0x66: {  	s9 =	sor.u32 $0x18880, s5;
	s8 =	sor.u32 $0x19800, s4  }
0x67: {  	[tilespmem:s8], [sflag:$0x2] =	stream.indirect.gather [hbm4b:s1+s18], $0x10, s9, s18, $0xb8;
	[tilespmem:$0x1D000] =	vst v63  }
.Ltmp3:
0x68: {  	s0 =	sadd.s32 $0x1, s0;
	(pc) =	sbr.rel .LBB2_2-.Ltmp3, $4  }
0x69: {  	s12 =	sadd.s32 $0x40, s12;
	s8 =	sadd.s32 $0x1A000, s4;
	s9 =	sor.u32 $0x18900, s5  }
0x6a: {  	[tilespmem:s8], [sflag:$0x2] =	stream.indirect.gather [hbm4b:s1+s18], $0x10, s9, s18, $0xb8;
	[tilespmem:$0x1D000] =	vst v63  }
0x6b: {  	s13 =	sadd.s32 $0x40, s13;
	s4 =	sadd.s32 $0x1A800, s4;
	s5 =	sor.u32 $0x18980, s5  }
0x6c: {  	[tilespmem:s4], [sflag:$0x2] =	stream.indirect.gather [hbm4b:s1+s18], $0x10, s5, s18, $0xb8;
	[tilespmem:$0x1D000] =	vst v63  }
.LBB2_5:
0x6d: {  	_ =	sfence.sel $0x180000  }
0x6e: {  	[bflag:$0x0] =	sbarrier.arrive $0xFFFF  }
0x6f: {  	_ =	strace $0x9000004A  }
0x70: {  	s0 =	stileid.u32;
	[bflag:$0x2] =	sbarrier.arrive $0xFFFF  }
0x71: {  	p0 =	sne.s32 s0, $0x0;
	s0 =	rddreg [dreg:$0x3]  }
0x72: {  	s0 =	sadd.s32 @!p0 $0x100000, s0  }
0x73: {  	[sflag:s0] =	ssyncadd.tile.s32 @!p0 $0x1;
	_ =	shalt  }
.Lfunc_end2:
_tile_overlayer_lowered:
.L_overlay_start_2:
0x74: {  	(tag) =	ssettag $0x2  }
0x75: {  	s0 =	rddreg [dreg:$0x0];
	s2 =	stileid.u32  }
0x76: {  	s1 =	rddreg [dreg:$0x1];
	p0 =	sne.s32 s2, $0x0  }
0x77: {  	s3 =	rddreg [dreg:$0x2];
	[bflag:$0x3] =	sbarrier.arrive $0xFFFF;
	s2 =	simm.s32 @!p0 $0x1C04  }
0x78: {  	[timem:s3], [sflag:s2] =	dma.local @!p0 [hbm:s0], s1  }
0x79: {  	s0 =	simm.s32 @!p0 $0x4  }
0x7a: {  	_ =	swait.ge @!p0 [sflag:s0], s1  }
0x7b: {  	s1 =	ssub.s32 @!p0 $0x0, s1;
	[sflag:s0] =	ssyncset.done @!p0 $0x0  }
0x7c: {  	[sflag:s0] =	ssyncadd.s32 @!p0 s1  }
0x7d: {  	[bflag:$0x3] =	sbarrier.arrive $0xFFFF  }
0x7e: {  	_ =	shalt  }

// kernel: kernel.14.cloned.1.call-start
scs
__scs_entry_jumppad:
0x0: {  	(pc) =	sbr.rel $0x88, $3  }
0x1: {  	(tag) =	ssettag $0x0;
	lr =	simm.s32 $0x1  }
0x2: {  	[smem:$0x3F95] =	sst lr;
	_ =	strace $0xD0000000  }
0x3: {  	_ = 	snop  }
0x4: {  	_ = 	snop  }
0x5: {  	_ = 	snop  }
0x6: {  	_ = 	snop  }
0x7: {  	_ = 	snop  }
__scs_overlays_trampoline_lowered:
0x8: {  	[smem:$0x3FA4] =	sst s0  }
0x9: {  	[smem:$0x3FA5] =	sst s1  }
0xa: {  	[smem:$0x3FA6] =	sst s2  }
0xb: {  	[smem:$0x3FA7] =	sst s3  }
0xc: {  	[smem:$0x3FA8] =	sst s4  }
0xd: {  	[smem:$0x3FA9] =	sst s5  }
0xe: {  	[smem:$0x3FAA] =	sst s6  }
0xf: {  	[smem:$0x3FAB] =	sst s7  }
0x10: {  	[smem:$0x3FAC] =	sst s8  }
0x11: {  	[smem:$0x3FAD] =	sst s9;
	s0 =	simm.s32 @!p0 $0x0  }
0x12: {  	s1 =	sld [smem:$0x3F93];
	s0 =	simm.s32 @p0 $0x1  }
0x13: {  	[smem:$0x3FAE] =	sst s0;
	s0 =	simm.s32 @!p1 $0x0  }
0x14: {  	s2 =	sld [smem:$0x3F92];
	s0 =	simm.s32 @p1 $0x1  }
0x15: {  	[smem:$0x3FAF] =	sst s0;
	s0 =	simm.s32 @!p2 $0x0  }
0x16: {  	s3 =	sld [smem:$0x3FDB];
	s0 =	simm.s32 @p2 $0x1  }
0x17: {  	s4 =	simm.s32 $0x1BF5;
	[smem:$0x3FB1] =	sst s0  }
0x18: {  	s0 =	sld [smem:$0x3F94];
	_ =	swait.ge [sflag:s4], $0x0  }
0x19: {  	s7 =	sld [smem:$0x3F95]  }
0x1a: {  	s8 =	sadd.s32 $0xFFFFE003, lr  }
0x1b: {  	s9 =	sadd.s32 $0xFFFFFEF7, lr;
	s5 =	simm.s32 $0xFFFFFFFF;
	p2 =	slt.u32 s8, $0xFFFFF086  }
0x1c: {  	p1 =	slt.u32 s9, $0xF7A;
	s5 =	simm.s32 @!p2 $0x0  }
0x1d: {  	s5 =	simm.s32 @p1 $0x1;
	p0 =	seq.s32 s7, s2  }
0x1e: {  	s7 =	smul.u32 @!p0 $0xF7A, s2;
	p2 =	seq.s32 @!p0 s5, $0x0  }
0x1f: {  	s9 =	smul.u32 $0xF7A, s1;
	s8 =	simm.s32 @!p0 $0x1BF5;
	p2 =	por !p2, p0  }
0x20: {  	[sflag:s8] =	ssyncset.s32 @!p0 $0xFFFFF086;
	s6 =	sadd.s32 @!p0 s3, s7;
	s7 =	simm.s32 @!p0 $0x108  }
0x21: {  	s3 =	sadd.s32 s3, s9;
	s6 =	sadd.s32 @!p0 $0x88, s6;
	s7 =	simm.s32 @p2 $0x1082  }
0x22: {  	[simem:s7], [sflag:s8] =	dma.local @!p0 [hbm:s6], $0xF7A  }
0x23: {  	s9 =	sor.u32 $0xD0000000, s2;
	s6 =	simm.s32 $0x108;
	_ =	swait.ge @!p0 [sflag:s8], $0x0  }
0x24: {  	s3 =	sadd.s32 $0x88, s3;
	s6 =	simm.s32 @!p1 $0x1082;
	[sflag:s4] =	ssyncset.s32 $0xFFFFF086  }
0x25: {  	[simem:s6], [sflag:s4] =	dma.local [hbm:s3], $0xF7A  }
0x26: {  	[smem:$0x3F95] =	sst s1;
	(tag) =	ssettag s2;
	_ =	strace s9  }
0x27: {  	s1 =	sld [smem:$0x3FA5]  }
0x28: {  	s2 =	sld [smem:$0x3FA6]  }
0x29: {  	s4 =	sld [smem:$0x3FA8]  }
0x2a: {  	p0 =	seq.s32 s5, $0x0;
	s5 =	sld [smem:$0x3FA9]  }
0x2b: {  	s6 =	sld [smem:$0x3FAA]  }
0x2c: {  	s7 =	sld [smem:$0x3FAB]  }
0x2d: {  	s3 =	simm.s32 $0x108;
	s8 =	sld [smem:$0x3FAC]  }
0x2e: {  	s3 =	simm.s32 @!p0 $0x1082;
	s9 =	sld [smem:$0x3FAD]  }
0x2f: {  	lr =	sadd.s32 s0, s3;
	s0 =	sld [smem:$0x3FA4]  }
0x30: {  	s3 =	sld [smem:$0x3FA7]  }
0x31: {  	[smem:$0x3FB0] =	sst s10  }
0x32: {  	s10 =	sld [smem:$0x3FAE];
	_ =	sdelay $0x3  }
0x33: {  	p0 =	seq.s32 s10, $0x1;
	s10 =	sld [smem:$0x3FB0];
	_ =	sdelay $0x3  }
0x34: {  	[smem:$0x3FB0] =	sst s10  }
0x35: {  	s10 =	sld [smem:$0x3FAF];
	_ =	sdelay $0x3  }
0x36: {  	p1 =	seq.s32 s10, $0x1;
	s10 =	sld [smem:$0x3FB0];
	_ =	sdelay $0x3  }
0x37: {  	[smem:$0x3FB0] =	sst s10  }
0x38: {  	s10 =	sld [smem:$0x3FB1]  }
0x39: {  	_ = 	snop;
	(pc) =	sbr.ind lr, $3  }
0x3a: {  	_ = 	snop  }
0x3b: {  	_ = 	snop  }
0x3c: {  	p2 =	seq.s32 s10, $0x1;
	s10 =	sld [smem:$0x3FB0]  }
0x3d: {  	_ =	shalt  }
0x3e: {  	_ =	shalt  }
0x3f: {  	_ =	shalt  }
0x40: {  	_ =	shalt  }
0x41: {  	_ =	shalt  }
0x42: {  	_ =	shalt  }
0x43: {  	_ =	shalt  }
0x44: {  	_ =	shalt  }
0x45: {  	_ =	shalt  }
0x46: {  	_ =	shalt  }
0x47: {  	_ =	shalt  }
0x48: {  	_ =	shalt  }
0x49: {  	_ =	shalt  }
0x4a: {  	_ =	shalt  }
0x4b: {  	_ =	shalt  }
0x4c: {  	_ =	shalt  }
0x4d: {  	_ =	shalt  }
0x4e: {  	_ =	shalt  }
0x4f: {  	_ =	shalt  }
0x50: {  	_ =	shalt  }
0x51: {  	_ =	shalt  }
0x52: {  	_ =	shalt  }
0x53: {  	_ =	shalt  }
0x54: {  	_ =	shalt  }
0x55: {  	_ =	shalt  }
0x56: {  	_ =	shalt  }
0x57: {  	_ =	shalt  }
0x58: {  	_ =	shalt  }
0x59: {  	_ =	shalt  }
0x5a: {  	_ =	shalt  }
0x5b: {  	_ =	shalt  }
0x5c: {  	_ =	shalt  }
0x5d: {  	_ =	shalt  }
0x5e: {  	_ =	shalt  }
0x5f: {  	_ =	shalt  }
0x60: {  	_ =	shalt  }
0x61: {  	_ =	shalt  }
0x62: {  	_ =	shalt  }
0x63: {  	_ =	shalt  }
0x64: {  	_ =	shalt  }
0x65: {  	_ =	shalt  }
0x66: {  	_ =	shalt  }
0x67: {  	_ =	shalt  }
0x68: {  	_ =	shalt  }
0x69: {  	_ =	shalt  }
0x6a: {  	_ =	shalt  }
0x6b: {  	_ =	shalt  }
0x6c: {  	_ =	shalt  }
0x6d: {  	_ =	shalt  }
0x6e: {  	_ =	shalt  }
0x6f: {  	_ =	shalt  }
0x70: {  	_ =	shalt  }
0x71: {  	_ =	shalt  }
0x72: {  	_ =	shalt  }
0x73: {  	_ =	shalt  }
0x74: {  	_ =	shalt  }
0x75: {  	_ =	shalt  }
0x76: {  	_ =	shalt  }
0x77: {  	_ =	shalt  }
0x78: {  	_ =	shalt  }
0x79: {  	_ =	shalt  }
0x7a: {  	_ =	shalt  }
0x7b: {  	_ =	shalt  }
0x7c: {  	_ =	shalt  }
0x7d: {  	_ =	shalt  }
0x7e: {  	_ =	shalt  }
0x7f: {  	_ =	shalt  }
0x80: {  	_ =	shalt  }
0x81: {  	_ =	shalt  }
0x82: {  	_ =	shalt  }
0x83: {  	_ =	shalt  }
0x84: {  	_ =	shalt  }
0x85: {  	_ =	shalt  }
0x86: {  	_ =	shalt  }
0x87: {  	_ =	shalt  }
.Lfunc_end0:
.L_simem_size_0:
called_computation.2_lowered:
.L_overlay_start_0:
0x88: {  	s2 =	sld [smem:$0x3FD9]  }
0x89: {  	s3 =	sld [smem:$0x3FFE];
	_ =	sdelay $0x1  }
0x8a: {  	s1 =	srdreg.scid  }
0x8b: {  	s0 =	sand.u32 $0x1, s1  }
0x8c: {  	s17 =	sshll.u32 s0, $0xA;
	s2 =	sadd.s32 s3, s2  }
0x8d: {  	s2 =	sadd.s32 s2, s17  }
0x8e: {  	[smem:$0x3FBC] =	sst s2  }
0x8f: {  	_ = 	snop  }
0x90: {  	s2 =	sld [smem:$0x3FD0];
	(tm) =	ssettm $0x1  }
0x91: {  	s18 =	sld [smem:$0x3FFB];
	_ =	sdelay $0x3  }
0x92: {  	_ =	strace s18  }
0x93: {  	s3 =	sld [smem:$0x3FFC];
	_ =	sdelay $0x3  }
0x94: {  	_ =	strace s3  }
0x95: {  	s3 =	sld [smem:$0x3FFD];
	_ =	sdelay $0x3  }
0x96: {  	_ =	strace s3  }
0x97: {  	_ =	strace $0x8FFFFFFF  }
0x98: {  	s19 =	sld [smem:$0x3FDB];
	_ =	sdelay $0x1  }
0x99: {  	s4 =	simm.s32 $_scs_section_size  }
0x9a: {  	s5 =	simm.s32 $_size__tile_overlayer_lowered;
	s6 =	simm.s32 $_tile_overlayer_lowered  }
0x9b: {  	s22 =	simm.s32 $0x1BFF;
	s21 =	sshll.u32 s6, $0x1;
	s3 =	sadd.s32 s4, s19  }
0x9c: {  	s7 =	simm.s32 $0x0;
	s20 =	sshll.u32 s5, $0x1;
	s5 =	sadd.s32 s21, s3  }
0x9d: {  	[timem:s7], [sflag:s22] =	dma.local [hbm:s5], s20  }
0x9e: {  	_ =	swait.ge [sflag:s22], s20  }
0x9f: {  	s4 =	ssub.s32 $0x0, s20;
	[sflag:s22] =	ssyncset.done $0x0  }
0xa0: {  	[sflag:s22] =	ssyncadd.s32 s4;
	_ =	sdelay $0x1  }
0xa1: {  	s23 =	simm.s32 $0x1B8B  }
0xa2: {  	_ =	swait.ge [sflag:s23], $0x1  }
0xa3: {  	[sflag:s23] =	ssyncset.done $0x0  }
0xa4: {  	s25 =	simm.s32 $0x1B8E;
	s24 =	sld [smem:$0x3FFE];
	[sflag:s23] =	ssyncadd.s32 $0xFFFFFFFF  }
0xa5: {  	s26 =	simm.s32 $execute0_lowered;
	[smem:$0x3FD2] =	sst s25  }
0xa6: {  	s5 =	sshll.u32 s26, $0x1;
	_ =	strace $0x8000004C;
	[dreg:$0x1] =	wrdreg $0xFFFFFFFF  }
0xa7: {  	s28 =	simm.s32 $_size_execute0_lowered;
	s3 =	sadd.s32 s3, s5;
	[dreg:$0x0] =	wrdreg $0x0  }
0xa8: {  	s5 =	sshll.u32 s28, $0x1;
	[dreg:$0x2] =	wrdreg s3  }
0xa9: {  	[dreg:$0x3] =	wrdreg s5  }
0xaa: {  	[dreg:$0x4] =	wrdreg $0xC0  }
0xab: {  	_ =	task [dreg:s7], $0x5FFFF  }
0xac: {  	[dreg:$0x1] =	wrdreg $0xFFFFFFFF  }
0xad: {  	[dreg:$0x0] =	wrdreg $0x60  }
0xae: {  	[dreg:$0x2] =	wrdreg s24  }
0xaf: {  	[dreg:$0x3] =	wrdreg s2  }
0xb0: {  	[dreg:$0x4] =	wrdreg $0x0  }
0xb1: {  	[dreg:$0x5] =	wrdreg $0xC4000  }
0xb2: {  	[dreg:$0x6] =	wrdreg $0x9  }
0xb3: {  	_ =	task.clear_ibuf [dreg:s7], $0x7FFFF;
	_ =	strace $0x9000004C  }
0xb4: {  	s29 =	simm.s32 $0x9;
	_ =	strace $0x8000004E  }
0xb5: {  	_ =	swait.ge [sflag:s29], $0x1  }
0xb6: {  	[sflag:s29] =	ssyncadd.s32 $0xFFFFFFFF  }
0xb7: {  	_ =	strace $0x9000004E  }
0xb8: {  	_ =	sfence  }
0xb9: {  	s30 =	sld [smem:$0x0];
	_ =	sdelay $0x2  }
0xba: {  	s31 =	sshll.u32 s1, $0xD;
	s1 =	sshrl.u32 s1, $0x2  }
0xbb: {  	s3 =	sand.u32 $0x4000, s31;
	s1 =	sadd.s32 s1, s30  }
0xbc: {  	s0 =	sor.u32 s3, s0;
	s1 =	sshll.u32 s1, $0x11  }
0xbd: {  	s0 =	sor.u32 s1, s0  }
0xbe: {  	s0 =	sadd.s32 $0x8F2B, s0  }
0xbf: {  	[sflag:s0] =	ssyncadd.remote.s32 $0x1  }
0xc0: {  	_ =	sfence.sel $0xFFFF  }
0xc1: {  	[dreg:$0x0] =	wrdreg $0xFFFFFFFF;
	(pc) =	sbr.abs _section_cstart, $3  }
0xc2: {  	[dreg:$0x1] =	wrdreg $0xFFFFFFFF  }
0xc3: {  	_ =	task.clear_ibuf [dreg:s7], $0x2FFFF;
	_ =	strace $0x9FFFFFFF  }
0xc4: {  	(tm) =	ssettm $0x7FFFFFFF  }
0xc5: {  	_ =	shalt  }
tec
execute0_lowered:
.L_overlay_start_1:
0x0: {  	(tag) =	ssettag $0x1  }
0x1: {  	s0 =	rddreg [dreg:$0x0]  }
0x2: {  	s5 =	rddreg [dreg:$0x1]  }
0x3: {  	s1 =	rddreg [dreg:$0x2]  }
0x4: {  	s2 =	rddreg [dreg:$0x3]  }
0x5: {  	s4 =	srdreg.scid;
	s3 =	simm.s32 $0x0;
	s18 =	stileid.u32  }
0x6: {  	s28 =	simm.s32 $0x19000;
	s29 =	simm.s32 $0x1B000;
	s30 =	simm.s32 $0x2  }
0x7: {  	s31 =	simm.s32 $0x3;
	s7 =	sand.u32 $0x1, s4;
	s4 =	sadd.s32 $0x1EB600, s0  }
0x8: {  	[smem:$0x7FF] =	sst s3;
	s6 =	sadd.s32 $0x189600, s0;
	s14 =	smul.u32 $0xC400, s18  }
0x9: {  	s15 =	sadd.s32 $0x34000, s0;
	s23 =	sshll.u32 s18, $0x6;
	s16 =	smul.u32 $0x6200, s18  }
0xa: {  	s8 =	smul.u32 $0x18800, s7;
	_ =	strace $0x8000004D;
	s9 =	sshll.u32 s7, $0x4  }
0xb: {  	s11 =	smul.u32 $0x62000, s7;
	s12 =	ssub.s32 $0x2, s7;
	[dreg:$0x5] =	wrdreg s15  }
0xc: {  	s7 =	scvt.s32.f32 s7;
	s13 =	sadd.s32 s9, s0;
	s20 =	sshrl.u32 s12, $0x1  }
0xd: {  	s17 =	sadd.s32 s14, s1;
	s22 =	sshrl.u32 s14, $0x3;
	s9 =	sor.u32 $0x1C04, s23  }
0xe: {  	s24 =	sadd.s32 s14, s2;
	s26 =	sadd.s32 s4, s16;
	s23 =	simm.s32 $0x18800  }
0xf: {  	s10 =	sadd.s32 s8, s0;
	s0 =	sadd.s32 s11, s0;
	s21 =	ssub.s32 s12, s20  }
0x10: {  	s5 =	sadd.s32 s5, s8;
	s25 =	sadd.s32 $0x2C00, s13;
	s7 =	ssub.f32 $1.000000000e+00, s7  }
0x11: {  	[dreg:$0x8] =	wrdreg s26;
	s12 =	sadd.s32 s6, s16;
	s13 =	smul.u32 $0x31000, s18  }
0x12: {  	s16 =	sor.u32 $0x40, s16;
	s17 =	sshrl.u32 s17, $0x3;
	s18 =	simm.s32 $0x4  }
0x13: {  	s20 =	sshrl.u32 s24, $0x3;
	s24 =	simm.s32 $0x18C00;
	s26 =	simm.s32 $0x80  }
0x14: {  	s5 =	sadd.s32 s22, s5;
	s19 =	sadd.s32 $0x3000, s10;
	[dreg:$0x7] =	wrdreg s25  }
0x15: {  	v1 =	vlaneseq.u32;
	s14 =	sadd.s32 $0x34200, s0;
	s15 =	smax.u32 s21, $0x1;
	s25 =	simm.s32 $0x1  }
0x16: {  	v1 =	vmul.u32 $0x8, v1;
	s0 =	simm.s32 $0x0;
	[dreg:$0x6] =	wrdreg s5;
	s19 =	sadd.s32 s22, s19;
	v0 =	vmov s7  }
.LBB2_1:
0x17: {  	s5 =	rddreg [dreg:$0x6]  }
0x18: {  	[spmem:s17], [sflag:s9] =	dma.local [hbm:s5], $0x1880  }
0x19: {  	_ =	swait.ge [sflag:s18], $0x1880  }
0x1a: {  	[sflag:s18] =	ssyncset.done $0x0  }
0x1b: {  	[sflag:s18] =	ssyncadd.s32 $0xFFFFE780  }
0x1c: {  	[spmem:s20], [sflag:s9] =	dma.local [hbm:s19], $0x1880  }
0x1d: {  	_ =	swait.ge [sflag:s18], $0x1880  }
0x1e: {  	[sflag:s18] =	ssyncset.done $0x0  }
0x1f: {  	s7 =	simm.s32 $0x1D400;
	s10 =	rddreg [dreg:$0x7];
	[sflag:s18] =	ssyncadd.s32 $0xFFFFE780  }
0x20: {  	[tilespmem:s7], [sflag:$0x4] =	stream.linear.gather [hbm4b:s10+s3], $0x80, $0x38;
	[tilespmem:$0x1D490] =	vst v63  }
0x21: {  	_ =	swait.ge [sflag:s18], $0x80  }
0x22: {  	[sflag:s18] =	ssyncset.done $0x0  }
0x23: {  	s21 =	simm.s32 $0x1D480;
	s11 =	rddreg [dreg:$0x5];
	[sflag:s18] =	ssyncadd.s32 $0xFFFFFF80  }
0x24: {  	[tilespmem:s21], [sflag:$0x4] =	stream.linear.gather [hbm4b:s11+s3], $0x10, $0x38;
	[tilespmem:$0x1D490] =	vst v63  }
0x25: {  	_ =	swait.ge [sflag:s18], $0x10  }
0x26: {  	[sflag:s18] =	ssyncset.done $0x0  }
0x27: {  	[sflag:s18] =	ssyncadd.s32 $0xFFFFFFF0  }
0x28: {  	[bflag:$0x0] =	sbarrier.arrive $0xFFFF  }
0x29: {  	v2 =	vld [tilespmem:$0x1D400]  }
0x2a: {  	v3 =	vld [tilespmem:$0x1D410]  }
0x2b: {  	v4 =	vld [tilespmem:$0x1D420]  }
0x2c: {  	v5 =	vld [tilespmem:$0x1D430]  }
0x2d: {  	v6 =	vld [tilespmem:$0x1D440]  }
0x2e: {  	v7 =	vld [tilespmem:$0x1D450]  }
0x2f: {  	v8 =	vld [tilespmem:$0x1D460]  }
0x30: {  	v9 =	vld [tilespmem:$0x1D470];
	s22 =	rddreg [dreg:$0x8]  }
0x31: {  	v10 =	vld [tilespmem:$0x1D480];
	[tilespmem:s23], [sflag:$0x1] =	stream.linear.gather [hbm4b:s22+s3], $0x200, $0x38  }
0x32: {  	_ = 	snop  }
0x33: {  	[tilespmem:s24], [sflag:$0x1] =	stream.linear.gather [hbm4b:s12+s3], $0x200, $0x38;
	[tilespmem:$0x1D490] =	vst v63  }
0x34: {  	_ =	swait.ge [sflag:s25], $0x400  }
0x35: {  	[sflag:s25] =	ssyncset.done $0x0  }
0x36: {  	[sflag:s25] =	ssyncadd.s32 $0xFFFFFC00  }
0x37: {  	[tilespmem:s28], [sflag:$0x2] =	stream.indirect.gather [spmem:s1], $0x8, s23, s26, $0xb8;
	[tilespmem:$0x1D490] =	vst v63  }
0x38: {  	_ = 	snop  }
0x39: {  	[tilespmem:s29], [sflag:$0x2] =	stream.indirect.gather [spmem:s2], $0x8, s24, s26, $0xb8;
	[tilespmem:$0x1D490] =	vst v63  }
0x3a: {  	s8 =	simm.s32 $0x19400;
	s7 =	simm.s32 $0x18880  }
0x3b: {  	[tilespmem:s8], [sflag:$0x2] =	stream.indirect.gather [spmem:s1], $0x8, s7, s26, $0xb8;
	[tilespmem:$0x1D490] =	vst v63  }
0x3c: {  	s10 =	simm.s32 $0x18C80;
	s11 =	simm.s32 $0x1B400  }
0x3d: {  	[tilespmem:s11], [sflag:$0x2] =	stream.indirect.gather [spmem:s2], $0x8, s10, s26, $0xb8;
	[tilespmem:$0x1D490] =	vst v63  }
0x3e: {  	s21 =	simm.s32 $0x18900;
	s22 =	simm.s32 $0x19800  }
0x3f: {  	[tilespmem:s22], [sflag:$0x2] =	stream.indirect.gather [spmem:s1], $0x8, s21, s26, $0xb8;
	[tilespmem:$0x1D490] =	vst v63  }
0x40: {  	s7 =	simm.s32 $0x18D00;
	s8 =	simm.s32 $0x1B800  }
0x41: {  	[tilespmem:s8], [sflag:$0x2] =	stream.indirect.gather [spmem:s2], $0x8, s7, s26, $0xb8;
	[tilespmem:$0x1D490] =	vst v63  }
0x42: {  	p0 =	por $0x0, $0x0;
	s10 =	simm.s32 $0x18980;
	s11 =	simm.s32 $0x19C00  }
0x43: {  	[tilespmem:s11], [sflag:$0x2] =	stream.indirect.gather [spmem:s1], $0x8, s10, s26, $0xb8;
	[tilespmem:$0x1D490] =	vst v63  }
0x44: {  	s5 =	simm.s32 $0x0;
	s21 =	simm.s32 $0x18D80;
	s22 =	simm.s32 $0x1BC00  }
0x45: {  	v10 =	vmul.f32 v10, v0;
	[tilespmem:s22], [sflag:$0x2] =	stream.indirect.gather [spmem:s2], $0x8, s21, s26, $0xb8;
	[tilespmem:$0x1D490] =	vst v63  }
.LBB2_2:
0x46: {  	p1 =	sne.s32 s5, $0x187  }
.Ltmp0:
0x47: {  	_ = 	snop;
	(pc) =	sbr.rel @p1 .LBB2_4-.Ltmp0, $2  }
0x48: {  	_ =	sdelay $0x2  }
0x49: {  	s7 =	sand.u32 $0x1, s5  }
0x4a: {  	_ =	swait.ge [sflag:s30], $0x1000  }
.Ltmp1:
0x4b: {  	[sflag:s30] =	ssyncset.done $0x0;
	(pc) =	sbr.rel .LBB2_5-.Ltmp1, $4  }
0x4c: {  	[sflag:s30] =	ssyncadd.s32 $0xFFFFF000  }
0x4d: {  	_ =	swait.ge [sflag:s30], $0x1000  }
0x4e: {  	[sflag:s30] =	ssyncset.done $0x0  }
0x4f: {  	[sflag:s30] =	ssyncadd.s32 $0xFFFFF000  }
.LBB2_4:
0x50: {  	s8 =	sxor.u32 $0x1, s7;
	s21 =	sshll.u32 s5, $0x6  }
0x51: {  	s22 =	sshll.u32 s8, $0x9;
	s21 =	sadd.s32 s16, s21  }
0x52: {  	s10 =	sor.u32 $0x18800, s22;
	s11 =	sadd.s32 s4, s21  }
0x53: {  	[tilespmem:s10], [sflag:$0x1] =	stream.linear.gather [hbm4b:s11+s3], $0x200, $0x38;
	[tilespmem:$0x1D490] =	vst v63  }
0x54: {  	s21 =	sadd.s32 s6, s21;
	s11 =	sor.u32 $0x18C00, s22  }
0x55: {  	[tilespmem:s11], [sflag:$0x1] =	stream.linear.gather [hbm4b:s21+s3], $0x200, $0x38;
	[tilespmem:$0x1D490] =	vst v63  }
0x56: {  	_ =	swait.ge [sflag:s30], $0x1000  }
0x57: {  	[sflag:s30] =	ssyncset.done $0x0  }
0x58: {  	[sflag:s30] =	ssyncadd.s32 $0xFFFFF000  }
0x59: {  	_ =	swait.ge [sflag:s30], $0x1000  }
0x5a: {  	[sflag:s30] =	ssyncset.done $0x0  }
0x5b: {  	[sflag:s30] =	ssyncadd.s32 $0xFFFFF000  }
0x5c: {  	_ =	swait.ge [sflag:s25], $0x400  }
0x5d: {  	s8 =	sshll.u32 s8, $0xC;
	[sflag:s25] =	ssyncset.done $0x0  }
0x5e: {  	s21 =	sadd.s32 $0x19000, s8;
	[sflag:s25] =	ssyncadd.s32 $0xFFFFFC00  }
0x5f: {  	[tilespmem:s21], [sflag:$0x2] =	stream.indirect.gather [spmem:s1], $0x8, s10, s26, $0xb8;
	[tilespmem:$0x1D490] =	vst v63  }
0x60: {  	s21 =	sadd.s32 $0x1B000, s8  }
0x61: {  	[tilespmem:s21], [sflag:$0x2] =	stream.indirect.gather [spmem:s2], $0x8, s11, s26, $0xb8;
	[tilespmem:$0x1D490] =	vst v63  }
0x62: {  	s11 =	sadd.s32 $0x19400, s8;
	s21 =	sor.u32 $0x18880, s22  }
0x63: {  	[tilespmem:s11], [sflag:$0x2] =	stream.indirect.gather [spmem:s1], $0x8, s21, s26, $0xb8;
	[tilespmem:$0x1D490] =	vst v63  }
0x64: {  	s11 =	sadd.s32 $0x1B400, s8;
	s21 =	sor.u32 $0x18C80, s22  }
0x65: {  	[tilespmem:s11], [sflag:$0x2] =	stream.indirect.gather [spmem:s2], $0x8, s21, s26, $0xb8;
	[tilespmem:$0x1D490] =	vst v63  }
0x66: {  	s11 =	sadd.s32 $0x19800, s8;
	s21 =	sor.u32 $0x18900, s22  }
0x67: {  	[tilespmem:s11], [sflag:$0x2] =	stream.indirect.gather [spmem:s1], $0x8, s21, s26, $0xb8;
	[tilespmem:$0x1D490] =	vst v63  }
0x68: {  	p1 =	slt.u32 s5, $0x2;
	s11 =	sadd.s32 $0x1B800, s8;
	s21 =	sor.u32 $0x18D00, s22  }
0x69: {  	[tilespmem:s11], [sflag:$0x2] =	stream.indirect.gather [spmem:s2], $0x8, s21, s26, $0xb8;
	[tilespmem:$0x1D490] =	vst v63  }
.Ltmp2:
0x6a: {  	_ = 	snop;
	(pc) =	sbr.rel @p1 .LBB2_6-.Ltmp2, $4  }
0x6b: {  	s11 =	sadd.s32 $0x19C00, s8;
	s21 =	sor.u32 $0x18980, s22  }
0x6c: {  	[tilespmem:s11], [sflag:$0x2] =	stream.indirect.gather [spmem:s1], $0x8, s21, s26, $0xb8;
	[tilespmem:$0x1D490] =	vst v63  }
0x6d: {  	s8 =	sadd.s32 $0x1BC00, s8;
	s22 =	sor.u32 $0x18D80, s22  }
0x6e: {  	[tilespmem:s8], [sflag:$0x2] =	stream.indirect.gather [spmem:s2], $0x8, s22, s26, $0xb8;
	[tilespmem:$0x1D490] =	vst v63  }
.LBB2_5:
0x6f: {  	_ =	swait.ge [sflag:s31], $0x200  }
0x70: {  	[sflag:s31] =	ssyncset.done $0x0  }
0x71: {  	[sflag:s31] =	ssyncadd.s32 $0xFFFFFE00  }
.LBB2_6:
0x72: {  	s8 =	simm.s32 $0x1  }
0x73: {  	s8 =	simm.s32 @!p0 $0x0  }
0x74: {  	s21 =	sshll.u32 s8, $0x9  }
0x75: {  	v11 =	vmov s21  }
0x76: {  	v11 =	vshll.u32 v11, $0x3  }
0x77: {  	v11 =	vor.u32 v1, v11;
	_ =	sdelay $0x1  }
0x78: {  	v12 =	vor.u32 $0x1, v11;
	_ =	sdelay $0x1  }
0x79: {  	v13 =	vor.u32 $0x2, v11  }
0x7a: {  	v14 =	vld.idx.msk [tilespmem:v11+s28+$0x0], $0xffff  }
0x7b: {  	v16 =	vor.u32 $0x3, v11;
	v17 =	vld.idx.msk [tilespmem:v11+s29+$0x0], $0xffff  }
0x7c: {  	v15 =	vld.idx.msk [tilespmem:v12+s28+$0x0], $0xffff  }
0x7d: {  	v18 =	vor.u32 $0x4, v11;
	v12 =	vld.idx.msk [tilespmem:v12+s29+$0x0], $0xffff  }
0x7e: {  	v19 =	vld.idx.msk [tilespmem:v13+s29+$0x0], $0xffff  }
0x7f: {  	v13 =	vld.idx.msk [tilespmem:v13+s28+$0x0], $0xffff  }
0x80: {  	v20 =	vld.idx.msk [tilespmem:v16+s28+$0x0], $0xffff  }
0x81: {  	v16 =	vld.idx.msk [tilespmem:v16+s29+$0x0], $0xffff  }
0x82: {  	v21 =	vld.idx.msk [tilespmem:v18+s29+$0x0], $0xffff  }
0x83: {  	v18 =	vld.idx.msk [tilespmem:v18+s28+$0x0], $0xffff;
	_ =	sdelay $0x1  }
0x84: {  	v14 =	vadd.f32 v17, v14;
	v12 =	vadd.f32 v12, v15;
	v15 =	vor.u32 $0x5, v11  }
0x85: {  	v17 =	vor.u32 $0x7, v11  }
0x86: {  	v13 =	vadd.f32 v19, v13;
	v11 =	vor.u32 $0x6, v11;
	v14 =	vmax.f32 v14, $0.0e+00  }
0x87: {  	v16 =	vadd.f32 v16, v20;
	v18 =	vadd.f32 v21, v18;
	v23 =	vshrl.u32 v14, $0x10  }
0x88: {  	v12 =	vmax.f32 v12, $0.0e+00;
	v13 =	vmax.f32 v13, $0.0e+00;
	v19 =	vand.u32 $0x1, v23  }
0x89: {  	v16 =	vmax.f32 v16, $0.0e+00;
	v22 =	vshrl.u32 v12, $0x10;
	v14 =	vadd.s32 v19, v14;
	v61 =	vld.idx.msk [tilespmem:v15+s29+$0x0], $0xffff  }
0x8a: {  	v22 =	vand.u32 $0x1, v22;
	v19 =	vshrl.u32 v13, $0x10;
	v15 =	vld.idx.msk [tilespmem:v15+s28+$0x0], $0xffff;
	v14 =	vadd.s32 $0x7FFF, v14  }
0x8b: {  	v12 =	vadd.s32 v22, v12;
	v19 =	vand.u32 $0x1, v19;
	v14 =	vand.u32 $0xFFFF0000, v14  }
0x8c: {  	v12 =	vadd.s32 $0x7FFF, v12;
	v13 =	vadd.s32 v19, v13;
	v14 =	vmul.f32 v14, v2  }
0x8d: {  	v62 =	vshrl.u32 v16, $0x10;
	v12 =	vand.u32 $0xFFFF0000, v12;
	v13 =	vadd.s32 $0x7FFF, v13  }
0x8e: {  	v19 =	vld.idx.msk [tilespmem:v17+s29+$0x0], $0xffff;
	v12 =	vmul.f32 v12, v3;
	v13 =	vand.u32 $0xFFFF0000, v13;
	v14 =	vadd.f32 v14, v10  }
0x8f: {  	v20 =	vand.u32 $0x1, v62;
	v17 =	vld.idx.msk [tilespmem:v17+s28+$0x0], $0xffff;
	v13 =	vmul.f32 v13, v4;
	v15 =	vadd.f32 v61, v15  }
0x90: {  	v63 =	vld.idx.msk [tilespmem:v11+s29+$0x0], $0xffff;
	v12 =	vadd.f32 v12, v14;
	v14 =	vadd.s32 v20, v16;
	v16 =	vmax.f32 v18, $0.0e+00  }
0x91: {  	v11 =	vld.idx.msk [tilespmem:v11+s28+$0x0], $0xffff;
	v14 =	vadd.s32 $0x7FFF, v14;
	v18 =	vshrl.u32 v16, $0x10;
	v15 =	vmax.f32 v15, $0.0e+00  }
0x92: {  	v12 =	vadd.f32 v13, v12;
	v13 =	vand.u32 $0xFFFF0000, v14;
	v14 =	vand.u32 $0x1, v18  }
0x93: {  	v13 =	vmul.f32 v13, v5;
	v14 =	vadd.s32 v14, v16;
	v16 =	vshrl.u32 v15, $0x10  }
0x94: {  	v17 =	vadd.f32 v19, v17;
	v14 =	vadd.s32 $0x7FFF, v14;
	v16 =	vand.u32 $0x1, v16  }
0x95: {  	v13 =	vadd.f32 v13, v12;
	v12 =	vand.u32 $0xFFFF0000, v14;
	v14 =	vadd.s32 v16, v15  }
0x96: {  	v11 =	vadd.f32 v63, v11;
	v15 =	vmul.f32 v12, v6;
	v12 =	vadd.s32 $0x7FFF, v14  }
0x97: {  	v14 =	vand.u32 $0xFFFF0000, v12;
	v12 =	vmax.f32 v17, $0.0e+00  }
0x98: {  	s8 =	sor.u32 $0x1D000, s21;
	v13 =	vadd.f32 v15, v13;
	v15 =	vmul.f32 v14, v7;
	v14 =	vmax.f32 v11, $0.0e+00  }
0x99: {  	v11 =	vmov s8;
	v17 =	vshrl.u32 v12, $0x10;
	v16 =	vshrl.u32 v14, $0x10  }
0x9a: {  	s22 =	sshll.u32 s7, $0x9;
	s7 =	simm.s32 $0x0;
	s8 =	simm.s32 $0x40;
	v13 =	vadd.f32 v15, v13;
	v16 =	vand.u32 $0x1, v16;
	v15 =	vand.u32 $0x1, v17  }
.LBB2_7:
0x9b: {  	p1 =	sne.s32 s8, $0x7C0  }
0x9c: {  	v14 =	vadd.s32 v16, v14;
	s21 =	sadd.s32 $0x10, s21;
	s10 =	smov.u32 s8;
	s8 =	sadd.s32 $0x40, s8  }
0x9d: {  	v14 =	vadd.s32 $0x7FFF, v14  }
0x9e: {  	v12 =	vadd.s32 v15, v12;
	v14 =	vand.u32 $0xFFFF0000, v14  }
0x9f: {  	v15 =	vmov s21;
	v12 =	vadd.s32 $0x7FFF, v12;
	v14 =	vmul.f32 v14, v8  }
0xa0: {  	v15 =	vshll.u32 v15, $0x3;
	v12 =	vand.u32 $0xFFFF0000, v12  }
0xa1: {  	v15 =	vor.u32 v1, v15;
	v12 =	vmul.f32 v12, v9;
	v13 =	vadd.f32 v14, v13  }
0xa2: {  	s11 =	sshra.s32 s7, $0x2;
	s7 =	smov.u32 s10;
	v16 =	vor.u32 $0x2, v15;
	v17 =	vor.u32 $0x3, v15;
	v14 =	vor.u32 $0x1, v15  }
0xa3: {  	v18 =	vor.u32 $0x4, v15;
	v19 =	vor.u32 $0x5, v15;
	v12 =	vadd.f32 v12, v13  }
0xa4: {  	v13 =	vor.u32 $0x7, v15  }
0xa5: {  	[tilespmem:v11+s11+$0x0 ss:$0x1] =	vst.idx.msk $0xffff, v12  }
0xa6: {  	v12 =	vld.idx.msk [tilespmem:v15+s28+$0x0], $0xffff  }
0xa7: {  	v20 =	vld.idx.msk [tilespmem:v14+s28+$0x0], $0xffff  }
0xa8: {  	v14 =	vld.idx.msk [tilespmem:v14+s29+$0x0], $0xffff  }
0xa9: {  	v21 =	vld.idx.msk [tilespmem:v15+s29+$0x0], $0xffff;
	_ =	sdelay $0x1  }
0xaa: {  	v22 =	vld.idx.msk [tilespmem:v16+s29+$0x0], $0xffff  }
0xab: {  	v16 =	vld.idx.msk [tilespmem:v16+s28+$0x0], $0xffff;
	_ =	sdelay $0x1  }
0xac: {  	v14 =	vadd.f32 v14, v20;
	v20 =	vld.idx.msk [tilespmem:v17+s28+$0x0], $0xffff  }
0xad: {  	v12 =	vadd.f32 v21, v12;
	v17 =	vld.idx.msk [tilespmem:v17+s29+$0x0], $0xffff  }
0xae: {  	v14 =	vmax.f32 v14, $0.0e+00;
	v21 =	vld.idx.msk [tilespmem:v18+s29+$0x0], $0xffff  }
0xaf: {  	v15 =	vor.u32 $0x6, v15;
	v12 =	vmax.f32 v12, $0.0e+00;
	v23 =	vshrl.u32 v14, $0x10;
	v18 =	vld.idx.msk [tilespmem:v18+s28+$0x0], $0xffff  }
0xb0: {  	v24 =	vshrl.u32 v12, $0x10;
	v23 =	vand.u32 $0x1, v23;
	v16 =	vadd.f32 v22, v16  }
0xb1: {  	v22 =	vand.u32 $0x1, v24;
	v14 =	vadd.s32 v23, v14;
	v23 =	vld.idx.msk [tilespmem:v19+s29+$0x0], $0xffff  }
0xb2: {  	v12 =	vadd.s32 v22, v12;
	v14 =	vadd.s32 $0x7FFF, v14;
	v16 =	vmax.f32 v16, $0.0e+00;
	v19 =	vld.idx.msk [tilespmem:v19+s28+$0x0], $0xffff  }
0xb3: {  	v12 =	vadd.s32 $0x7FFF, v12;
	v14 =	vand.u32 $0xFFFF0000, v14;
	v22 =	vshrl.u32 v16, $0x10  }
0xb4: {  	v17 =	vadd.f32 v17, v20;
	v12 =	vand.u32 $0xFFFF0000, v12;
	v22 =	vand.u32 $0x1, v22;
	v20 =	vld.idx.msk [tilespmem:v15+s29+$0x0], $0xffff  }
0xb5: {  	v12 =	vmul.f32 v12, v2;
	v16 =	vadd.s32 v22, v16;
	v18 =	vadd.f32 v21, v18;
	v15 =	vld.idx.msk [tilespmem:v15+s28+$0x0], $0xffff  }
0xb6: {  	v14 =	vmul.f32 v14, v3;
	v17 =	vmax.f32 v17, $0.0e+00;
	v16 =	vadd.s32 $0x7FFF, v16;
	v21 =	vld.idx.msk [tilespmem:v13+s29+$0x0], $0xffff  }
0xb7: {  	v22 =	vshrl.u32 v17, $0x10;
	v12 =	vadd.f32 v12, v10;
	v16 =	vand.u32 $0xFFFF0000, v16;
	v13 =	vld.idx.msk [tilespmem:v13+s28+$0x0], $0xffff  }
0xb8: {  	v22 =	vand.u32 $0x1, v22;
	v16 =	vmul.f32 v16, v4;
	v19 =	vadd.f32 v23, v19  }
0xb9: {  	v12 =	vadd.f32 v14, v12;
	v14 =	vadd.s32 v22, v17;
	v17 =	vmax.f32 v18, $0.0e+00  }
0xba: {  	v14 =	vadd.s32 $0x7FFF, v14;
	v18 =	vshrl.u32 v17, $0x10;
	v19 =	vmax.f32 v19, $0.0e+00  }
0xbb: {  	v12 =	vadd.f32 v16, v12;
	v14 =	vand.u32 $0xFFFF0000, v14;
	v16 =	vand.u32 $0x1, v18  }
0xbc: {  	v14 =	vmul.f32 v14, v5;
	v16 =	vadd.s32 v16, v17;
	v17 =	vshrl.u32 v19, $0x10  }
0xbd: {  	v16 =	vadd.s32 $0x7FFF, v16;
	v17 =	vand.u32 $0x1, v17;
	v13 =	vadd.f32 v21, v13  }
0xbe: {  	v14 =	vadd.f32 v14, v12;
	v12 =	vand.u32 $0xFFFF0000, v16;
	v16 =	vadd.s32 v17, v19  }
.Ltmp3:
0xbf: {  	v15 =	vadd.f32 v20, v15;
	v17 =	vmul.f32 v12, v6;
	v12 =	vadd.s32 $0x7FFF, v16;
	(pc) =	sbr.rel @p1 .LBB2_7-.Ltmp3, $4  }
0xc0: {  	v16 =	vand.u32 $0xFFFF0000, v12;
	v12 =	vmax.f32 v13, $0.0e+00  }
0xc1: {  	v13 =	vadd.f32 v17, v14;
	v16 =	vmul.f32 v16, v7;
	v14 =	vmax.f32 v15, $0.0e+00  }
0xc2: {  	v17 =	vshrl.u32 v12, $0x10;
	v15 =	vshrl.u32 v14, $0x10  }
0xc3: {  	v13 =	vadd.f32 v16, v13;
	v16 =	vand.u32 $0x1, v15;
	v15 =	vand.u32 $0x1, v17  }
0xc4: {  	v14 =	vadd.s32 v16, v14  }
0xc5: {  	v14 =	vadd.s32 $0x7FFF, v14  }
0xc6: {  	v12 =	vadd.s32 v15, v12;
	v14 =	vand.u32 $0xFFFF0000, v14  }
0xc7: {  	v12 =	vadd.s32 $0x7FFF, v12;
	v14 =	vmul.f32 v14, v8  }
0xc8: {  	s8 =	sshll.u32 s5, $0x9;
	s5 =	sadd.s32 $0x1, s5;
	v12 =	vand.u32 $0xFFFF0000, v12  }
0xc9: {  	p1 =	sne.s32 s5, $0x188;
	v12 =	vmul.f32 v12, v9;
	v13 =	vadd.f32 v14, v13  }
.Ltmp4:
0xca: {  	_ = 	snop;
	(pc) =	sbr.rel @p1 .LBB2_2-.Ltmp4, $4  }
0xcb: {  	s8 =	sadd.s32 s13, s8;
	v12 =	vadd.f32 v12, v13  }
0xcc: {  	s7 =	sshra.s32 s7, $0x2;
	s8 =	sshrl.u32 s8, $0x3  }
0xcd: {  	s22 =	sor.u32 $0x1D000, s22;
	p0 =	por !p0, !p0;
	s21 =	sadd.s32 s8, s14;
	[tilespmem:v11+s7+$0x0 ss:$0x1] =	vst.idx.msk $0xffff, v12  }
0xce: {  	[hbm4b:s21+s3] =	stream.linear.scatter [tilespmem:s22], [sflag:$0x3], $0x200, $0x38;
	[tilespmem:$0x1D490] =	vst v63  }
0xcf: {  	s0 =	sadd.s32 $0x1, s0  }
0xd0: {  	_ =	swait.ge [sflag:s31], $0x200;
	p0 =	sne.s32 s0, s15  }
.Ltmp5:
0xd1: {  	[sflag:s31] =	ssyncset.done $0x0;
	(pc) =	sbr.rel @p0 .LBB2_1-.Ltmp5, $4  }
0xd2: {  	[sflag:s31] =	ssyncadd.s32 $0xFFFFFE00  }
0xd3: {  	_ =	swait.ge [sflag:s31], $0x200  }
0xd4: {  	[sflag:s31] =	ssyncset.done $0x0  }
0xd5: {  	[sflag:s31] =	ssyncadd.s32 $0xFFFFFE00  }
0xd6: {  	_ =	sfence.sel $0x180000  }
0xd7: {  	[bflag:$0x0] =	sbarrier.arrive $0xFFFF  }
0xd8: {  	_ =	strace $0x9000004D  }
0xd9: {  	s0 =	stileid.u32;
	[bflag:$0x2] =	sbarrier.arrive $0xFFFF  }
0xda: {  	p0 =	sne.s32 s0, $0x0;
	s0 =	rddreg [dreg:$0x4]  }
0xdb: {  	s0 =	sadd.s32 @!p0 $0x100000, s0  }
0xdc: {  	[sflag:s0] =	ssyncadd.tile.s32 @!p0 $0x1;
	_ =	shalt  }
.Lfunc_end2:
_tile_overlayer_lowered:
.L_overlay_start_2:
0xdd: {  	(tag) =	ssettag $0x2  }
0xde: {  	s0 =	rddreg [dreg:$0x0];
	s2 =	stileid.u32  }
0xdf: {  	s1 =	rddreg [dreg:$0x1];
	p0 =	sne.s32 s2, $0x0  }
0xe0: {  	s3 =	rddreg [dreg:$0x2];
	[bflag:$0x3] =	sbarrier.arrive $0xFFFF;
	s2 =	simm.s32 @!p0 $0x1C04  }
0xe1: {  	[timem:s3], [sflag:s2] =	dma.local @!p0 [hbm:s0], s1  }
0xe2: {  	s0 =	simm.s32 @!p0 $0x4  }
0xe3: {  	_ =	swait.ge @!p0 [sflag:s0], s1  }
0xe4: {  	s1 =	ssub.s32 @!p0 $0x0, s1;
	[sflag:s0] =	ssyncset.done @!p0 $0x0  }
0xe5: {  	[sflag:s0] =	ssyncadd.s32 @!p0 s1  }
0xe6: {  	[bflag:$0x3] =	sbarrier.arrive $0xFFFF  }
0xe7: {  	_ =	shalt  }

// kernel: kernel.8.cloned.1.call-start
scs
__scs_entry_jumppad:
0x0: {  	(pc) =	sbr.rel $0x88, $3  }
0x1: {  	(tag) =	ssettag $0x0;
	lr =	simm.s32 $0x1  }
0x2: {  	[smem:$0x3F95] =	sst lr;
	_ =	strace $0xD0000000  }
0x3: {  	_ = 	snop  }
0x4: {  	_ = 	snop  }
0x5: {  	_ = 	snop  }
0x6: {  	_ = 	snop  }
0x7: {  	_ = 	snop  }
__scs_overlays_trampoline_lowered:
0x8: {  	[smem:$0x3FA4] =	sst s0  }
0x9: {  	[smem:$0x3FA5] =	sst s1  }
0xa: {  	[smem:$0x3FA6] =	sst s2  }
0xb: {  	[smem:$0x3FA7] =	sst s3  }
0xc: {  	[smem:$0x3FA8] =	sst s4  }
0xd: {  	[smem:$0x3FA9] =	sst s5  }
0xe: {  	[smem:$0x3FAA] =	sst s6  }
0xf: {  	[smem:$0x3FAB] =	sst s7  }
0x10: {  	[smem:$0x3FAC] =	sst s8  }
0x11: {  	[smem:$0x3FAD] =	sst s9;
	s0 =	simm.s32 @!p0 $0x0  }
0x12: {  	s1 =	sld [smem:$0x3F93];
	s0 =	simm.s32 @p0 $0x1  }
0x13: {  	[smem:$0x3FAE] =	sst s0;
	s0 =	simm.s32 @!p1 $0x0  }
0x14: {  	s2 =	sld [smem:$0x3F92];
	s0 =	simm.s32 @p1 $0x1  }
0x15: {  	[smem:$0x3FAF] =	sst s0;
	s0 =	simm.s32 @!p2 $0x0  }
0x16: {  	s3 =	sld [smem:$0x3FDB];
	s0 =	simm.s32 @p2 $0x1  }
0x17: {  	s4 =	simm.s32 $0x1BF5;
	[smem:$0x3FB1] =	sst s0  }
0x18: {  	s0 =	sld [smem:$0x3F94];
	_ =	swait.ge [sflag:s4], $0x0  }
0x19: {  	s7 =	sld [smem:$0x3F95]  }
0x1a: {  	s8 =	sadd.s32 $0xFFFFE003, lr  }
0x1b: {  	s9 =	sadd.s32 $0xFFFFFEF7, lr;
	s5 =	simm.s32 $0xFFFFFFFF;
	p2 =	slt.u32 s8, $0xFFFFF086  }
0x1c: {  	p1 =	slt.u32 s9, $0xF7A;
	s5 =	simm.s32 @!p2 $0x0  }
0x1d: {  	s5 =	simm.s32 @p1 $0x1;
	p0 =	seq.s32 s7, s2  }
0x1e: {  	s7 =	smul.u32 @!p0 $0xF7A, s2;
	p2 =	seq.s32 @!p0 s5, $0x0  }
0x1f: {  	s9 =	smul.u32 $0xF7A, s1;
	s8 =	simm.s32 @!p0 $0x1BF5;
	p2 =	por !p2, p0  }
0x20: {  	[sflag:s8] =	ssyncset.s32 @!p0 $0xFFFFF086;
	s6 =	sadd.s32 @!p0 s3, s7;
	s7 =	simm.s32 @!p0 $0x108  }
0x21: {  	s3 =	sadd.s32 s3, s9;
	s6 =	sadd.s32 @!p0 $0x88, s6;
	s7 =	simm.s32 @p2 $0x1082  }
0x22: {  	[simem:s7], [sflag:s8] =	dma.local @!p0 [hbm:s6], $0xF7A  }
0x23: {  	s9 =	sor.u32 $0xD0000000, s2;
	s6 =	simm.s32 $0x108;
	_ =	swait.ge @!p0 [sflag:s8], $0x0  }
0x24: {  	s3 =	sadd.s32 $0x88, s3;
	s6 =	simm.s32 @!p1 $0x1082;
	[sflag:s4] =	ssyncset.s32 $0xFFFFF086  }
0x25: {  	[simem:s6], [sflag:s4] =	dma.local [hbm:s3], $0xF7A  }
0x26: {  	[smem:$0x3F95] =	sst s1;
	(tag) =	ssettag s2;
	_ =	strace s9  }
0x27: {  	s1 =	sld [smem:$0x3FA5]  }
0x28: {  	s2 =	sld [smem:$0x3FA6]  }
0x29: {  	s4 =	sld [smem:$0x3FA8]  }
0x2a: {  	p0 =	seq.s32 s5, $0x0;
	s5 =	sld [smem:$0x3FA9]  }
0x2b: {  	s6 =	sld [smem:$0x3FAA]  }
0x2c: {  	s7 =	sld [smem:$0x3FAB]  }
0x2d: {  	s3 =	simm.s32 $0x108;
	s8 =	sld [smem:$0x3FAC]  }
0x2e: {  	s3 =	simm.s32 @!p0 $0x1082;
	s9 =	sld [smem:$0x3FAD]  }
0x2f: {  	lr =	sadd.s32 s0, s3;
	s0 =	sld [smem:$0x3FA4]  }
0x30: {  	s3 =	sld [smem:$0x3FA7]  }
0x31: {  	[smem:$0x3FB0] =	sst s10  }
0x32: {  	s10 =	sld [smem:$0x3FAE];
	_ =	sdelay $0x3  }
0x33: {  	p0 =	seq.s32 s10, $0x1;
	s10 =	sld [smem:$0x3FB0];
	_ =	sdelay $0x3  }
0x34: {  	[smem:$0x3FB0] =	sst s10  }
0x35: {  	s10 =	sld [smem:$0x3FAF];
	_ =	sdelay $0x3  }
0x36: {  	p1 =	seq.s32 s10, $0x1;
	s10 =	sld [smem:$0x3FB0];
	_ =	sdelay $0x3  }
0x37: {  	[smem:$0x3FB0] =	sst s10  }
0x38: {  	s10 =	sld [smem:$0x3FB1]  }
0x39: {  	_ = 	snop;
	(pc) =	sbr.ind lr, $3  }
0x3a: {  	_ = 	snop  }
0x3b: {  	_ = 	snop  }
0x3c: {  	p2 =	seq.s32 s10, $0x1;
	s10 =	sld [smem:$0x3FB0]  }
0x3d: {  	_ =	shalt  }
0x3e: {  	_ =	shalt  }
0x3f: {  	_ =	shalt  }
0x40: {  	_ =	shalt  }
0x41: {  	_ =	shalt  }
0x42: {  	_ =	shalt  }
0x43: {  	_ =	shalt  }
0x44: {  	_ =	shalt  }
0x45: {  	_ =	shalt  }
0x46: {  	_ =	shalt  }
0x47: {  	_ =	shalt  }
0x48: {  	_ =	shalt  }
0x49: {  	_ =	shalt  }
0x4a: {  	_ =	shalt  }
0x4b: {  	_ =	shalt  }
0x4c: {  	_ =	shalt  }
0x4d: {  	_ =	shalt  }
0x4e: {  	_ =	shalt  }
0x4f: {  	_ =	shalt  }
0x50: {  	_ =	shalt  }
0x51: {  	_ =	shalt  }
0x52: {  	_ =	shalt  }
0x53: {  	_ =	shalt  }
0x54: {  	_ =	shalt  }
0x55: {  	_ =	shalt  }
0x56: {  	_ =	shalt  }
0x57: {  	_ =	shalt  }
0x58: {  	_ =	shalt  }
0x59: {  	_ =	shalt  }
0x5a: {  	_ =	shalt  }
0x5b: {  	_ =	shalt  }
0x5c: {  	_ =	shalt  }
0x5d: {  	_ =	shalt  }
0x5e: {  	_ =	shalt  }
0x5f: {  	_ =	shalt  }
0x60: {  	_ =	shalt  }
0x61: {  	_ =	shalt  }
0x62: {  	_ =	shalt  }
0x63: {  	_ =	shalt  }
0x64: {  	_ =	shalt  }
0x65: {  	_ =	shalt  }
0x66: {  	_ =	shalt  }
0x67: {  	_ =	shalt  }
0x68: {  	_ =	shalt  }
0x69: {  	_ =	shalt  }
0x6a: {  	_ =	shalt  }
0x6b: {  	_ =	shalt  }
0x6c: {  	_ =	shalt  }
0x6d: {  	_ =	shalt  }
0x6e: {  	_ =	shalt  }
0x6f: {  	_ =	shalt  }
0x70: {  	_ =	shalt  }
0x71: {  	_ =	shalt  }
0x72: {  	_ =	shalt  }
0x73: {  	_ =	shalt  }
0x74: {  	_ =	shalt  }
0x75: {  	_ =	shalt  }
0x76: {  	_ =	shalt  }
0x77: {  	_ =	shalt  }
0x78: {  	_ =	shalt  }
0x79: {  	_ =	shalt  }
0x7a: {  	_ =	shalt  }
0x7b: {  	_ =	shalt  }
0x7c: {  	_ =	shalt  }
0x7d: {  	_ =	shalt  }
0x7e: {  	_ =	shalt  }
0x7f: {  	_ =	shalt  }
0x80: {  	_ =	shalt  }
0x81: {  	_ =	shalt  }
0x82: {  	_ =	shalt  }
0x83: {  	_ =	shalt  }
0x84: {  	_ =	shalt  }
0x85: {  	_ =	shalt  }
0x86: {  	_ =	shalt  }
0x87: {  	_ =	shalt  }
.Lfunc_end0:
.L_simem_size_0:
called_computation_lowered:
.L_overlay_start_0:
0x88: {  	s2 =	sld [smem:$0x3FD9]  }
0x89: {  	s3 =	sld [smem:$0x3FFE];
	_ =	sdelay $0x1  }
0x8a: {  	s1 =	srdreg.scid  }
0x8b: {  	s0 =	sand.u32 $0x1, s1  }
0x8c: {  	s17 =	sshll.u32 s0, $0xA;
	s2 =	sadd.s32 s3, s2  }
0x8d: {  	s2 =	sadd.s32 s2, s17  }
0x8e: {  	[smem:$0x3FBC] =	sst s2  }
0x8f: {  	_ = 	snop  }
0x90: {  	s2 =	sld [smem:$0x3FD0];
	(tm) =	ssettm $0x1  }
0x91: {  	s18 =	sld [smem:$0x3FFB];
	_ =	sdelay $0x3  }
0x92: {  	_ =	strace s18  }
0x93: {  	s3 =	sld [smem:$0x3FFC];
	_ =	sdelay $0x3  }
0x94: {  	_ =	strace s3  }
0x95: {  	s3 =	sld [smem:$0x3FFD];
	_ =	sdelay $0x3  }
0x96: {  	_ =	strace s3  }
0x97: {  	_ =	strace $0x8FFFFFFF  }
0x98: {  	s19 =	sld [smem:$0x3FDB];
	_ =	sdelay $0x1  }
0x99: {  	s4 =	simm.s32 $_scs_section_size  }
0x9a: {  	s5 =	simm.s32 $_size__tile_overlayer_lowered;
	s6 =	simm.s32 $_tile_overlayer_lowered  }
0x9b: {  	s22 =	simm.s32 $0x1BFF;
	s21 =	sshll.u32 s6, $0x1;
	s3 =	sadd.s32 s4, s19  }
0x9c: {  	s7 =	simm.s32 $0x0;
	s20 =	sshll.u32 s5, $0x1;
	s5 =	sadd.s32 s21, s3  }
0x9d: {  	[timem:s7], [sflag:s22] =	dma.local [hbm:s5], s20  }
0x9e: {  	_ =	swait.ge [sflag:s22], s20  }
0x9f: {  	s4 =	ssub.s32 $0x0, s20;
	[sflag:s22] =	ssyncset.done $0x0  }
0xa0: {  	[sflag:s22] =	ssyncadd.s32 s4;
	_ =	sdelay $0x1  }
0xa1: {  	s23 =	simm.s32 $0x1B8B  }
0xa2: {  	_ =	swait.ge [sflag:s23], $0x1  }
0xa3: {  	[sflag:s23] =	ssyncset.done $0x0  }
0xa4: {  	s25 =	simm.s32 $0x1B8E;
	s24 =	sld [smem:$0x3FFE];
	[sflag:s23] =	ssyncadd.s32 $0xFFFFFFFF  }
0xa5: {  	s26 =	simm.s32 $execute0_lowered;
	[smem:$0x3FD2] =	sst s25  }
0xa6: {  	s5 =	sshll.u32 s26, $0x1;
	_ =	strace $0x80000046;
	[dreg:$0x1] =	wrdreg $0xFFFFFFFF  }
0xa7: {  	s28 =	simm.s32 $_size_execute0_lowered;
	s3 =	sadd.s32 s3, s5;
	[dreg:$0x0] =	wrdreg $0x0  }
0xa8: {  	s5 =	sshll.u32 s28, $0x1;
	[dreg:$0x2] =	wrdreg s3  }
0xa9: {  	[dreg:$0x3] =	wrdreg s5  }
0xaa: {  	[dreg:$0x4] =	wrdreg $0xC0  }
0xab: {  	_ =	task [dreg:s7], $0x5FFFF  }
0xac: {  	[dreg:$0x1] =	wrdreg $0xFFFFFFFF  }
0xad: {  	[dreg:$0x0] =	wrdreg $0x60  }
0xae: {  	[dreg:$0x2] =	wrdreg s24  }
0xaf: {  	[dreg:$0x3] =	wrdreg s2  }
0xb0: {  	[dreg:$0x4] =	wrdreg $0x0  }
0xb1: {  	[dreg:$0x5] =	wrdreg $0x188000  }
0xb2: {  	[dreg:$0x6] =	wrdreg $0x9  }
0xb3: {  	_ =	task.clear_ibuf [dreg:s7], $0x7FFFF;
	_ =	strace $0x90000046  }
0xb4: {  	s29 =	simm.s32 $0x9;
	_ =	strace $0x80000048  }
0xb5: {  	_ =	swait.ge [sflag:s29], $0x1  }
0xb6: {  	[sflag:s29] =	ssyncadd.s32 $0xFFFFFFFF  }
0xb7: {  	_ =	strace $0x90000048  }
0xb8: {  	_ =	sfence  }
0xb9: {  	s30 =	sld [smem:$0x0];
	_ =	sdelay $0x2  }
0xba: {  	s31 =	sshll.u32 s1, $0xD;
	s1 =	sshrl.u32 s1, $0x2  }
0xbb: {  	s3 =	sand.u32 $0x4000, s31;
	s1 =	sadd.s32 s1, s30  }
0xbc: {  	s0 =	sor.u32 s3, s0;
	s1 =	sshll.u32 s1, $0x11  }
0xbd: {  	s0 =	sor.u32 s1, s0  }
0xbe: {  	s0 =	sadd.s32 $0x8F2B, s0  }
0xbf: {  	[sflag:s0] =	ssyncadd.remote.s32 $0x1  }
0xc0: {  	_ =	sfence.sel $0xFFFF  }
0xc1: {  	[dreg:$0x0] =	wrdreg $0xFFFFFFFF;
	(pc) =	sbr.abs _section_cstart, $3  }
0xc2: {  	[dreg:$0x1] =	wrdreg $0xFFFFFFFF  }
0xc3: {  	_ =	task.clear_ibuf [dreg:s7], $0x2FFFF;
	_ =	strace $0x9FFFFFFF  }
0xc4: {  	(tm) =	ssettm $0x7FFFFFFF  }
0xc5: {  	_ =	shalt  }
tec
execute0_lowered:
.L_overlay_start_1:
0x0: {  	(tag) =	ssettag $0x1  }
0x1: {  	s0 =	rddreg [dreg:$0x0]  }
0x2: {  	s1 =	rddreg [dreg:$0x1]  }
0x3: {  	s2 =	rddreg [dreg:$0x2]  }
0x4: {  	s3 =	rddreg [dreg:$0x3]  }
0x5: {  	s4 =	simm.s32 $0x0;
	s5 =	srdreg.scid;
	s14 =	stileid.u32  }
0x6: {  	s16 =	simm.s32 $0x4;
	s28 =	simm.s32 $0x1A600;
	s6 =	sadd.s32 $0x1EB600, s0  }
0x7: {  	s31 =	simm.s32 $0x3;
	s8 =	sadd.s32 $0x189600, s0;
	s12 =	smul.u32 $0x1880, s14  }
0x8: {  	s5 =	sand.u32 $0x1, s5;
	s9 =	sadd.s32 $0x24D600, s0;
	s20 =	smul.u32 $0x18800, s14  }
0x9: {  	s11 =	sshll.u32 s14, $0x1;
	s21 =	sshll.u32 s14, $0x6;
	s14 =	smul.u32 $0x6200, s14  }
0xa: {  	[smem:$0x7FF] =	sst s4;
	s18 =	sadd.s32 $0x250800, s0;
	s7 =	smul.u32 $0x31000, s5  }
0xb: {  	_ =	strace $0x80000047;
	s10 =	smul.u32 $0x3100, s5;
	[dreg:$0x7] =	wrdreg s9  }
0xc: {  	[dreg:$0x8] =	wrdreg s18;
	s19 =	ssub.s32 $0x2, s5;
	s5 =	sor.u32 s5, s11  }
0xd: {  	s9 =	sor.u32 $0x1C04, s21;
	s18 =	simm.s32 $0x1A480;
	s13 =	sshrl.u32 s19, $0x1  }
0xe: {  	s5 =	smul.u32 $0x3100, s5;
	s15 =	sadd.s32 s20, s2;
	s22 =	sadd.s32 s12, s3  }
0xf: {  	s11 =	sshrl.u32 s20, $0x3;
	s12 =	sshrl.u32 s12, $0x3;
	s25 =	sadd.s32 s14, s8  }
0x10: {  	s14 =	sadd.s32 s14, s6;
	s7 =	sadd.s32 s7, s0;
	[dreg:$0x9] =	wrdreg s15  }
0x11: {  	s0 =	sadd.s32 s10, s0;
	[dreg:$0xa] =	wrdreg s22;
	s23 =	sadd.s32 s6, s5  }
0x12: {  	s13 =	ssub.s32 s19, s13;
	s24 =	sadd.s32 s8, s5;
	[dreg:$0xb] =	wrdreg s23  }
0x13: {  	s13 =	smax.u32 s13, $0x1;
	s5 =	sor.u32 $0x40, s5;
	[dreg:$0xc] =	wrdreg s24  }
0x14: {  	s19 =	simm.s32 $0x80;
	[dreg:$0xd] =	wrdreg s13;
	s6 =	sadd.s32 s6, s5  }
0x15: {  	s7 =	sadd.s32 $0x256E00, s7;
	s5 =	sadd.s32 s8, s5;
	[dreg:$0xe] =	wrdreg s6  }
0x16: {  	s0 =	sadd.s32 $0x250C00, s0;
	s30 =	sadd.s32 s11, s7;
	[dreg:$0xf] =	wrdreg s5  }
0x17: {  	s13 =	sadd.s32 s10, s25;
	s0 =	sadd.s32 s12, s0;
	[dreg:$0x10] =	wrdreg s30  }
0x18: {  	s10 =	sadd.s32 s10, s14;
	s26 =	sadd.s32 $0x80, s13;
	[dreg:$0x11] =	wrdreg s0  }
0x19: {  	s29 =	sadd.s32 $0x80, s10;
	s0 =	simm.s32 $0x2;
	[dreg:$0x6] =	wrdreg s26  }
0x1a: {  	v0 =	vimm.f32 $1.000000000e+00;
	s5 =	simm.s32 $0x1E880;
	s6 =	simm.s32 $0x0;
	[dreg:$0x5] =	wrdreg s29  }
.LBB2_1:
0x1b: {  	s7 =	rddreg [dreg:$0x9]  }
0x1c: {  	s8 =	rddreg [dreg:$0x7];
	s7 =	sshrl.u32 s7, $0x3  }
0x1d: {  	[spmem:s7], [sflag:s9] =	dma.local [hbm:s8], $0x3100  }
0x1e: {  	_ =	swait.ge [sflag:s16], $0x3100  }
0x1f: {  	[sflag:s16] =	ssyncset.done $0x0;
	s15 =	rddreg [dreg:$0xa]  }
0x20: {  	s10 =	rddreg [dreg:$0x8];
	[sflag:s16] =	ssyncadd.s32 $0xFFFFCF00;
	s8 =	sshrl.u32 s15, $0x3  }
0x21: {  	[spmem:s8], [sflag:s9] =	dma.local [hbm:s10], $0x310  }
0x22: {  	_ =	swait.ge [sflag:s16], $0x310  }
0x23: {  	[sflag:s16] =	ssyncset.done $0x0  }
0x24: {  	[sflag:s16] =	ssyncadd.s32 $0xFFFFFCF0  }
0x25: {  	[tilespmem:$0x1E880] =	vst v0  }
0x26: {  	[tilespmem:$0x1E890] =	vst v0  }
0x27: {  	[tilespmem:$0x1E8A0] =	vst v0  }
0x28: {  	[tilespmem:$0x1E8B0] =	vst v0  }
0x29: {  	[tilespmem:$0x1E8C0] =	vst v0  }
0x2a: {  	[tilespmem:$0x1E8D0] =	vst v0  }
0x2b: {  	[tilespmem:$0x1E8E0] =	vst v0  }
0x2c: {  	[tilespmem:$0x1E8F0] =	vst v0  }
0x2d: {  	[bflag:$0x0] =	sbarrier.arrive $0xFFFF  }
0x2e: {  	s11 =	simm.s32 $0x1A080;
	s17 =	rddreg [dreg:$0xb]  }
0x2f: {  	[tilespmem:s11], [sflag:$0x1] =	stream.linear.gather [hbm4b:s17+s4], $0x200, $0x38;
	[tilespmem:$0x1EA80] =	vst v63  }
0x30: {  	s10 =	simm.s32 $0x1;
	s20 =	rddreg [dreg:$0xc]  }
0x31: {  	[tilespmem:s18], [sflag:$0x1] =	stream.linear.gather [hbm4b:s20+s4], $0x200, $0x38;
	[tilespmem:$0x1EA80] =	vst v63  }
0x32: {  	_ =	swait.ge [sflag:s10], $0x400  }
0x33: {  	[sflag:s10] =	ssyncset.done $0x0  }
0x34: {  	s12 =	simm.s32 $0x1A880;
	[sflag:s10] =	ssyncadd.s32 $0xFFFFFC00  }
0x35: {  	[tilespmem:s12], [sflag:$0x2] =	stream.indirect.gather [hbm4b:s1+s19], $0x10, s11, s19, $0xb8;
	[tilespmem:$0x1EA80] =	vst v63  }
0x36: {  	s21 =	simm.s32 $0x1A100;
	s13 =	simm.s32 $0x1B080  }
0x37: {  	[tilespmem:s13], [sflag:$0x2] =	stream.indirect.gather [hbm4b:s1+s19], $0x10, s21, s19, $0xb8;
	[tilespmem:$0x1EA80] =	vst v63  }
0x38: {  	s22 =	simm.s32 $0x1A180;
	s14 =	simm.s32 $0x1B880  }
0x39: {  	[tilespmem:s14], [sflag:$0x2] =	stream.indirect.gather [hbm4b:s1+s19], $0x10, s22, s19, $0xb8;
	[tilespmem:$0x1EA80] =	vst v63  }
0x3a: {  	s23 =	simm.s32 $0x1A200;
	s15 =	simm.s32 $0x1C080  }
0x3b: {  	[tilespmem:s15], [sflag:$0x2] =	stream.indirect.gather [hbm4b:s1+s19], $0x10, s23, s19, $0xb8;
	[tilespmem:$0x1EA80] =	vst v63  }
0x3c: {  	s17 =	simm.s32 $0x1A280;
	s24 =	rddreg [dreg:$0xe]  }
0x3d: {  	[tilespmem:s17], [sflag:$0x1] =	stream.linear.gather [hbm4b:s24+s4], $0x200, $0x38;
	[tilespmem:$0x1EA80] =	vst v63  }
0x3e: {  	s20 =	simm.s32 $0x1A680;
	s25 =	rddreg [dreg:$0xf]  }
0x3f: {  	[tilespmem:s20], [sflag:$0x1] =	stream.linear.gather [hbm4b:s25+s4], $0x200, $0x38;
	[tilespmem:$0x1EA80] =	vst v63  }
0x40: {  	_ =	swait.ge [sflag:s0], $0x2000  }
0x41: {  	[sflag:s0] =	ssyncset.done $0x0  }
0x42: {  	[sflag:s0] =	ssyncadd.s32 $0xFFFFE000  }
0x43: {  	[spmem:s2] =	stream.indirect.scatter.add.f32 [tilespmem:s12], [sflag:$0x3], $0x10, s18, s19, $0xb8;
	[tilespmem:$0x1EA80] =	vst v63  }
0x44: {  	_ = 	snop  }
0x45: {  	[spmem:s3] =	stream.indirect.scatter.add.f32 [tilespmem:s5], [sflag:$0x3], $0x1, s18, s19, $0xb8;
	[tilespmem:$0x1EA80] =	vst v63  }
0x46: {  	s26 =	simm.s32 $0x1A500  }
0x47: {  	[spmem:s2] =	stream.indirect.scatter.add.f32 [tilespmem:s13], [sflag:$0x3], $0x10, s26, s19, $0xb8;
	[tilespmem:$0x1EA80] =	vst v63  }
0x48: {  	_ = 	snop  }
0x49: {  	[spmem:s3] =	stream.indirect.scatter.add.f32 [tilespmem:s5], [sflag:$0x3], $0x1, s26, s19, $0xb8;
	[tilespmem:$0x1EA80] =	vst v63  }
0x4a: {  	s29 =	simm.s32 $0x1A580  }
0x4b: {  	[spmem:s2] =	stream.indirect.scatter.add.f32 [tilespmem:s14], [sflag:$0x3], $0x10, s29, s19, $0xb8;
	[tilespmem:$0x1EA80] =	vst v63  }
0x4c: {  	_ = 	snop  }
0x4d: {  	[spmem:s3] =	stream.indirect.scatter.add.f32 [tilespmem:s5], [sflag:$0x3], $0x1, s29, s19, $0xb8;
	[tilespmem:$0x1EA80] =	vst v63  }
0x4e: {  	_ = 	snop  }
0x4f: {  	[spmem:s2] =	stream.indirect.scatter.add.f32 [tilespmem:s15], [sflag:$0x3], $0x10, s28, s19, $0xb8;
	[tilespmem:$0x1EA80] =	vst v63  }
0x50: {  	_ = 	snop  }
0x51: {  	[spmem:s3] =	stream.indirect.scatter.add.f32 [tilespmem:s5], [sflag:$0x3], $0x1, s28, s19, $0xb8;
	[tilespmem:$0x1EA80] =	vst v63  }
0x52: {  	_ =	swait.ge [sflag:s10], $0x400  }
0x53: {  	[sflag:s10] =	ssyncset.done $0x0  }
0x54: {  	s30 =	simm.s32 $0x1C880;
	[sflag:s10] =	ssyncadd.s32 $0xFFFFFC00  }
0x55: {  	[tilespmem:s30], [sflag:$0x2] =	stream.indirect.gather [hbm4b:s1+s19], $0x10, s17, s19, $0xb8;
	[tilespmem:$0x1EA80] =	vst v63  }
0x56: {  	s12 =	simm.s32 $0x1A300;
	s13 =	simm.s32 $0x1D080  }
0x57: {  	[tilespmem:s13], [sflag:$0x2] =	stream.indirect.gather [hbm4b:s1+s19], $0x10, s12, s19, $0xb8;
	[tilespmem:$0x1EA80] =	vst v63  }
0x58: {  	s14 =	simm.s32 $0x1A380;
	s15 =	simm.s32 $0x1D880  }
0x59: {  	[tilespmem:s15], [sflag:$0x2] =	stream.indirect.gather [hbm4b:s1+s19], $0x10, s14, s19, $0xb8;
	[tilespmem:$0x1EA80] =	vst v63  }
0x5a: {  	s20 =	simm.s32 $0x1E080;
	s17 =	simm.s32 $0x1A400  }
0x5b: {  	[tilespmem:s20], [sflag:$0x2] =	stream.indirect.gather [hbm4b:s1+s19], $0x10, s17, s19, $0xb8;
	[tilespmem:$0x1EA80] =	vst v63  }
0x5c: {  	s21 =	sand.u32 $0x1, s10;
	_ =	swait.ge [sflag:s31], $0x2000  }
0x5d: {  	p0 =	por $0x0, $0x0;
	s13 =	sxor.u32 $0x1, s21;
	[sflag:s31] =	ssyncset.done $0x0  }
0x5e: {  	s14 =	sshll.u32 @!p0 s13, $0x9;
	[sflag:s31] =	ssyncadd.s32 $0xFFFFE000  }
0x5f: {  	s17 =	sor.u32 @!p0 $0x1A080, s14;
	_ =	swait.ge [sflag:s31], $0x200  }
0x60: {  	s20 =	simm.s32 @!p0 $0x0;
	s12 =	rddreg [dreg:$0x5];
	[sflag:s31] =	ssyncset.done $0x0  }
0x61: {  	s15 =	rddreg [dreg:$0x6];
	[sflag:s31] =	ssyncadd.s32 $0xFFFFFE00;
	s12 =	sadd.s32 @!p0 $0x0, s12  }
0x62: {  	[tilespmem:s17], [sflag:$0x1] =	stream.linear.gather @!p0 [hbm4b:s12+s20], $0x200, $0x38;
	[tilespmem:$0x1EA80] =	vst v63  }
0x63: {  	s15 =	sadd.s32 @!p0 $0x0, s15;
	s12 =	sor.u32 @!p0 $0x1A480, s14  }
0x64: {  	[tilespmem:s12], [sflag:$0x1] =	stream.linear.gather @!p0 [hbm4b:s15+s20], $0x200, $0x38;
	[tilespmem:$0x1EA80] =	vst v63  }
0x65: {  	_ =	swait.ge [sflag:s0], $0x2000  }
0x66: {  	s11 =	sshll.u32 s21, $0xD;
	s22 =	sshll.u32 s21, $0x9;
	[sflag:s0] =	ssyncset.done $0x0  }
0x67: {  	s23 =	sadd.s32 $0x1A880, s11;
	s24 =	sor.u32 $0x1A480, s22;
	[sflag:s0] =	ssyncadd.s32 $0xFFFFE000  }
0x68: {  	[spmem:s2] =	stream.indirect.scatter.add.f32 [tilespmem:s23], [sflag:$0x3], $0x10, s24, s19, $0xb8;
	[tilespmem:$0x1EA80] =	vst v63  }
0x69: {  	_ = 	snop  }
0x6a: {  	[spmem:s3] =	stream.indirect.scatter.add.f32 [tilespmem:s5], [sflag:$0x3], $0x1, s24, s19, $0xb8;
	[tilespmem:$0x1EA80] =	vst v63  }
0x6b: {  	s25 =	sadd.s32 $0x1B080, s11;
	s26 =	sor.u32 $0x1A500, s22  }
0x6c: {  	[spmem:s2] =	stream.indirect.scatter.add.f32 [tilespmem:s25], [sflag:$0x3], $0x10, s26, s19, $0xb8;
	[tilespmem:$0x1EA80] =	vst v63  }
0x6d: {  	_ = 	snop  }
0x6e: {  	[spmem:s3] =	stream.indirect.scatter.add.f32 [tilespmem:s5], [sflag:$0x3], $0x1, s26, s19, $0xb8;
	[tilespmem:$0x1EA80] =	vst v63  }
0x6f: {  	s29 =	sadd.s32 $0x1B880, s11;
	s30 =	sor.u32 $0x1A580, s22  }
0x70: {  	[spmem:s2] =	stream.indirect.scatter.add.f32 [tilespmem:s29], [sflag:$0x3], $0x10, s30, s19, $0xb8;
	[tilespmem:$0x1EA80] =	vst v63  }
0x71: {  	_ = 	snop  }
0x72: {  	[spmem:s3] =	stream.indirect.scatter.add.f32 [tilespmem:s5], [sflag:$0x3], $0x1, s30, s19, $0xb8;
	[tilespmem:$0x1EA80] =	vst v63  }
0x73: {  	s11 =	sor.u32 $0x1C080, s11;
	s12 =	sadd.s32 $0x1A600, s22  }
0x74: {  	[spmem:s2] =	stream.indirect.scatter.add.f32 [tilespmem:s11], [sflag:$0x3], $0x10, s12, s19, $0xb8;
	[tilespmem:$0x1EA80] =	vst v63  }
0x75: {  	s11 =	simm.s32 @!p0 $0x1  }
0x76: {  	[spmem:s3] =	stream.indirect.scatter.add.f32 [tilespmem:s5], [sflag:$0x3], $0x1, s12, s19, $0xb8;
	[tilespmem:$0x1EA80] =	vst v63  }
0x77: {  	_ =	swait.ge @!p0 [sflag:s11], $0x400  }
0x78: {  	s12 =	sshll.u32 @!p0 s13, $0xD;
	[sflag:s11] =	ssyncset.done @!p0 $0x0  }
0x79: {  	s15 =	simm.s32 @!p0 $0x80;
	s13 =	sadd.s32 @!p0 $0x1A880, s12;
	[sflag:s11] =	ssyncadd.s32 @!p0 $0xFFFFFC00  }
0x7a: {  	[tilespmem:s13], [sflag:$0x2] =	stream.indirect.gather @!p0 [hbm4b:s1+s15], $0x10, s17, s15, $0xb8;
	[tilespmem:$0x1EA80] =	vst v63  }
0x7b: {  	s11 =	sor.u32 @!p0 $0x1A100, s14;
	s13 =	sadd.s32 @!p0 $0x1B080, s12  }
0x7c: {  	[tilespmem:s13], [sflag:$0x2] =	stream.indirect.gather @!p0 [hbm4b:s1+s15], $0x10, s11, s15, $0xb8;
	[tilespmem:$0x1EA80] =	vst v63  }
0x7d: {  	s11 =	sadd.s32 @!p0 $0x1B880, s12;
	s13 =	sor.u32 @!p0 $0x1A180, s14  }
0x7e: {  	[tilespmem:s11], [sflag:$0x2] =	stream.indirect.gather @!p0 [hbm4b:s1+s15], $0x10, s13, s15, $0xb8;
	[tilespmem:$0x1EA80] =	vst v63  }
0x7f: {  	s14 =	sadd.s32 @!p0 $0x1A200, s14;
	s11 =	simm.s32 $0x40;
	s13 =	sor.u32 @!p0 $0x1C080, s12  }
.LBB2_2:
0x80: {  	[tilespmem:s13], [sflag:$0x2] =	stream.indirect.gather @!p0 [hbm4b:s1+s15], $0x10, s14, s15, $0xb8;
	[tilespmem:$0x1EA80] =	vst v63  }
0x81: {  	s10 =	sadd.s32 $0x1, s10;
	_ =	swait.ge [sflag:s31], $0x2000  }
0x82: {  	s17 =	smov.u32 s11;
	s24 =	sand.u32 $0x1, s10;
	[sflag:s31] =	ssyncset.done $0x0  }
0x83: {  	p0 =	seq.s32 s17, $0x3080;
	s15 =	sxor.u32 $0x1, s24;
	[sflag:s31] =	ssyncadd.s32 $0xFFFFE000  }
0x84: {  	s22 =	simm.s32 @!p0 $0x0;
	s23 =	sshll.u32 @!p0 s15, $0x9;
	_ =	swait.ge [sflag:s31], $0x200  }
0x85: {  	s12 =	sor.u32 @!p0 $0x1A080, s23;
	s14 =	rddreg [dreg:$0x5];
	[sflag:s31] =	ssyncset.done $0x0  }
0x86: {  	s26 =	rddreg [dreg:$0x6];
	[sflag:s31] =	ssyncadd.s32 $0xFFFFFE00;
	s14 =	sadd.s32 @!p0 s17, s14  }
0x87: {  	[tilespmem:s12], [sflag:$0x1] =	stream.linear.gather @!p0 [hbm4b:s14+s22], $0x200, $0x38;
	[tilespmem:$0x1EA80] =	vst v63  }
0x88: {  	s29 =	sor.u32 @!p0 $0x1A480, s23;
	s13 =	sadd.s32 @!p0 s17, s26  }
0x89: {  	[tilespmem:s29], [sflag:$0x1] =	stream.linear.gather @!p0 [hbm4b:s13+s22], $0x200, $0x38;
	[tilespmem:$0x1EA80] =	vst v63  }
0x8a: {  	s20 =	sshll.u32 s24, $0x9;
	s24 =	sshll.u32 s24, $0xD;
	_ =	swait.ge [sflag:s0], $0x2000  }
0x8b: {  	s25 =	sadd.s32 $0x1A880, s24;
	[sflag:s0] =	ssyncset.done $0x0  }
0x8c: {  	s14 =	sshll.u32 @!p0 s15, $0xD;
	s15 =	sor.u32 $0x1A480, s20;
	[sflag:s0] =	ssyncadd.s32 $0xFFFFE000  }
0x8d: {  	[spmem:s2] =	stream.indirect.scatter.add.f32 [tilespmem:s25], [sflag:$0x3], $0x10, s15, s19, $0xb8;
	[tilespmem:$0x1EA80] =	vst v63  }
0x8e: {  	s21 =	sadd.s32 $0x1B080, s24;
	s30 =	sor.u32 @!p0 $0x1A180, s23  }
0x8f: {  	[spmem:s3] =	stream.indirect.scatter.add.f32 [tilespmem:s5], [sflag:$0x3], $0x1, s15, s19, $0xb8;
	[tilespmem:$0x1EA80] =	vst v63  }
0x90: {  	s17 =	sor.u32 @!p0 $0x1A100, s23;
	s26 =	sadd.s32 @!p0 $0x1B080, s14;
	s25 =	sor.u32 $0x1A500, s20  }
0x91: {  	[spmem:s2] =	stream.indirect.scatter.add.f32 [tilespmem:s21], [sflag:$0x3], $0x10, s25, s19, $0xb8;
	[tilespmem:$0x1EA80] =	vst v63  }
0x92: {  	s22 =	sadd.s32 @!p0 $0x1A880, s14;
	s29 =	sadd.s32 @!p0 $0x1B880, s14;
	s13 =	sor.u32 @!p0 $0x1C080, s14  }
0x93: {  	[spmem:s3] =	stream.indirect.scatter.add.f32 [tilespmem:s5], [sflag:$0x3], $0x1, s25, s19, $0xb8;
	[tilespmem:$0x1EA80] =	vst v63  }
0x94: {  	s14 =	sadd.s32 @!p0 $0x1A200, s23;
	s23 =	sor.u32 $0x1A580, s20;
	s21 =	sadd.s32 $0x1B880, s24  }
0x95: {  	[spmem:s2] =	stream.indirect.scatter.add.f32 [tilespmem:s21], [sflag:$0x3], $0x10, s23, s19, $0xb8;
	[tilespmem:$0x1EA80] =	vst v63  }
0x96: {  	_ = 	snop  }
0x97: {  	[spmem:s3] =	stream.indirect.scatter.add.f32 [tilespmem:s5], [sflag:$0x3], $0x1, s23, s19, $0xb8;
	[tilespmem:$0x1EA80] =	vst v63  }
0x98: {  	s20 =	sadd.s32 $0x1A600, s20;
	s25 =	sor.u32 $0x1C080, s24  }
0x99: {  	[spmem:s2] =	stream.indirect.scatter.add.f32 [tilespmem:s25], [sflag:$0x3], $0x10, s20, s19, $0xb8;
	[tilespmem:$0x1EA80] =	vst v63  }
0x9a: {  	s21 =	simm.s32 @!p0 $0x1  }
0x9b: {  	[spmem:s3] =	stream.indirect.scatter.add.f32 [tilespmem:s5], [sflag:$0x3], $0x1, s20, s19, $0xb8;
	[tilespmem:$0x1EA80] =	vst v63  }
0x9c: {  	_ =	swait.ge @!p0 [sflag:s21], $0x400  }
0x9d: {  	s11 =	sadd.s32 $0x40, s11;
	[sflag:s21] =	ssyncset.done @!p0 $0x0  }
0x9e: {  	p1 =	sne.s32 s11, $0x30C0;
	s15 =	simm.s32 @!p0 $0x80;
	[sflag:s21] =	ssyncadd.s32 @!p0 $0xFFFFFC00  }
0x9f: {  	[tilespmem:s22], [sflag:$0x2] =	stream.indirect.gather @!p0 [hbm4b:s1+s15], $0x10, s12, s15, $0xb8;
	[tilespmem:$0x1EA80] =	vst v63  }
.Ltmp0:
0xa0: {  	_ = 	snop;
	(pc) =	sbr.rel @p1 .LBB2_2-.Ltmp0, $4  }
0xa1: {  	_ = 	snop  }
0xa2: {  	[tilespmem:s26], [sflag:$0x2] =	stream.indirect.gather @!p0 [hbm4b:s1+s15], $0x10, s17, s15, $0xb8;
	[tilespmem:$0x1EA80] =	vst v63  }
0xa3: {  	_ = 	snop  }
0xa4: {  	[tilespmem:s29], [sflag:$0x2] =	stream.indirect.gather @!p0 [hbm4b:s1+s15], $0x10, s30, s15, $0xb8;
	[tilespmem:$0x1EA80] =	vst v63  }
0xa5: {  	[tilespmem:s13], [sflag:$0x2] =	stream.indirect.gather @!p0 [hbm4b:s1+s15], $0x10, s14, s15, $0xb8;
	[tilespmem:$0x1EA80] =	vst v63  }
0xa6: {  	_ =	swait.ge [sflag:s31], $0x2000  }
0xa7: {  	[sflag:s31] =	ssyncset.done $0x0  }
0xa8: {  	[sflag:s31] =	ssyncadd.s32 $0xFFFFE000  }
0xa9: {  	_ =	swait.ge [sflag:s31], $0x200  }
0xaa: {  	[sflag:s31] =	ssyncset.done $0x0  }
0xab: {  	[sflag:s31] =	ssyncadd.s32 $0xFFFFFE00  }
0xac: {  	[bflag:$0x0] =	sbarrier.arrive $0xFFFF  }
0xad: {  	s10 =	rddreg [dreg:$0x10]  }
0xae: {  	[hbm:s10], [sflag:s9] =	dma.local [spmem:s7], $0x3100  }
0xaf: {  	_ =	swait.ge [sflag:s16], $0x3100  }
0xb0: {  	[sflag:s16] =	ssyncset.done $0x0  }
0xb1: {  	s29 =	rddreg [dreg:$0x11];
	[sflag:s16] =	ssyncadd.s32 $0xFFFFCF00  }
0xb2: {  	[hbm:s29], [sflag:s9] =	dma.local [spmem:s8], $0x310  }
0xb3: {  	_ =	swait.ge [sflag:s16], $0x310  }
0xb4: {  	s6 =	sadd.s32 $0x1, s6;
	s30 =	rddreg [dreg:$0xd]  }
0xb5: {  	p0 =	sne.s32 s6, s30  }
.Ltmp1:
0xb6: {  	_ = 	snop;
	(pc) =	sbr.rel @p0 .LBB2_1-.Ltmp1, $3  }
0xb7: {  	_ =	sdelay $0x1  }
0xb8: {  	[sflag:s16] =	ssyncset.done $0x0  }
0xb9: {  	[sflag:s16] =	ssyncadd.s32 $0xFFFFFCF0  }
0xba: {  	_ =	sfence.sel $0x180000  }
0xbb: {  	[bflag:$0x0] =	sbarrier.arrive $0xFFFF  }
0xbc: {  	_ =	strace $0x90000047  }
0xbd: {  	s0 =	stileid.u32;
	[bflag:$0x2] =	sbarrier.arrive $0xFFFF  }
0xbe: {  	p0 =	sne.s32 s0, $0x0;
	s0 =	rddreg [dreg:$0x4]  }
0xbf: {  	s0 =	sadd.s32 @!p0 $0x100000, s0  }
0xc0: {  	[sflag:s0] =	ssyncadd.tile.s32 @!p0 $0x1;
	_ =	shalt  }
.Lfunc_end2:
_tile_overlayer_lowered:
.L_overlay_start_2:
0xc1: {  	(tag) =	ssettag $0x2  }
0xc2: {  	s0 =	rddreg [dreg:$0x0];
	s2 =	stileid.u32  }
0xc3: {  	s1 =	rddreg [dreg:$0x1];
	p0 =	sne.s32 s2, $0x0  }
0xc4: {  	s3 =	rddreg [dreg:$0x2];
	[bflag:$0x3] =	sbarrier.arrive $0xFFFF;
	s2 =	simm.s32 @!p0 $0x1C04  }
0xc5: {  	[timem:s3], [sflag:s2] =	dma.local @!p0 [hbm:s0], s1  }
0xc6: {  	s0 =	simm.s32 @!p0 $0x4  }
0xc7: {  	_ =	swait.ge @!p0 [sflag:s0], s1  }
0xc8: {  	s1 =	ssub.s32 @!p0 $0x0, s1;
	[sflag:s0] =	ssyncset.done @!p0 $0x0  }
0xc9: {  	[sflag:s0] =	ssyncadd.s32 @!p0 s1  }
0xca: {  	[bflag:$0x3] =	sbarrier.arrive $0xFFFF  }
0xcb: {  	_ =	shalt  }

</sc_bundles>
